<compile_context>
chip_gen: v7x
topology: tpu7x:2x2x1
jax: 0.10.2.dev20260603
libtpu: 0.0.44.dev20260713+nightly
codegen_flags: <defaults>
</compile_context>

<pallas_src>
import functools

import numpy as np
import jax
import jax.numpy as jnp
from jax import lax
from jax.experimental import pallas as pl
from jax.experimental.pallas import tpu as pltpu
from jax.experimental.pallas import tpu_sc as plsc

_SR_MAX_TAU = 40
_LAGS = 2 * _SR_MAX_TAU + 1
_T = 4096
_KF = _T // 2 + 1
_KPAD = 17 * 128
_LPAD = 128
_NW = 32
_L = 16
_QB = 8


def _idft_consts():
    k = np.arange(_KF)
    t = (np.arange(_LAGS) - _SR_MAX_TAU) % _T
    theta = 2.0 * np.pi * ((k[:, None] * t[None, :]) % _T) / _T
    w = np.full((_KF, 1), 2.0)
    w[0, 0] = 1.0
    w[-1, 0] = 1.0
    c = (w * np.cos(theta)) / _T
    s = (-w * np.sin(theta)) / _T
    cp = np.zeros((_KPAD, _LPAD), np.float32)
    sp = np.zeros((_KPAD, _LPAD), np.float32)
    cp[:_KF, :_LAGS] = c
    sp[:_KF, :_LAGS] = s
    return cp, sp


def _pairs(x, m):
    a = jnp.concatenate(
        [jnp.broadcast_to(x[k:k + 1], (m - 1 - k, x.shape[1]))
         for k in range(m - 1)], axis=0)
    b = jnp.concatenate([x[k + 1:m] for k in range(m - 1)], axis=0)
    return a, b


def _whiten_idft_body(xr_ref, xi_ref, c_ref, s_ref, out_ref):
    m = xr_ref.shape[1]
    prs, pis = [], []
    for q in range(_QB):
        xr = xr_ref[q]
        xi = xi_ref[q]
        ar, br = _pairs(xr, m)
        ai, bi = _pairs(xi, m)
        gr = ar * br + ai * bi
        gi = ai * br - ar * bi
        inv = 1.0 / (jnp.sqrt(gr * gr + gi * gi) + 1e-12)
        prs.append(gr * inv)
        pis.append(gi * inv)
    pr = jnp.concatenate(prs, axis=0)
    pi = jnp.concatenate(pis, axis=0)
    out_ref[:, :] = (
        jnp.dot(pr, c_ref[:, :], precision=lax.Precision.HIGHEST,
                preferred_element_type=jnp.float32)
        + jnp.dot(pi, s_ref[:, :], precision=lax.Precision.HIGHEST,
                  preferred_element_type=jnp.float32)
    )


def _whiten_idft(xr, xi, cmat, smat):
    b_sz, m_sz, _ = xr.shape
    p_sz = m_sz * (m_sz - 1) // 2
    rows_blk = _QB * p_sz
    spec_x = pl.BlockSpec((_QB, m_sz, _KPAD), lambda i: (i, 0, 0))
    spec_c = pl.BlockSpec((_KPAD, _LPAD), lambda i: (0, 0))
    return pl.pallas_call(
        _whiten_idft_body,
        grid=(b_sz // _QB,),
        in_specs=[spec_x, spec_x, spec_c, spec_c],
        out_specs=pl.BlockSpec((rows_blk, _LPAD), lambda i: (i, 0)),
        out_shape=jax.ShapeDtypeStruct((b_sz * p_sz, _LPAD), jnp.float32),
    )(xr, xi, cmat, smat)


def _make_sc_search(n_grid, n_pairs, batch, table_cols):
    npw_raw = -(-n_grid // _NW)
    npw = -(-npw_raw // _L) * _L
    chunks = npw // _L
    n_pad = npw * _NW
    mesh = plsc.VectorSubcoreMesh(core_axis_name="c", subcore_axis_name="s")

    @functools.partial(
        pl.kernel,
        mesh=mesh,
        compiler_params=pltpu.CompilerParams(needs_layout_passes=False),
        out_type=(
            jax.ShapeDtypeStruct((_NW, batch, _L), jnp.float32),
            jax.ShapeDtypeStruct((_NW, batch, _L), jnp.int32),
        ),
        scratch_types=[
            pltpu.VMEM((batch * table_cols,), jnp.float32),
            pltpu.VMEM((npw * n_pairs,), jnp.int32),
            pltpu.VMEM((batch, _L), jnp.float32),
            pltpu.VMEM((batch, _L), jnp.int32),
        ],
    )
    def sc_search(table_hbm, tau_hbm, omax_hbm, oidx_hbm,
                  table_v, tau_v, rmax_v, ridx_v):
        wid = lax.axis_index("s") * 2 + lax.axis_index("c")
        base = lax.min(wid * npw, n_grid - npw)
        pltpu.sync_copy(table_hbm, table_v)
        pltpu.sync_copy(tau_hbm.at[pl.ds(base * n_pairs, npw * n_pairs)],
                        tau_v)
        for b in range(batch):
            rmax_v[b, :] = jnp.full((_L,), -jnp.inf, jnp.float32)
            ridx_v[b, :] = jnp.zeros((_L,), jnp.int32)
        lane28 = lax.iota(jnp.int32, _L) * n_pairs

        def chunk_body(c, _):
            posbase = lane28 + c * (_L * n_pairs)

            def pair_body(ph, accs):
                p0 = 2 * ph
                tv0 = plsc.load_gather(tau_v, [posbase + p0])
                tv1 = plsc.load_gather(tau_v, [posbase + (p0 + 1)])
                idx0 = tv0 + p0 * _LAGS
                idx1 = tv1 + p0 * _LAGS + _LAGS
                accs = tuple(
                    accs[b] + plsc.load_gather(table_v, [idx0 + b * table_cols])
                    for b in range(batch)
                )
                return tuple(
                    accs[b] + plsc.load_gather(table_v, [idx1 + b * table_cols])
                    for b in range(batch)
                )

            zeros = tuple(jnp.zeros((_L,), jnp.float32) for _ in range(batch))
            accs = lax.fori_loop(0, n_pairs // 2, pair_body, zeros)
            nvec = base + c * _L + lax.iota(jnp.int32, _L)
            for b in range(batch):
                m = rmax_v[b, :]
                upd = accs[b] > m
                rmax_v[b, :] = jnp.where(upd, accs[b], m)
                ridx_v[b, :] = jnp.where(upd, nvec, ridx_v[b, :])
            return _

        lax.fori_loop(0, chunks, chunk_body, None)
        pltpu.sync_copy(rmax_v, omax_hbm.at[wid])
        pltpu.sync_copy(ridx_v, oidx_hbm.at[wid])

    return sc_search, npw, n_pad


def kernel(signal, x_grid, rec_centroid, tau, combinations):
    del combinations
    b_sz, m_sz, t_sz = signal.shape
    p_sz = m_sz * (m_sz - 1) // 2
    n_grid = tau.shape[0]
    table_cols = p_sz * _LAGS

    spec = jnp.fft.rfft(signal, axis=-1)
    xr = jnp.pad(jnp.real(spec).astype(jnp.float32),
                 ((0, 0), (0, 0), (0, _KPAD - _KF)))
    xi = jnp.pad(jnp.imag(spec).astype(jnp.float32),
                 ((0, 0), (0, 0), (0, _KPAD - _KF)))

    cnp, snp = _idft_consts()
    cc = _whiten_idft(xr, xi, jnp.asarray(cnp), jnp.asarray(snp))
    table = cc[:, :_LAGS].reshape(b_sz * table_cols)

    sc_search, npw, n_pad = _make_sc_search(n_grid, p_sz, b_sz, table_cols)
    pmax, pidx = sc_search(table, tau.reshape(-1))

    vals = pmax.transpose(1, 0, 2).reshape(b_sz, _NW * _L)
    idxs = pidx.transpose(1, 0, 2).reshape(b_sz, _NW * _L)
    mx = vals.max(axis=1, keepdims=True)
    best = jnp.where(vals == mx, idxs, jnp.int32(2**31 - 1)).min(axis=1)
    return x_grid[best] - rec_centroid[None, :]

# --- scband reference (transcript-rebuilt; emitter-appended) ---
"""Pipeline reference for scband-srp-phat-7507602833750 (READ-ONLY COPY).

The authoritative reference and input builder live on the scoring server;
editing this copy changes nothing except your own understanding.
"""

import jax, jax.numpy as jnp
import numpy as np

SPEED_OF_SOUND = 343.0
MIC_DISTANCE_FROM_WALL = 0.5
MIN_SPEAKER_HEIGHT = 1.0
MAX_SPEAKER_HEIGHT = 2.0
SAMPLING_RATE = 16000
MAX_TAU = 40


def setup_inputs(seed: int = 0):
    key = jax.random.key(seed)
    B, M, T = 32, 8, 4096
    signal = jax.random.normal(key, (B, M, T), dtype=jnp.float32)
    # receivers: circular array, radius 0.3 m, centered at (3.0, 2.5, 1.5) in a 6x5x3 m room
    ang = np.arange(M) * 2.0 * np.pi / M
    receivers = np.stack([
        3.0 + 0.3 * np.cos(ang),
        2.5 + 0.3 * np.sin(ang),
        np.full(M, 1.5),
    ], axis=-1).astype(np.float32)
    rec_centroid = receivers.mean(axis=0)
    combinations = np.array([[i, j] for i in range(M) for j in range(i + 1, M)], dtype=np.int32)
    room = (6.0, 5.0, 3.0)
    density = (0.1, 0.1, 0.1)
    xs = np.arange(MIC_DISTANCE_FROM_WALL, room[0] + density[0], density[0])
    ys = np.arange(0.0, room[1] + density[1], density[1])
    zs = np.arange(MIN_SPEAKER_HEIGHT, MAX_SPEAKER_HEIGHT + density[2], density[2])
    gx, gy, gz = np.meshgrid(xs, ys, zs, indexing='ij')
    x_grid = np.stack([gx.ravel(), gy.ravel(), gz.ravel()], axis=-1).astype(np.float32)
    # true TDOA (in samples) between each candidate position and each mic pair
    rp = receivers[combinations]  # [P, 2, 3]
    d0 = np.linalg.norm(x_grid[:, None, :] - rp[None, :, 0, :], axis=-1)
    d1 = np.linalg.norm(x_grid[:, None, :] - rp[None, :, 1, :], axis=-1)
    tdoa = (d0 - d1) / SPEED_OF_SOUND * SAMPLING_RATE
    tau = np.clip(MAX_TAU + np.round(tdoa), 0, 2 * MAX_TAU).astype(np.int32)  # [N_grid, P]
    return {
        'signal': signal,
        'x_grid': jnp.asarray(x_grid),
        'rec_centroid': jnp.asarray(rec_centroid),
        'tau': jnp.asarray(tau),
        'combinations': jnp.asarray(combinations),
    }


def _gcc_phat(pairs, max_tau):
    # pairs: [..., 2, T] -> [..., 2*max_tau+1]
    n = pairs.shape[-1]
    X = jnp.fft.rfft(pairs, n=n, axis=-1)
    G = X[..., 0, :] * jnp.conj(X[..., 1, :])
    phat = G / (jnp.abs(G) + 1e-12)
    cc = jnp.fft.irfft(phat, n=n, axis=-1)
    cc = jnp.concatenate([cc[..., -max_tau:], cc[..., :max_tau + 1]], axis=-1)
    return cc


def reference(signal, x_grid, rec_centroid, tau, combinations):
    # signal: [B, M, T]; combinations: [P, 2]; tau: [N_grid, P]
    pairs = signal[..., combinations, :]           # [B, P, 2, T]
    cc = _gcc_phat(pairs, MAX_TAU)                 # [B, P, 2*max_tau+1]
    p_idx = jnp.arange(cc.shape[-2])[None, :]      # [1, P]
    R = cc[:, p_idx, tau]                          # gather per-grid tau: [B, N_grid, P]
    P_map = jnp.sum(R, axis=-1)                    # [B, N_grid]
    idx = jnp.argmax(P_map, axis=-1)               # [B]
    out = x_grid[idx] - rec_centroid[None, :]      # relative=True
    return out

if __name__ == "__main__":
    import jax
    _d = setup_inputs()
    print(jax.jit(kernel)(*tuple(_d.values())))

</pallas_src>

<mosaic_0001>
#map = affine_map<(d0, d1) -> (0)>
#map1 = affine_map<(d0, d1) -> (0, 0, 0)>
module attributes {stable_mosaic.version = 14 : i64} {
  func.func @sc_search(%arg0: i32, %arg1: i32, %arg2: memref<72576xf32, #tpu.memory_space<hbm>>, %arg3: memref<879648xi32, #tpu.memory_space<hbm>>, %arg4: memref<32x32x16xf32, #tpu.memory_space<hbm>>, %arg5: memref<32x32x16xi32, #tpu.memory_space<hbm>>, %arg6: memref<72576xf32, #tpu.memory_space<vmem>>, %arg7: memref<27776xi32, #tpu.memory_space<vmem>>, %arg8: memref<32x16xf32, #tpu.memory_space<vmem>>, %arg9: memref<32x16xi32, #tpu.memory_space<vmem>>) attributes {dimension_semantics = [#tpu.dimension_semantics<core_parallel>, #tpu.dimension_semantics<subcore_parallel>], iteration_bounds = array<i64: 2, 16>, scalar_prefetch = 0 : i64, scratch_operands = 4 : i64, tpu.core_type = #tpu.core_type<sc_vector_subcore>, window_params = [{transform_indices = #map}, {transform_indices = #map}, {transform_indices = #map1}, {transform_indices = #map1}]} {
    %mul3A = arith.constant 2 : i32
    %mul3A_0 = arith.muli %arg1, %mul3A : i32
    %add3A = arith.addi %mul3A_0, %arg0 : i32
    %mul3A_1 = arith.constant 992 : i32
    %mul3A_2 = arith.muli %add3A, %mul3A_1 : i32
    %min3A = arith.constant 30424 : i32
    %min3A_3 = arith.minsi %mul3A_2, %min3A : i32
    "tpu.region"() ({
      %run_scoped3A = tpu.sem_alloc : memref<!tpu.dma_semaphore, #tpu.memory_space<semaphore_mem>>
      tpu.enqueue_dma source(%arg2 : memref<72576xf32, #tpu.memory_space<hbm>>) target(%arg6 : memref<72576xf32, #tpu.memory_space<vmem>>) target_semaphore(%run_scoped3A : memref<!tpu.dma_semaphore, #tpu.memory_space<semaphore_mem>>)
      tpu.wait_dma2 semaphore(%run_scoped3A : memref<!tpu.dma_semaphore, #tpu.memory_space<semaphore_mem>>) src(%arg2 : memref<72576xf32, #tpu.memory_space<hbm>>) dst(%arg6 : memref<72576xf32, #tpu.memory_space<vmem>>)
      tpu.yield
    }) : () -> ()
    %mul3A_4 = arith.constant 28 : i32
    %mul3A_5 = arith.muli %min3A_3, %mul3A_4 : i32
    "tpu.region"() ({
      %run_scoped3A = tpu.sem_alloc : memref<!tpu.dma_semaphore, #tpu.memory_space<semaphore_mem>>
      %dma_start3A = tpu.memref_slice %arg3[%mul3A_5] : memref<879648xi32, #tpu.memory_space<hbm>> -> memref<27776xi32, #tpu.memory_space<hbm>>
      %dma_start3A_395 = tpu.memref_slice %arg3[%mul3A_5] : memref<879648xi32, #tpu.memory_space<hbm>> -> memref<27776xi32, #tpu.memory_space<hbm>>
      tpu.enqueue_dma source(%dma_start3A_395 : memref<27776xi32, #tpu.memory_space<hbm>>) target(%arg7 : memref<27776xi32, #tpu.memory_space<vmem>>) target_semaphore(%run_scoped3A : memref<!tpu.dma_semaphore, #tpu.memory_space<semaphore_mem>>)
      %dma_wait3A = tpu.memref_slice %arg3[%mul3A_5] : memref<879648xi32, #tpu.memory_space<hbm>> -> memref<27776xi32, #tpu.memory_space<hbm>>
      %dma_wait3A_396 = tpu.memref_slice %arg3[%mul3A_5] : memref<879648xi32, #tpu.memory_space<hbm>> -> memref<27776xi32, #tpu.memory_space<hbm>>
      tpu.wait_dma2 semaphore(%run_scoped3A : memref<!tpu.dma_semaphore, #tpu.memory_space<semaphore_mem>>) src(%dma_wait3A_396 : memref<27776xi32, #tpu.memory_space<hbm>>) dst(%arg7 : memref<27776xi32, #tpu.memory_space<vmem>>)
      tpu.yield
    }) : () -> ()
    %broadcast_in_dim3A = arith.constant 0xFF800000 : f32
    %broadcast_in_dim3A_6 = vector.broadcast %broadcast_in_dim3A : f32 to vector<16xf32>
    %swap3A = arith.constant 0 : i32
    %swap3A_7 = arith.index_cast %swap3A : i32 to index
    %swap3A_8 = arith.constant 0 : index
    %swap3A_9 = tpu.vector_load %arg8[%swap3A_7, %swap3A_8] {strides = array<i32>} : memref<32x16xf32, #tpu.memory_space<vmem>>, vector<16xf32>,
    tpu.vector_store %arg8[%swap3A_7, %swap3A_8], %broadcast_in_dim3A_6 {strides = array<i32>} : memref<32x16xf32, #tpu.memory_space<vmem>>, vector<16xf32>,
    %broadcast_in_dim3A_10 = arith.constant 0 : i32
    %broadcast_in_dim3A_11 = vector.broadcast %broadcast_in_dim3A_10 : i32 to vector<16xi32>
    %swap3A_12 = arith.constant 0 : i32
    %swap3A_13 = arith.index_cast %swap3A_12 : i32 to index
    %swap3A_14 = arith.constant 0 : index
    %swap3A_15 = tpu.vector_load %arg9[%swap3A_13, %swap3A_14] {strides = array<i32>} : memref<32x16xi32, #tpu.memory_space<vmem>>, vector<16xi32>,
    tpu.vector_store %arg9[%swap3A_13, %swap3A_14], %broadcast_in_dim3A_11 {strides = array<i32>} : memref<32x16xi32, #tpu.memory_space<vmem>>, vector<16xi32>,
    %broadcast_in_dim3A_16 = arith.constant 0xFF800000 : f32
    %broadcast_in_dim3A_17 = vector.broadcast %broadcast_in_dim3A_16 : f32 to vector<16xf32>
    %swap3A_18 = arith.constant 1 : i32
    %swap3A_19 = arith.index_cast %swap3A_18 : i32 to index
    %swap3A_20 = arith.constant 0 : index
    %swap3A_21 = tpu.vector_load %arg8[%swap3A_19, %swap3A_20] {strides = array<i32>} : memref<32x16xf32, #tpu.memory_space<vmem>>, vector<16xf32>,
    tpu.vector_store %arg8[%swap3A_19, %swap3A_20], %broadcast_in_dim3A_17 {strides = array<i32>} : memref<32x16xf32, #tpu.memory_space<vmem>>, vector<16xf32>,
    %broadcast_in_dim3A_22 = arith.constant 0 : i32
    %broadcast_in_dim3A_23 = vector.broadcast %broadcast_in_dim3A_22 : i32 to vector<16xi32>
    %swap3A_24 = arith.constant 1 : i32
    %swap3A_25 = arith.index_cast %swap3A_24 : i32 to index
    %swap3A_26 = arith.constant 0 : index
    %swap3A_27 = tpu.vector_load %arg9[%swap3A_25, %swap3A_26] {strides = array<i32>} : memref<32x16xi32, #tpu.memory_space<vmem>>, vector<16xi32>,
    tpu.vector_store %arg9[%swap3A_25, %swap3A_26], %broadcast_in_dim3A_23 {strides = array<i32>} : memref<32x16xi32, #tpu.memory_space<vmem>>, vector<16xi32>,
    %broadcast_in_dim3A_28 = arith.constant 0xFF800000 : f32
    %broadcast_in_dim3A_29 = vector.broadcast %broadcast_in_dim3A_28 : f32 to vector<16xf32>
    %swap3A_30 = arith.constant 2 : i32
    %swap3A_31 = arith.index_cast %swap3A_30 : i32 to index
    %swap3A_32 = arith.constant 0 : index
    %swap3A_33 = tpu.vector_load %arg8[%swap3A_31, %swap3A_32] {strides = array<i32>} : memref<32x16xf32, #tpu.memory_space<vmem>>, vector<16xf32>,
    tpu.vector_store %arg8[%swap3A_31, %swap3A_32], %broadcast_in_dim3A_29 {strides = array<i32>} : memref<32x16xf32, #tpu.memory_space<vmem>>, vector<16xf32>,
    %broadcast_in_dim3A_34 = arith.constant 0 : i32
    %broadcast_in_dim3A_35 = vector.broadcast %broadcast_in_dim3A_34 : i32 to vector<16xi32>
    %swap3A_36 = arith.constant 2 : i32
    %swap3A_37 = arith.index_cast %swap3A_36 : i32 to index
    %swap3A_38 = arith.constant 0 : index
    %swap3A_39 = tpu.vector_load %arg9[%swap3A_37, %swap3A_38] {strides = array<i32>} : memref<32x16xi32, #tpu.memory_space<vmem>>, vector<16xi32>,
    tpu.vector_store %arg9[%swap3A_37, %swap3A_38], %broadcast_in_dim3A_35 {strides = array<i32>} : memref<32x16xi32, #tpu.memory_space<vmem>>, vector<16xi32>,
    %broadcast_in_dim3A_40 = arith.constant 0xFF800000 : f32
    %broadcast_in_dim3A_41 = vector.broadcast %broadcast_in_dim3A_40 : f32 to vector<16xf32>
    %swap3A_42 = arith.constant 3 : i32
    %swap3A_43 = arith.index_cast %swap3A_42 : i32 to index
    %swap3A_44 = arith.constant 0 : index
    %swap3A_45 = tpu.vector_load %arg8[%swap3A_43, %swap3A_44] {strides = array<i32>} : memref<32x16xf32, #tpu.memory_space<vmem>>, vector<16xf32>,
    tpu.vector_store %arg8[%swap3A_43, %swap3A_44], %broadcast_in_dim3A_41 {strides = array<i32>} : memref<32x16xf32, #tpu.memory_space<vmem>>, vector<16xf32>,
    %broadcast_in_dim3A_46 = arith.constant 0 : i32
    %broadcast_in_dim3A_47 = vector.broadcast %broadcast_in_dim3A_46 : i32 to vector<16xi32>
    %swap3A_48 = arith.constant 3 : i32
    %swap3A_49 = arith.index_cast %swap3A_48 : i32 to index
    %swap3A_50 = arith.constant 0 : index
    %swap3A_51 = tpu.vector_load %arg9[%swap3A_49, %swap3A_50] {strides = array<i32>} : memref<32x16xi32, #tpu.memory_space<vmem>>, vector<16xi32>,
    tpu.vector_store %arg9[%swap3A_49, %swap3A_50], %broadcast_in_dim3A_47 {strides = array<i32>} : memref<32x16xi32, #tpu.memory_space<vmem>>, vector<16xi32>,
    %broadcast_in_dim3A_52 = arith.constant 0xFF800000 : f32
    %broadcast_in_dim3A_53 = vector.broadcast %broadcast_in_dim3A_52 : f32 to vector<16xf32>
    %swap3A_54 = arith.constant 4 : i32
    %swap3A_55 = arith.index_cast %swap3A_54 : i32 to index
    %swap3A_56 = arith.constant 0 : index
    %swap3A_57 = tpu.vector_load %arg8[%swap3A_55, %swap3A_56] {strides = array<i32>} : memref<32x16xf32, #tpu.memory_space<vmem>>, vector<16xf32>,
    tpu.vector_store %arg8[%swap3A_55, %swap3A_56], %broadcast_in_dim3A_53 {strides = array<i32>} : memref<32x16xf32, #tpu.memory_space<vmem>>, vector<16xf32>,
    %broadcast_in_dim3A_58 = arith.constant 0 : i32
    %broadcast_in_dim3A_59 = vector.broadcast %broadcast_in_dim3A_58 : i32 to vector<16xi32>
    %swap3A_60 = arith.constant 4 : i32
    %swap3A_61 = arith.index_cast %swap3A_60 : i32 to index
    %swap3A_62 = arith.constant 0 : index
    %swap3A_63 = tpu.vector_load %arg9[%swap3A_61, %swap3A_62] {strides = array<i32>} : memref<32x16xi32, #tpu.memory_space<vmem>>, vector<16xi32>,
    tpu.vector_store %arg9[%swap3A_61, %swap3A_62], %broadcast_in_dim3A_59 {strides = array<i32>} : memref<32x16xi32, #tpu.memory_space<vmem>>, vector<16xi32>,
    %broadcast_in_dim3A_64 = arith.constant 0xFF800000 : f32
    %broadcast_in_dim3A_65 = vector.broadcast %broadcast_in_dim3A_64 : f32 to vector<16xf32>
    %swap3A_66 = arith.constant 5 : i32
    %swap3A_67 = arith.index_cast %swap3A_66 : i32 to index
    %swap3A_68 = arith.constant 0 : index
    %swap3A_69 = tpu.vector_load %arg8[%swap3A_67, %swap3A_68] {strides = array<i32>} : memref<32x16xf32, #tpu.memory_space<vmem>>, vector<16xf32>,
    tpu.vector_store %arg8[%swap3A_67, %swap3A_68], %broadcast_in_dim3A_65 {strides = array<i32>} : memref<32x16xf32, #tpu.memory_space<vmem>>, vector<16xf32>,
    %broadcast_in_dim3A_70 = arith.constant 0 : i32
    %broadcast_in_dim3A_71 = vector.broadcast %broadcast_in_dim3A_70 : i32 to vector<16xi32>
    %swap3A_72 = arith.constant 5 : i32
    %swap3A_73 = arith.index_cast %swap3A_72 : i32 to index
    %swap3A_74 = arith.constant 0 : index
    %swap3A_75 = tpu.vector_load %arg9[%swap3A_73, %swap3A_74] {strides = array<i32>} : memref<32x16xi32, #tpu.memory_space<vmem>>, vector<16xi32>,
    tpu.vector_store %arg9[%swap3A_73, %swap3A_74], %broadcast_in_dim3A_71 {strides = array<i32>} : memref<32x16xi32, #tpu.memory_space<vmem>>, vector<16xi32>,
    %broadcast_in_dim3A_76 = arith.constant 0xFF800000 : f32
    %broadcast_in_dim3A_77 = vector.broadcast %broadcast_in_dim3A_76 : f32 to vector<16xf32>
    %swap3A_78 = arith.constant 6 : i32
    %swap3A_79 = arith.index_cast %swap3A_78 : i32 to index
    %swap3A_80 = arith.constant 0 : index
    %swap3A_81 = tpu.vector_load %arg8[%swap3A_79, %swap3A_80] {strides = array<i32>} : memref<32x16xf32, #tpu.memory_space<vmem>>, vector<16xf32>,
    tpu.vector_store %arg8[%swap3A_79, %swap3A_80], %broadcast_in_dim3A_77 {strides = array<i32>} : memref<32x16xf32, #tpu.memory_space<vmem>>, vector<16xf32>,
    %broadcast_in_dim3A_82 = arith.constant 0 : i32
    %broadcast_in_dim3A_83 = vector.broadcast %broadcast_in_dim3A_82 : i32 to vector<16xi32>
    %swap3A_84 = arith.constant 6 : i32
    %swap3A_85 = arith.index_cast %swap3A_84 : i32 to index
    %swap3A_86 = arith.constant 0 : index
    %swap3A_87 = tpu.vector_load %arg9[%swap3A_85, %swap3A_86] {strides = array<i32>} : memref<32x16xi32, #tpu.memory_space<vmem>>, vector<16xi32>,
    tpu.vector_store %arg9[%swap3A_85, %swap3A_86], %broadcast_in_dim3A_83 {strides = array<i32>} : memref<32x16xi32, #tpu.memory_space<vmem>>, vector<16xi32>,
    %broadcast_in_dim3A_88 = arith.constant 0xFF800000 : f32
    %broadcast_in_dim3A_89 = vector.broadcast %broadcast_in_dim3A_88 : f32 to vector<16xf32>
    %swap3A_90 = arith.constant 7 : i32
    %swap3A_91 = arith.index_cast %swap3A_90 : i32 to index
    %swap3A_92 = arith.constant 0 : index
    %swap3A_93 = tpu.vector_load %arg8[%swap3A_91, %swap3A_92] {strides = array<i32>} : memref<32x16xf32, #tpu.memory_space<vmem>>, vector<16xf32>,
    tpu.vector_store %arg8[%swap3A_91, %swap3A_92], %broadcast_in_dim3A_89 {strides = array<i32>} : memref<32x16xf32, #tpu.memory_space<vmem>>, vector<16xf32>,
    %broadcast_in_dim3A_94 = arith.constant 0 : i32
    %broadcast_in_dim3A_95 = vector.broadcast %broadcast_in_dim3A_94 : i32 to vector<16xi32>
    %swap3A_96 = arith.constant 7 : i32
    %swap3A_97 = arith.index_cast %swap3A_96 : i32 to index
    %swap3A_98 = arith.constant 0 : index
    %swap3A_99 = tpu.vector_load %arg9[%swap3A_97, %swap3A_98] {strides = array<i32>} : memref<32x16xi32, #tpu.memory_space<vmem>>, vector<16xi32>,
    tpu.vector_store %arg9[%swap3A_97, %swap3A_98], %broadcast_in_dim3A_95 {strides = array<i32>} : memref<32x16xi32, #tpu.memory_space<vmem>>, vector<16xi32>,
    %broadcast_in_dim3A_100 = arith.constant 0xFF800000 : f32
    %broadcast_in_dim3A_101 = vector.broadcast %broadcast_in_dim3A_100 : f32 to vector<16xf32>
    %swap3A_102 = arith.constant 8 : i32
    %swap3A_103 = arith.index_cast %swap3A_102 : i32 to index
    %swap3A_104 = arith.constant 0 : index
    %swap3A_105 = tpu.vector_load %arg8[%swap3A_103, %swap3A_104] {strides = array<i32>} : memref<32x16xf32, #tpu.memory_space<vmem>>, vector<16xf32>,
    tpu.vector_store %arg8[%swap3A_103, %swap3A_104], %broadcast_in_dim3A_101 {strides = array<i32>} : memref<32x16xf32, #tpu.memory_space<vmem>>, vector<16xf32>,
    %broadcast_in_dim3A_106 = arith.constant 0 : i32
    %broadcast_in_dim3A_107 = vector.broadcast %broadcast_in_dim3A_106 : i32 to vector<16xi32>
    %swap3A_108 = arith.constant 8 : i32
    %swap3A_109 = arith.index_cast %swap3A_108 : i32 to index
    %swap3A_110 = arith.constant 0 : index
    %swap3A_111 = tpu.vector_load %arg9[%swap3A_109, %swap3A_110] {strides = array<i32>} : memref<32x16xi32, #tpu.memory_space<vmem>>, vector<16xi32>,
    tpu.vector_store %arg9[%swap3A_109, %swap3A_110], %broadcast_in_dim3A_107 {strides = array<i32>} : memref<32x16xi32, #tpu.memory_space<vmem>>, vector<16xi32>,
    %broadcast_in_dim3A_112 = arith.constant 0xFF800000 : f32
    %broadcast_in_dim3A_113 = vector.broadcast %broadcast_in_dim3A_112 : f32 to vector<16xf32>
    %swap3A_114 = arith.constant 9 : i32
    %swap3A_115 = arith.index_cast %swap3A_114 : i32 to index
    %swap3A_116 = arith.constant 0 : index
    %swap3A_117 = tpu.vector_load %arg8[%swap3A_115, %swap3A_116] {strides = array<i32>} : memref<32x16xf32, #tpu.memory_space<vmem>>, vector<16xf32>,
    tpu.vector_store %arg8[%swap3A_115, %swap3A_116], %broadcast_in_dim3A_113 {strides = array<i32>} : memref<32x16xf32, #tpu.memory_space<vmem>>, vector<16xf32>,
    %broadcast_in_dim3A_118 = arith.constant 0 : i32
    %broadcast_in_dim3A_119 = vector.broadcast %broadcast_in_dim3A_118 : i32 to vector<16xi32>
    %swap3A_120 = arith.constant 9 : i32
    %swap3A_121 = arith.index_cast %swap3A_120 : i32 to index
    %swap3A_122 = arith.constant 0 : index
    %swap3A_123 = tpu.vector_load %arg9[%swap3A_121, %swap3A_122] {strides = array<i32>} : memref<32x16xi32, #tpu.memory_space<vmem>>, vector<16xi32>,
    tpu.vector_store %arg9[%swap3A_121, %swap3A_122], %broadcast_in_dim3A_119 {strides = array<i32>} : memref<32x16xi32, #tpu.memory_space<vmem>>, vector<16xi32>,
    %broadcast_in_dim3A_124 = arith.constant 0xFF800000 : f32
    %broadcast_in_dim3A_125 = vector.broadcast %broadcast_in_dim3A_124 : f32 to vector<16xf32>
    %swap3A_126 = arith.constant 10 : i32
    %swap3A_127 = arith.index_cast %swap3A_126 : i32 to index
    %swap3A_128 = arith.constant 0 : index
    %swap3A_129 = tpu.vector_load %arg8[%swap3A_127, %swap3A_128] {strides = array<i32>} : memref<32x16xf32, #tpu.memory_space<vmem>>, vector<16xf32>,
    tpu.vector_store %arg8[%swap3A_127, %swap3A_128], %broadcast_in_dim3A_125 {strides = array<i32>} : memref<32x16xf32, #tpu.memory_space<vmem>>, vector<16xf32>,
    %broadcast_in_dim3A_130 = arith.constant 0 : i32
    %broadcast_in_dim3A_131 = vector.broadcast %broadcast_in_dim3A_130 : i32 to vector<16xi32>
    %swap3A_132 = arith.constant 10 : i32
    %swap3A_133 = arith.index_cast %swap3A_132 : i32 to index
    %swap3A_134 = arith.constant 0 : index
    %swap3A_135 = tpu.vector_load %arg9[%swap3A_133, %swap3A_134] {strides = array<i32>} : memref<32x16xi32, #tpu.memory_space<vmem>>, vector<16xi32>,
    tpu.vector_store %arg9[%swap3A_133, %swap3A_134], %broadcast_in_dim3A_131 {strides = array<i32>} : memref<32x16xi32, #tpu.memory_space<vmem>>, vector<16xi32>,
    %broadcast_in_dim3A_136 = arith.constant 0xFF800000 : f32
    %broadcast_in_dim3A_137 = vector.broadcast %broadcast_in_dim3A_136 : f32 to vector<16xf32>
    %swap3A_138 = arith.constant 11 : i32
    %swap3A_139 = arith.index_cast %swap3A_138 : i32 to index
    %swap3A_140 = arith.constant 0 : index
    %swap3A_141 = tpu.vector_load %arg8[%swap3A_139, %swap3A_140] {strides = array<i32>} : memref<32x16xf32, #tpu.memory_space<vmem>>, vector<16xf32>,
    tpu.vector_store %arg8[%swap3A_139, %swap3A_140], %broadcast_in_dim3A_137 {strides = array<i32>} : memref<32x16xf32, #tpu.memory_space<vmem>>, vector<16xf32>,
    %broadcast_in_dim3A_142 = arith.constant 0 : i32
    %broadcast_in_dim3A_143 = vector.broadcast %broadcast_in_dim3A_142 : i32 to vector<16xi32>
    %swap3A_144 = arith.constant 11 : i32
    %swap3A_145 = arith.index_cast %swap3A_144 : i32 to index
    %swap3A_146 = arith.constant 0 : index
    %swap3A_147 = tpu.vector_load %arg9[%swap3A_145, %swap3A_146] {strides = array<i32>} : memref<32x16xi32, #tpu.memory_space<vmem>>, vector<16xi32>,
    tpu.vector_store %arg9[%swap3A_145, %swap3A_146], %broadcast_in_dim3A_143 {strides = array<i32>} : memref<32x16xi32, #tpu.memory_space<vmem>>, vector<16xi32>,
    %broadcast_in_dim3A_148 = arith.constant 0xFF800000 : f32
    %broadcast_in_dim3A_149 = vector.broadcast %broadcast_in_dim3A_148 : f32 to vector<16xf32>
    %swap3A_150 = arith.constant 12 : i32
    %swap3A_151 = arith.index_cast %swap3A_150 : i32 to index
    %swap3A_152 = arith.constant 0 : index
    %swap3A_153 = tpu.vector_load %arg8[%swap3A_151, %swap3A_152] {strides = array<i32>} : memref<32x16xf32, #tpu.memory_space<vmem>>, vector<16xf32>,
    tpu.vector_store %arg8[%swap3A_151, %swap3A_152], %broadcast_in_dim3A_149 {strides = array<i32>} : memref<32x16xf32, #tpu.memory_space<vmem>>, vector<16xf32>,
    %broadcast_in_dim3A_154 = arith.constant 0 : i32
    %broadcast_in_dim3A_155 = vector.broadcast %broadcast_in_dim3A_154 : i32 to vector<16xi32>
    %swap3A_156 = arith.constant 12 : i32
    %swap3A_157 = arith.index_cast %swap3A_156 : i32 to index
    %swap3A_158 = arith.constant 0 : index
    %swap3A_159 = tpu.vector_load %arg9[%swap3A_157, %swap3A_158] {strides = array<i32>} : memref<32x16xi32, #tpu.memory_space<vmem>>, vector<16xi32>,
    tpu.vector_store %arg9[%swap3A_157, %swap3A_158], %broadcast_in_dim3A_155 {strides = array<i32>} : memref<32x16xi32, #tpu.memory_space<vmem>>, vector<16xi32>,
    %broadcast_in_dim3A_160 = arith.constant 0xFF800000 : f32
    %broadcast_in_dim3A_161 = vector.broadcast %broadcast_in_dim3A_160 : f32 to vector<16xf32>
    %swap3A_162 = arith.constant 13 : i32
    %swap3A_163 = arith.index_cast %swap3A_162 : i32 to index
    %swap3A_164 = arith.constant 0 : index
    %swap3A_165 = tpu.vector_load %arg8[%swap3A_163, %swap3A_164] {strides = array<i32>} : memref<32x16xf32, #tpu.memory_space<vmem>>, vector<16xf32>,
    tpu.vector_store %arg8[%swap3A_163, %swap3A_164], %broadcast_in_dim3A_161 {strides = array<i32>} : memref<32x16xf32, #tpu.memory_space<vmem>>, vector<16xf32>,
    %broadcast_in_dim3A_166 = arith.constant 0 : i32
    %broadcast_in_dim3A_167 = vector.broadcast %broadcast_in_dim3A_166 : i32 to vector<16xi32>
    %swap3A_168 = arith.constant 13 : i32
    %swap3A_169 = arith.index_cast %swap3A_168 : i32 to index
    %swap3A_170 = arith.constant 0 : index
    %swap3A_171 = tpu.vector_load %arg9[%swap3A_169, %swap3A_170] {strides = array<i32>} : memref<32x16xi32, #tpu.memory_space<vmem>>, vector<16xi32>,
    tpu.vector_store %arg9[%swap3A_169, %swap3A_170], %broadcast_in_dim3A_167 {strides = array<i32>} : memref<32x16xi32, #tpu.memory_space<vmem>>, vector<16xi32>,
    %broadcast_in_dim3A_172 = arith.constant 0xFF800000 : f32
    %broadcast_in_dim3A_173 = vector.broadcast %broadcast_in_dim3A_172 : f32 to vector<16xf32>
    %swap3A_174 = arith.constant 14 : i32
    %swap3A_175 = arith.index_cast %swap3A_174 : i32 to index
    %swap3A_176 = arith.constant 0 : index
    %swap3A_177 = tpu.vector_load %arg8[%swap3A_175, %swap3A_176] {strides = array<i32>} : memref<32x16xf32, #tpu.memory_space<vmem>>, vector<16xf32>,
    tpu.vector_store %arg8[%swap3A_175, %swap3A_176], %broadcast_in_dim3A_173 {strides = array<i32>} : memref<32x16xf32, #tpu.memory_space<vmem>>, vector<16xf32>,
    %broadcast_in_dim3A_178 = arith.constant 0 : i32
    %broadcast_in_dim3A_179 = vector.broadcast %broadcast_in_dim3A_178 : i32 to vector<16xi32>
    %swap3A_180 = arith.constant 14 : i32
    %swap3A_181 = arith.index_cast %swap3A_180 : i32 to index
    %swap3A_182 = arith.constant 0 : index
    %swap3A_183 = tpu.vector_load %arg9[%swap3A_181, %swap3A_182] {strides = array<i32>} : memref<32x16xi32, #tpu.memory_space<vmem>>, vector<16xi32>,
    tpu.vector_store %arg9[%swap3A_181, %swap3A_182], %broadcast_in_dim3A_179 {strides = array<i32>} : memref<32x16xi32, #tpu.memory_space<vmem>>, vector<16xi32>,
    %broadcast_in_dim3A_184 = arith.constant 0xFF800000 : f32
    %broadcast_in_dim3A_185 = vector.broadcast %broadcast_in_dim3A_184 : f32 to vector<16xf32>
    %swap3A_186 = arith.constant 15 : i32
    %swap3A_187 = arith.index_cast %swap3A_186 : i32 to index
    %swap3A_188 = arith.constant 0 : index
    %swap3A_189 = tpu.vector_load %arg8[%swap3A_187, %swap3A_188] {strides = array<i32>} : memref<32x16xf32, #tpu.memory_space<vmem>>, vector<16xf32>,
    tpu.vector_store %arg8[%swap3A_187, %swap3A_188], %broadcast_in_dim3A_185 {strides = array<i32>} : memref<32x16xf32, #tpu.memory_space<vmem>>, vector<16xf32>,
    %broadcast_in_dim3A_190 = arith.constant 0 : i32
    %broadcast_in_dim3A_191 = vector.broadcast %broadcast_in_dim3A_190 : i32 to vector<16xi32>
    %swap3A_192 = arith.constant 15 : i32
    %swap3A_193 = arith.index_cast %swap3A_192 : i32 to index
    %swap3A_194 = arith.constant 0 : index
    %swap3A_195 = tpu.vector_load %arg9[%swap3A_193, %swap3A_194] {strides = array<i32>} : memref<32x16xi32, #tpu.memory_space<vmem>>, vector<16xi32>,
    tpu.vector_store %arg9[%swap3A_193, %swap3A_194], %broadcast_in_dim3A_191 {strides = array<i32>} : memref<32x16xi32, #tpu.memory_space<vmem>>, vector<16xi32>,
    %broadcast_in_dim3A_196 = arith.constant 0xFF800000 : f32
    %broadcast_in_dim3A_197 = vector.broadcast %broadcast_in_dim3A_196 : f32 to vector<16xf32>
    %swap3A_198 = arith.constant 16 : i32
    %swap3A_199 = arith.index_cast %swap3A_198 : i32 to index
    %swap3A_200 = arith.constant 0 : index
    %swap3A_201 = tpu.vector_load %arg8[%swap3A_199, %swap3A_200] {strides = array<i32>} : memref<32x16xf32, #tpu.memory_space<vmem>>, vector<16xf32>,
    tpu.vector_store %arg8[%swap3A_199, %swap3A_200], %broadcast_in_dim3A_197 {strides = array<i32>} : memref<32x16xf32, #tpu.memory_space<vmem>>, vector<16xf32>,
    %broadcast_in_dim3A_202 = arith.constant 0 : i32
    %broadcast_in_dim3A_203 = vector.broadcast %broadcast_in_dim3A_202 : i32 to vector<16xi32>
    %swap3A_204 = arith.constant 16 : i32
    %swap3A_205 = arith.index_cast %swap3A_204 : i32 to index
    %swap3A_206 = arith.constant 0 : index
    %swap3A_207 = tpu.vector_load %arg9[%swap3A_205, %swap3A_206] {strides = array<i32>} : memref<32x16xi32, #tpu.memory_space<vmem>>, vector<16xi32>,
    tpu.vector_store %arg9[%swap3A_205, %swap3A_206], %broadcast_in_dim3A_203 {strides = array<i32>} : memref<32x16xi32, #tpu.memory_space<vmem>>, vector<16xi32>,
    %broadcast_in_dim3A_208 = arith.constant 0xFF800000 : f32
    %broadcast_in_dim3A_209 = vector.broadcast %broadcast_in_dim3A_208 : f32 to vector<16xf32>
    %swap3A_210 = arith.constant 17 : i32
    %swap3A_211 = arith.index_cast %swap3A_210 : i32 to index
    %swap3A_212 = arith.constant 0 : index
    %swap3A_213 = tpu.vector_load %arg8[%swap3A_211, %swap3A_212] {strides = array<i32>} : memref<32x16xf32, #tpu.memory_space<vmem>>, vector<16xf32>,
    tpu.vector_store %arg8[%swap3A_211, %swap3A_212], %broadcast_in_dim3A_209 {strides = array<i32>} : memref<32x16xf32, #tpu.memory_space<vmem>>, vector<16xf32>,
    %broadcast_in_dim3A_214 = arith.constant 0 : i32
    %broadcast_in_dim3A_215 = vector.broadcast %broadcast_in_dim3A_214 : i32 to vector<16xi32>
    %swap3A_216 = arith.constant 17 : i32
    %swap3A_217 = arith.index_cast %swap3A_216 : i32 to index
    %swap3A_218 = arith.constant 0 : index
    %swap3A_219 = tpu.vector_load %arg9[%swap3A_217, %swap3A_218] {strides = array<i32>} : memref<32x16xi32, #tpu.memory_space<vmem>>, vector<16xi32>,
    tpu.vector_store %arg9[%swap3A_217, %swap3A_218], %broadcast_in_dim3A_215 {strides = array<i32>} : memref<32x16xi32, #tpu.memory_space<vmem>>, vector<16xi32>,
    %broadcast_in_dim3A_220 = arith.constant 0xFF800000 : f32
    %broadcast_in_dim3A_221 = vector.broadcast %broadcast_in_dim3A_220 : f32 to vector<16xf32>
    %swap3A_222 = arith.constant 18 : i32
    %swap3A_223 = arith.index_cast %swap3A_222 : i32 to index
    %swap3A_224 = arith.constant 0 : index
    %swap3A_225 = tpu.vector_load %arg8[%swap3A_223, %swap3A_224] {strides = array<i32>} : memref<32x16xf32, #tpu.memory_space<vmem>>, vector<16xf32>,
    tpu.vector_store %arg8[%swap3A_223, %swap3A_224], %broadcast_in_dim3A_221 {strides = array<i32>} : memref<32x16xf32, #tpu.memory_space<vmem>>, vector<16xf32>,
    %broadcast_in_dim3A_226 = arith.constant 0 : i32
    %broadcast_in_dim3A_227 = vector.broadcast %broadcast_in_dim3A_226 : i32 to vector<16xi32>
    %swap3A_228 = arith.constant 18 : i32
    %swap3A_229 = arith.index_cast %swap3A_228 : i32 to index
    %swap3A_230 = arith.constant 0 : index
    %swap3A_231 = tpu.vector_load %arg9[%swap3A_229, %swap3A_230] {strides = array<i32>} : memref<32x16xi32, #tpu.memory_space<vmem>>, vector<16xi32>,
    tpu.vector_store %arg9[%swap3A_229, %swap3A_230], %broadcast_in_dim3A_227 {strides = array<i32>} : memref<32x16xi32, #tpu.memory_space<vmem>>, vector<16xi32>,
    %broadcast_in_dim3A_232 = arith.constant 0xFF800000 : f32
    %broadcast_in_dim3A_233 = vector.broadcast %broadcast_in_dim3A_232 : f32 to vector<16xf32>
    %swap3A_234 = arith.constant 19 : i32
    %swap3A_235 = arith.index_cast %swap3A_234 : i32 to index
    %swap3A_236 = arith.constant 0 : index
    %swap3A_237 = tpu.vector_load %arg8[%swap3A_235, %swap3A_236] {strides = array<i32>} : memref<32x16xf32, #tpu.memory_space<vmem>>, vector<16xf32>,
    tpu.vector_store %arg8[%swap3A_235, %swap3A_236], %broadcast_in_dim3A_233 {strides = array<i32>} : memref<32x16xf32, #tpu.memory_space<vmem>>, vector<16xf32>,
    %broadcast_in_dim3A_238 = arith.constant 0 : i32
    %broadcast_in_dim3A_239 = vector.broadcast %broadcast_in_dim3A_238 : i32 to vector<16xi32>
    %swap3A_240 = arith.constant 19 : i32
    %swap3A_241 = arith.index_cast %swap3A_240 : i32 to index
    %swap3A_242 = arith.constant 0 : index
    %swap3A_243 = tpu.vector_load %arg9[%swap3A_241, %swap3A_242] {strides = array<i32>} : memref<32x16xi32, #tpu.memory_space<vmem>>, vector<16xi32>,
    tpu.vector_store %arg9[%swap3A_241, %swap3A_242], %broadcast_in_dim3A_239 {strides = array<i32>} : memref<32x16xi32, #tpu.memory_space<vmem>>, vector<16xi32>,
    %broadcast_in_dim3A_244 = arith.constant 0xFF800000 : f32
    %broadcast_in_dim3A_245 = vector.broadcast %broadcast_in_dim3A_244 : f32 to vector<16xf32>
    %swap3A_246 = arith.constant 20 : i32
    %swap3A_247 = arith.index_cast %swap3A_246 : i32 to index
    %swap3A_248 = arith.constant 0 : index
    %swap3A_249 = tpu.vector_load %arg8[%swap3A_247, %swap3A_248] {strides = array<i32>} : memref<32x16xf32, #tpu.memory_space<vmem>>, vector<16xf32>,
    tpu.vector_store %arg8[%swap3A_247, %swap3A_248], %broadcast_in_dim3A_245 {strides = array<i32>} : memref<32x16xf32, #tpu.memory_space<vmem>>, vector<16xf32>,
    %broadcast_in_dim3A_250 = arith.constant 0 : i32
    %broadcast_in_dim3A_251 = vector.broadcast %broadcast_in_dim3A_250 : i32 to vector<16xi32>
    %swap3A_252 = arith.constant 20 : i32
    %swap3A_253 = arith.index_cast %swap3A_252 : i32 to index
    %swap3A_254 = arith.constant 0 : index
    %swap3A_255 = tpu.vector_load %arg9[%swap3A_253, %swap3A_254] {strides = array<i32>} : memref<32x16xi32, #tpu.memory_space<vmem>>, vector<16xi32>,
    tpu.vector_store %arg9[%swap3A_253, %swap3A_254], %broadcast_in_dim3A_251 {strides = array<i32>} : memref<32x16xi32, #tpu.memory_space<vmem>>, vector<16xi32>,
    %broadcast_in_dim3A_256 = arith.constant 0xFF800000 : f32
    %broadcast_in_dim3A_257 = vector.broadcast %broadcast_in_dim3A_256 : f32 to vector<16xf32>
    %swap3A_258 = arith.constant 21 : i32
    %swap3A_259 = arith.index_cast %swap3A_258 : i32 to index
    %swap3A_260 = arith.constant 0 : index
    %swap3A_261 = tpu.vector_load %arg8[%swap3A_259, %swap3A_260] {strides = array<i32>} : memref<32x16xf32, #tpu.memory_space<vmem>>, vector<16xf32>,
    tpu.vector_store %arg8[%swap3A_259, %swap3A_260], %broadcast_in_dim3A_257 {strides = array<i32>} : memref<32x16xf32, #tpu.memory_space<vmem>>, vector<16xf32>,
    %broadcast_in_dim3A_262 = arith.constant 0 : i32
    %broadcast_in_dim3A_263 = vector.broadcast %broadcast_in_dim3A_262 : i32 to vector<16xi32>
    %swap3A_264 = arith.constant 21 : i32
    %swap3A_265 = arith.index_cast %swap3A_264 : i32 to index
    %swap3A_266 = arith.constant 0 : index
    %swap3A_267 = tpu.vector_load %arg9[%swap3A_265, %swap3A_266] {strides = array<i32>} : memref<32x16xi32, #tpu.memory_space<vmem>>, vector<16xi32>,
    tpu.vector_store %arg9[%swap3A_265, %swap3A_266], %broadcast_in_dim3A_263 {strides = array<i32>} : memref<32x16xi32, #tpu.memory_space<vmem>>, vector<16xi32>,
    %broadcast_in_dim3A_268 = arith.constant 0xFF800000 : f32
    %broadcast_in_dim3A_269 = vector.broadcast %broadcast_in_dim3A_268 : f32 to vector<16xf32>
    %swap3A_270 = arith.constant 22 : i32
    %swap3A_271 = arith.index_cast %swap3A_270 : i32 to index
    %swap3A_272 = arith.constant 0 : index
    %swap3A_273 = tpu.vector_load %arg8[%swap3A_271, %swap3A_272] {strides = array<i32>} : memref<32x16xf32, #tpu.memory_space<vmem>>, vector<16xf32>,
    tpu.vector_store %arg8[%swap3A_271, %swap3A_272], %broadcast_in_dim3A_269 {strides = array<i32>} : memref<32x16xf32, #tpu.memory_space<vmem>>, vector<16xf32>,
    %broadcast_in_dim3A_274 = arith.constant 0 : i32
    %broadcast_in_dim3A_275 = vector.broadcast %broadcast_in_dim3A_274 : i32 to vector<16xi32>
    %swap3A_276 = arith.constant 22 : i32
    %swap3A_277 = arith.index_cast %swap3A_276 : i32 to index
    %swap3A_278 = arith.constant 0 : index
    %swap3A_279 = tpu.vector_load %arg9[%swap3A_277, %swap3A_278] {strides = array<i32>} : memref<32x16xi32, #tpu.memory_space<vmem>>, vector<16xi32>,
    tpu.vector_store %arg9[%swap3A_277, %swap3A_278], %broadcast_in_dim3A_275 {strides = array<i32>} : memref<32x16xi32, #tpu.memory_space<vmem>>, vector<16xi32>,
    %broadcast_in_dim3A_280 = arith.constant 0xFF800000 : f32
    %broadcast_in_dim3A_281 = vector.broadcast %broadcast_in_dim3A_280 : f32 to vector<16xf32>
    %swap3A_282 = arith.constant 23 : i32
    %swap3A_283 = arith.index_cast %swap3A_282 : i32 to index
    %swap3A_284 = arith.constant 0 : index
    %swap3A_285 = tpu.vector_load %arg8[%swap3A_283, %swap3A_284] {strides = array<i32>} : memref<32x16xf32, #tpu.memory_space<vmem>>, vector<16xf32>,
    tpu.vector_store %arg8[%swap3A_283, %swap3A_284], %broadcast_in_dim3A_281 {strides = array<i32>} : memref<32x16xf32, #tpu.memory_space<vmem>>, vector<16xf32>,
    %broadcast_in_dim3A_286 = arith.constant 0 : i32
    %broadcast_in_dim3A_287 = vector.broadcast %broadcast_in_dim3A_286 : i32 to vector<16xi32>
    %swap3A_288 = arith.constant 23 : i32
    %swap3A_289 = arith.index_cast %swap3A_288 : i32 to index
    %swap3A_290 = arith.constant 0 : index
    %swap3A_291 = tpu.vector_load %arg9[%swap3A_289, %swap3A_290] {strides = array<i32>} : memref<32x16xi32, #tpu.memory_space<vmem>>, vector<16xi32>,
    tpu.vector_store %arg9[%swap3A_289, %swap3A_290], %broadcast_in_dim3A_287 {strides = array<i32>} : memref<32x16xi32, #tpu.memory_space<vmem>>, vector<16xi32>,
    %broadcast_in_dim3A_292 = arith.constant 0xFF800000 : f32
    %broadcast_in_dim3A_293 = vector.broadcast %broadcast_in_dim3A_292 : f32 to vector<16xf32>
    %swap3A_294 = arith.constant 24 : i32
    %swap3A_295 = arith.index_cast %swap3A_294 : i32 to index
    %swap3A_296 = arith.constant 0 : index
    %swap3A_297 = tpu.vector_load %arg8[%swap3A_295, %swap3A_296] {strides = array<i32>} : memref<32x16xf32, #tpu.memory_space<vmem>>, vector<16xf32>,
    tpu.vector_store %arg8[%swap3A_295, %swap3A_296], %broadcast_in_dim3A_293 {strides = array<i32>} : memref<32x16xf32, #tpu.memory_space<vmem>>, vector<16xf32>,
    %broadcast_in_dim3A_298 = arith.constant 0 : i32
    %broadcast_in_dim3A_299 = vector.broadcast %broadcast_in_dim3A_298 : i32 to vector<16xi32>
    %swap3A_300 = arith.constant 24 : i32
    %swap3A_301 = arith.index_cast %swap3A_300 : i32 to index
    %swap3A_302 = arith.constant 0 : index
    %swap3A_303 = tpu.vector_load %arg9[%swap3A_301, %swap3A_302] {strides = array<i32>} : memref<32x16xi32, #tpu.memory_space<vmem>>, vector<16xi32>,
    tpu.vector_store %arg9[%swap3A_301, %swap3A_302], %broadcast_in_dim3A_299 {strides = array<i32>} : memref<32x16xi32, #tpu.memory_space<vmem>>, vector<16xi32>,
    %broadcast_in_dim3A_304 = arith.constant 0xFF800000 : f32
    %broadcast_in_dim3A_305 = vector.broadcast %broadcast_in_dim3A_304 : f32 to vector<16xf32>
    %swap3A_306 = arith.constant 25 : i32
    %swap3A_307 = arith.index_cast %swap3A_306 : i32 to index
    %swap3A_308 = arith.constant 0 : index
    %swap3A_309 = tpu.vector_load %arg8[%swap3A_307, %swap3A_308] {strides = array<i32>} : memref<32x16xf32, #tpu.memory_space<vmem>>, vector<16xf32>,
    tpu.vector_store %arg8[%swap3A_307, %swap3A_308], %broadcast_in_dim3A_305 {strides = array<i32>} : memref<32x16xf32, #tpu.memory_space<vmem>>, vector<16xf32>,
    %broadcast_in_dim3A_310 = arith.constant 0 : i32
    %broadcast_in_dim3A_311 = vector.broadcast %broadcast_in_dim3A_310 : i32 to vector<16xi32>
    %swap3A_312 = arith.constant 25 : i32
    %swap3A_313 = arith.index_cast %swap3A_312 : i32 to index
    %swap3A_314 = arith.constant 0 : index
    %swap3A_315 = tpu.vector_load %arg9[%swap3A_313, %swap3A_314] {strides = array<i32>} : memref<32x16xi32, #tpu.memory_space<vmem>>, vector<16xi32>,
    tpu.vector_store %arg9[%swap3A_313, %swap3A_314], %broadcast_in_dim3A_311 {strides = array<i32>} : memref<32x16xi32, #tpu.memory_space<vmem>>, vector<16xi32>,
    %broadcast_in_dim3A_316 = arith.constant 0xFF800000 : f32
    %broadcast_in_dim3A_317 = vector.broadcast %broadcast_in_dim3A_316 : f32 to vector<16xf32>
    %swap3A_318 = arith.constant 26 : i32
    %swap3A_319 = arith.index_cast %swap3A_318 : i32 to index
    %swap3A_320 = arith.constant 0 : index
    %swap3A_321 = tpu.vector_load %arg8[%swap3A_319, %swap3A_320] {strides = array<i32>} : memref<32x16xf32, #tpu.memory_space<vmem>>, vector<16xf32>,
    tpu.vector_store %arg8[%swap3A_319, %swap3A_320], %broadcast_in_dim3A_317 {strides = array<i32>} : memref<32x16xf32, #tpu.memory_space<vmem>>, vector<16xf32>,
    %broadcast_in_dim3A_322 = arith.constant 0 : i32
    %broadcast_in_dim3A_323 = vector.broadcast %broadcast_in_dim3A_322 : i32 to vector<16xi32>
    %swap3A_324 = arith.constant 26 : i32
    %swap3A_325 = arith.index_cast %swap3A_324 : i32 to index
    %swap3A_326 = arith.constant 0 : index
    %swap3A_327 = tpu.vector_load %arg9[%swap3A_325, %swap3A_326] {strides = array<i32>} : memref<32x16xi32, #tpu.memory_space<vmem>>, vector<16xi32>,
    tpu.vector_store %arg9[%swap3A_325, %swap3A_326], %broadcast_in_dim3A_323 {strides = array<i32>} : memref<32x16xi32, #tpu.memory_space<vmem>>, vector<16xi32>,
    %broadcast_in_dim3A_328 = arith.constant 0xFF800000 : f32
    %broadcast_in_dim3A_329 = vector.broadcast %broadcast_in_dim3A_328 : f32 to vector<16xf32>
    %swap3A_330 = arith.constant 27 : i32
    %swap3A_331 = arith.index_cast %swap3A_330 : i32 to index
    %swap3A_332 = arith.constant 0 : index
    %swap3A_333 = tpu.vector_load %arg8[%swap3A_331, %swap3A_332] {strides = array<i32>} : memref<32x16xf32, #tpu.memory_space<vmem>>, vector<16xf32>,
    tpu.vector_store %arg8[%swap3A_331, %swap3A_332], %broadcast_in_dim3A_329 {strides = array<i32>} : memref<32x16xf32, #tpu.memory_space<vmem>>, vector<16xf32>,
    %broadcast_in_dim3A_334 = arith.constant 0 : i32
    %broadcast_in_dim3A_335 = vector.broadcast %broadcast_in_dim3A_334 : i32 to vector<16xi32>
    %swap3A_336 = arith.constant 27 : i32
    %swap3A_337 = arith.index_cast %swap3A_336 : i32 to index
    %swap3A_338 = arith.constant 0 : index
    %swap3A_339 = tpu.vector_load %arg9[%swap3A_337, %swap3A_338] {strides = array<i32>} : memref<32x16xi32, #tpu.memory_space<vmem>>, vector<16xi32>,
    tpu.vector_store %arg9[%swap3A_337, %swap3A_338], %broadcast_in_dim3A_335 {strides = array<i32>} : memref<32x16xi32, #tpu.memory_space<vmem>>, vector<16xi32>,
    %broadcast_in_dim3A_340 = arith.constant 0xFF800000 : f32
    %broadcast_in_dim3A_341 = vector.broadcast %broadcast_in_dim3A_340 : f32 to vector<16xf32>
    %swap3A_342 = arith.constant 28 : i32
    %swap3A_343 = arith.index_cast %swap3A_342 : i32 to index
    %swap3A_344 = arith.constant 0 : index
    %swap3A_345 = tpu.vector_load %arg8[%swap3A_343, %swap3A_344] {strides = array<i32>} : memref<32x16xf32, #tpu.memory_space<vmem>>, vector<16xf32>,
    tpu.vector_store %arg8[%swap3A_343, %swap3A_344], %broadcast_in_dim3A_341 {strides = array<i32>} : memref<32x16xf32, #tpu.memory_space<vmem>>, vector<16xf32>,
    %broadcast_in_dim3A_346 = arith.constant 0 : i32
    %broadcast_in_dim3A_347 = vector.broadcast %broadcast_in_dim3A_346 : i32 to vector<16xi32>
    %swap3A_348 = arith.constant 28 : i32
    %swap3A_349 = arith.index_cast %swap3A_348 : i32 to index
    %swap3A_350 = arith.constant 0 : index
    %swap3A_351 = tpu.vector_load %arg9[%swap3A_349, %swap3A_350] {strides = array<i32>} : memref<32x16xi32, #tpu.memory_space<vmem>>, vector<16xi32>,
    tpu.vector_store %arg9[%swap3A_349, %swap3A_350], %broadcast_in_dim3A_347 {strides = array<i32>} : memref<32x16xi32, #tpu.memory_space<vmem>>, vector<16xi32>,
    %broadcast_in_dim3A_352 = arith.constant 0xFF800000 : f32
    %broadcast_in_dim3A_353 = vector.broadcast %broadcast_in_dim3A_352 : f32 to vector<16xf32>
    %swap3A_354 = arith.constant 29 : i32
    %swap3A_355 = arith.index_cast %swap3A_354 : i32 to index
    %swap3A_356 = arith.constant 0 : index
    %swap3A_357 = tpu.vector_load %arg8[%swap3A_355, %swap3A_356] {strides = array<i32>} : memref<32x16xf32, #tpu.memory_space<vmem>>, vector<16xf32>,
    tpu.vector_store %arg8[%swap3A_355, %swap3A_356], %broadcast_in_dim3A_353 {strides = array<i32>} : memref<32x16xf32, #tpu.memory_space<vmem>>, vector<16xf32>,
    %broadcast_in_dim3A_358 = arith.constant 0 : i32
    %broadcast_in_dim3A_359 = vector.broadcast %broadcast_in_dim3A_358 : i32 to vector<16xi32>
    %swap3A_360 = arith.constant 29 : i32
    %swap3A_361 = arith.index_cast %swap3A_360 : i32 to index
    %swap3A_362 = arith.constant 0 : index
    %swap3A_363 = tpu.vector_load %arg9[%swap3A_361, %swap3A_362] {strides = array<i32>} : memref<32x16xi32, #tpu.memory_space<vmem>>, vector<16xi32>,
    tpu.vector_store %arg9[%swap3A_361, %swap3A_362], %broadcast_in_dim3A_359 {strides = array<i32>} : memref<32x16xi32, #tpu.memory_space<vmem>>, vector<16xi32>,
    %broadcast_in_dim3A_364 = arith.constant 0xFF800000 : f32
    %broadcast_in_dim3A_365 = vector.broadcast %broadcast_in_dim3A_364 : f32 to vector<16xf32>
    %swap3A_366 = arith.constant 30 : i32
    %swap3A_367 = arith.index_cast %swap3A_366 : i32 to index
    %swap3A_368 = arith.constant 0 : index
    %swap3A_369 = tpu.vector_load %arg8[%swap3A_367, %swap3A_368] {strides = array<i32>} : memref<32x16xf32, #tpu.memory_space<vmem>>, vector<16xf32>,
    tpu.vector_store %arg8[%swap3A_367, %swap3A_368], %broadcast_in_dim3A_365 {strides = array<i32>} : memref<32x16xf32, #tpu.memory_space<vmem>>, vector<16xf32>,
    %broadcast_in_dim3A_370 = arith.constant 0 : i32
    %broadcast_in_dim3A_371 = vector.broadcast %broadcast_in_dim3A_370 : i32 to vector<16xi32>
    %swap3A_372 = arith.constant 30 : i32
    %swap3A_373 = arith.index_cast %swap3A_372 : i32 to index
    %swap3A_374 = arith.constant 0 : index
    %swap3A_375 = tpu.vector_load %arg9[%swap3A_373, %swap3A_374] {strides = array<i32>} : memref<32x16xi32, #tpu.memory_space<vmem>>, vector<16xi32>,
    tpu.vector_store %arg9[%swap3A_373, %swap3A_374], %broadcast_in_dim3A_371 {strides = array<i32>} : memref<32x16xi32, #tpu.memory_space<vmem>>, vector<16xi32>,
    %broadcast_in_dim3A_376 = arith.constant 0xFF800000 : f32
    %broadcast_in_dim3A_377 = vector.broadcast %broadcast_in_dim3A_376 : f32 to vector<16xf32>
    %swap3A_378 = arith.constant 31 : i32
    %swap3A_379 = arith.index_cast %swap3A_378 : i32 to index
    %swap3A_380 = arith.constant 0 : index
    %swap3A_381 = tpu.vector_load %arg8[%swap3A_379, %swap3A_380] {strides = array<i32>} : memref<32x16xf32, #tpu.memory_space<vmem>>, vector<16xf32>,
    tpu.vector_store %arg8[%swap3A_379, %swap3A_380], %broadcast_in_dim3A_377 {strides = array<i32>} : memref<32x16xf32, #tpu.memory_space<vmem>>, vector<16xf32>,
    %broadcast_in_dim3A_382 = arith.constant 0 : i32
    %broadcast_in_dim3A_383 = vector.broadcast %broadcast_in_dim3A_382 : i32 to vector<16xi32>
    %swap3A_384 = arith.constant 31 : i32
    %swap3A_385 = arith.index_cast %swap3A_384 : i32 to index
    %swap3A_386 = arith.constant 0 : index
    %swap3A_387 = tpu.vector_load %arg9[%swap3A_385, %swap3A_386] {strides = array<i32>} : memref<32x16xi32, #tpu.memory_space<vmem>>, vector<16xi32>,
    tpu.vector_store %arg9[%swap3A_385, %swap3A_386], %broadcast_in_dim3A_383 {strides = array<i32>} : memref<32x16xi32, #tpu.memory_space<vmem>>, vector<16xi32>,
    %iota3A = tpu.iota {dimensions = array<i32: 0>} : vector<16xi32>
    %mul3A_388 = arith.constant 28 : i32
    %mul3A_389 = vector.broadcast %mul3A_388 : i32 to vector<16xi32>
    %mul3A_390 = arith.muli %iota3A, %mul3A_389 : vector<16xi32>
    %scan3A = arith.constant 0 : i32
    %scan3A_391 = arith.constant 62 : i32
    %scan3A_392 = arith.addi %scan3A, %scan3A_391 : i32
    %scan3A_393 = arith.constant 1 : i32
    scf.for %scan3A_395 = %scan3A to %scan3A_392 step %scan3A_393  : i32 {
      %mul3A_396 = arith.constant 448 : i32
      %mul3A_397 = arith.muli %scan3A_395, %mul3A_396 : i32
      %add3A_398 = vector.broadcast %mul3A_397 : i32 to vector<16xi32>
      %add3A_399 = arith.addi %mul3A_390, %add3A_398 : vector<16xi32>
      %broadcast_in_dim3A_400 = arith.constant 0.000000e+00 : f32
      %broadcast_in_dim3A_401 = vector.broadcast %broadcast_in_dim3A_400 : f32 to vector<16xf32>
      %broadcast_in_dim3A_402 = arith.constant 0.000000e+00 : f32
      %broadcast_in_dim3A_403 = vector.broadcast %broadcast_in_dim3A_402 : f32 to vector<16xf32>
      %broadcast_in_dim3A_404 = arith.constant 0.000000e+00 : f32
      %broadcast_in_dim3A_405 = vector.broadcast %broadcast_in_dim3A_404 : f32 to vector<16xf32>
      %broadcast_in_dim3A_406 = arith.constant 0.000000e+00 : f32
      %broadcast_in_dim3A_407 = vector.broadcast %broadcast_in_dim3A_406 : f32 to vector<16xf32>
      %broadcast_in_dim3A_408 = arith.constant 0.000000e+00 : f32
      %broadcast_in_dim3A_409 = vector.broadcast %broadcast_in_dim3A_408 : f32 to vector<16xf32>
      %broadcast_in_dim3A_410 = arith.constant 0.000000e+00 : f32
      %broadcast_in_dim3A_411 = vector.broadcast %broadcast_in_dim3A_410 : f32 to vector<16xf32>
      %broadcast_in_dim3A_412 = arith.constant 0.000000e+00 : f32
      %broadcast_in_dim3A_413 = vector.broadcast %broadcast_in_dim3A_412 : f32 to vector<16xf32>
      %broadcast_in_dim3A_414 = arith.constant 0.000000e+00 : f32
      %broadcast_in_dim3A_415 = vector.broadcast %broadcast_in_dim3A_414 : f32 to vector<16xf32>
      %broadcast_in_dim3A_416 = arith.constant 0.000000e+00 : f32
      %broadcast_in_dim3A_417 = vector.broadcast %broadcast_in_dim3A_416 : f32 to vector<16xf32>
      %broadcast_in_dim3A_418 = arith.constant 0.000000e+00 : f32
      %broadcast_in_dim3A_419 = vector.broadcast %broadcast_in_dim3A_418 : f32 to vector<16xf32>
      %broadcast_in_dim3A_420 = arith.constant 0.000000e+00 : f32
      %broadcast_in_dim3A_421 = vector.broadcast %broadcast_in_dim3A_420 : f32 to vector<16xf32>
      %broadcast_in_dim3A_422 = arith.constant 0.000000e+00 : f32
      %broadcast_in_dim3A_423 = vector.broadcast %broadcast_in_dim3A_422 : f32 to vector<16xf32>
      %broadcast_in_dim3A_424 = arith.constant 0.000000e+00 : f32
      %broadcast_in_dim3A_425 = vector.broadcast %broadcast_in_dim3A_424 : f32 to vector<16xf32>
      %broadcast_in_dim3A_426 = arith.constant 0.000000e+00 : f32
      %broadcast_in_dim3A_427 = vector.broadcast %broadcast_in_dim3A_426 : f32 to vector<16xf32>
      %broadcast_in_dim3A_428 = arith.constant 0.000000e+00 : f32
      %broadcast_in_dim3A_429 = vector.broadcast %broadcast_in_dim3A_428 : f32 to vector<16xf32>
      %broadcast_in_dim3A_430 = arith.constant 0.000000e+00 : f32
      %broadcast_in_dim3A_431 = vector.broadcast %broadcast_in_dim3A_430 : f32 to vector<16xf32>
      %broadcast_in_dim3A_432 = arith.constant 0.000000e+00 : f32
      %broadcast_in_dim3A_433 = vector.broadcast %broadcast_in_dim3A_432 : f32 to vector<16xf32>
      %broadcast_in_dim3A_434 = arith.constant 0.000000e+00 : f32
      %broadcast_in_dim3A_435 = vector.broadcast %broadcast_in_dim3A_434 : f32 to vector<16xf32>
      %broadcast_in_dim3A_436 = arith.constant 0.000000e+00 : f32
      %broadcast_in_dim3A_437 = vector.broadcast %broadcast_in_dim3A_436 : f32 to vector<16xf32>
      %broadcast_in_dim3A_438 = arith.constant 0.000000e+00 : f32
      %broadcast_in_dim3A_439 = vector.broadcast %broadcast_in_dim3A_438 : f32 to vector<16xf32>
      %broadcast_in_dim3A_440 = arith.constant 0.000000e+00 : f32
      %broadcast_in_dim3A_441 = vector.broadcast %broadcast_in_dim3A_440 : f32 to vector<16xf32>
      %broadcast_in_dim3A_442 = arith.constant 0.000000e+00 : f32
      %broadcast_in_dim3A_443 = vector.broadcast %broadcast_in_dim3A_442 : f32 to vector<16xf32>
      %broadcast_in_dim3A_444 = arith.constant 0.000000e+00 : f32
      %broadcast_in_dim3A_445 = vector.broadcast %broadcast_in_dim3A_444 : f32 to vector<16xf32>
      %broadcast_in_dim3A_446 = arith.constant 0.000000e+00 : f32
      %broadcast_in_dim3A_447 = vector.broadcast %broadcast_in_dim3A_446 : f32 to vector<16xf32>
      %broadcast_in_dim3A_448 = arith.constant 0.000000e+00 : f32
      %broadcast_in_dim3A_449 = vector.broadcast %broadcast_in_dim3A_448 : f32 to vector<16xf32>
      %broadcast_in_dim3A_450 = arith.constant 0.000000e+00 : f32
      %broadcast_in_dim3A_451 = vector.broadcast %broadcast_in_dim3A_450 : f32 to vector<16xf32>
      %broadcast_in_dim3A_452 = arith.constant 0.000000e+00 : f32
      %broadcast_in_dim3A_453 = vector.broadcast %broadcast_in_dim3A_452 : f32 to vector<16xf32>
      %broadcast_in_dim3A_454 = arith.constant 0.000000e+00 : f32
      %broadcast_in_dim3A_455 = vector.broadcast %broadcast_in_dim3A_454 : f32 to vector<16xf32>
      %broadcast_in_dim3A_456 = arith.constant 0.000000e+00 : f32
      %broadcast_in_dim3A_457 = vector.broadcast %broadcast_in_dim3A_456 : f32 to vector<16xf32>
      %broadcast_in_dim3A_458 = arith.constant 0.000000e+00 : f32
      %broadcast_in_dim3A_459 = vector.broadcast %broadcast_in_dim3A_458 : f32 to vector<16xf32>
      %broadcast_in_dim3A_460 = arith.constant 0.000000e+00 : f32
      %broadcast_in_dim3A_461 = vector.broadcast %broadcast_in_dim3A_460 : f32 to vector<16xf32>
      %broadcast_in_dim3A_462 = arith.constant 0.000000e+00 : f32
      %broadcast_in_dim3A_463 = vector.broadcast %broadcast_in_dim3A_462 : f32 to vector<16xf32>
      %scan3A_464 = arith.constant 0 : i32
      %scan3A_465 = arith.constant 14 : i32
      %scan3A_466 = arith.addi %scan3A_464, %scan3A_465 : i32
      %scan3A_467 = arith.constant 1 : i32
      %scan3A_468:32 = scf.for %scan3A_1081 = %scan3A_464 to %scan3A_466 step %scan3A_467 iter_args(%scan3A_1082 = %broadcast_in_dim3A_401, %scan3A_1083 = %broadcast_in_dim3A_403, %scan3A_1084 = %broadcast_in_dim3A_405, %scan3A_1085 = %broadcast_in_dim3A_407, %scan3A_1086 = %broadcast_in_dim3A_409, %scan3A_1087 = %broadcast_in_dim3A_411, %scan3A_1088 = %broadcast_in_dim3A_413, %scan3A_1089 = %broadcast_in_dim3A_415, %scan3A_1090 = %broadcast_in_dim3A_417, %scan3A_1091 = %broadcast_in_dim3A_419, %scan3A_1092 = %broadcast_in_dim3A_421, %scan3A_1093 = %broadcast_in_dim3A_423, %scan3A_1094 = %broadcast_in_dim3A_425, %scan3A_1095 = %broadcast_in_dim3A_427, %scan3A_1096 = %broadcast_in_dim3A_429, %scan3A_1097 = %broadcast_in_dim3A_431, %scan3A_1098 = %broadcast_in_dim3A_433, %scan3A_1099 = %broadcast_in_dim3A_435, %scan3A_1100 = %broadcast_in_dim3A_437, %scan3A_1101 = %broadcast_in_dim3A_439, %scan3A_1102 = %broadcast_in_dim3A_441, %scan3A_1103 = %broadcast_in_dim3A_443, %scan3A_1104 = %broadcast_in_dim3A_445, %scan3A_1105 = %broadcast_in_dim3A_447, %scan3A_1106 = %broadcast_in_dim3A_449, %scan3A_1107 = %broadcast_in_dim3A_451, %scan3A_1108 = %broadcast_in_dim3A_453, %scan3A_1109 = %broadcast_in_dim3A_455, %scan3A_1110 = %broadcast_in_dim3A_457, %scan3A_1111 = %broadcast_in_dim3A_459, %scan3A_1112 = %broadcast_in_dim3A_461, %scan3A_1113 = %broadcast_in_dim3A_463) -> (vector<16xf32>, vector<16xf32>, vector<16xf32>, vector<16xf32>, vector<16xf32>, vector<16xf32>, vector<16xf32>, vector<16xf32>, vector<16xf32>, vector<16xf32>, vector<16xf32>, vector<16xf32>, vector<16xf32>, vector<16xf32>, vector<16xf32>, vector<16xf32>, vector<16xf32>, vector<16xf32>, vector<16xf32>, vector<16xf32>, vector<16xf32>, vector<16xf32>, vector<16xf32>, vector<16xf32>, vector<16xf32>, vector<16xf32>, vector<16xf32>, vector<16xf32>, vector<16xf32>, vector<16xf32>, vector<16xf32>, vector<16xf32>)  : i32 {
        %mul3A_1114 = arith.constant 2 : i32
        %mul3A_1115 = arith.muli %mul3A_1114, %scan3A_1081 : i32
        %add3A_1116 = vector.broadcast %mul3A_1115 : i32 to vector<16xi32>
        %add3A_1117 = arith.addi %add3A_399, %add3A_1116 : vector<16xi32>
        %gather3A = tpu.vector_load_idx %arg7[%add3A_1117] : memref<27776xi32, #tpu.memory_space<vmem>>[vector<16xi32>], vector<16xi32>,
        %add3A_1118 = arith.constant 1 : i32
        %add3A_1119 = arith.addi %mul3A_1115, %add3A_1118 : i32
        %add3A_1120 = vector.broadcast %add3A_1119 : i32 to vector<16xi32>
        %add3A_1121 = arith.addi %add3A_399, %add3A_1120 : vector<16xi32>
        %gather3A_1122 = tpu.vector_load_idx %arg7[%add3A_1121] : memref<27776xi32, #tpu.memory_space<vmem>>[vector<16xi32>], vector<16xi32>,
        %mul3A_1123 = arith.constant 81 : i32
        %mul3A_1124 = arith.muli %mul3A_1115, %mul3A_1123 : i32
        %add3A_1125 = vector.broadcast %mul3A_1124 : i32 to vector<16xi32>
        %add3A_1126 = arith.addi %gather3A, %add3A_1125 : vector<16xi32>
        %mul3A_1127 = arith.constant 81 : i32
        %mul3A_1128 = arith.muli %mul3A_1115, %mul3A_1127 : i32
        %add3A_1129 = vector.broadcast %mul3A_1128 : i32 to vector<16xi32>
        %add3A_1130 = arith.addi %gather3A_1122, %add3A_1129 : vector<16xi32>
        %add3A_1131 = arith.constant 81 : i32
        %add3A_1132 = vector.broadcast %add3A_1131 : i32 to vector<16xi32>
        %add3A_1133 = arith.addi %add3A_1130, %add3A_1132 : vector<16xi32>
        %add3A_1134 = arith.constant 0 : i32
        %add3A_1135 = vector.broadcast %add3A_1134 : i32 to vector<16xi32>
        %add3A_1136 = arith.addi %add3A_1126, %add3A_1135 : vector<16xi32>
        %gather3A_1137 = tpu.vector_load_idx %arg6[%add3A_1136] : memref<72576xf32, #tpu.memory_space<vmem>>[vector<16xi32>], vector<16xf32>,
        %add3A_1138 = arith.addf %scan3A_1082, %gather3A_1137 : vector<16xf32>
        %add3A_1139 = arith.constant 2268 : i32
        %add3A_1140 = vector.broadcast %add3A_1139 : i32 to vector<16xi32>
        %add3A_1141 = arith.addi %add3A_1126, %add3A_1140 : vector<16xi32>
        %gather3A_1142 = tpu.vector_load_idx %arg6[%add3A_1141] : memref<72576xf32, #tpu.memory_space<vmem>>[vector<16xi32>], vector<16xf32>,
        %add3A_1143 = arith.addf %scan3A_1083, %gather3A_1142 : vector<16xf32>
        %add3A_1144 = arith.constant 4536 : i32
        %add3A_1145 = vector.broadcast %add3A_1144 : i32 to vector<16xi32>
        %add3A_1146 = arith.addi %add3A_1126, %add3A_1145 : vector<16xi32>
        %gather3A_1147 = tpu.vector_load_idx %arg6[%add3A_1146] : memref<72576xf32, #tpu.memory_space<vmem>>[vector<16xi32>], vector<16xf32>,
        %add3A_1148 = arith.addf %scan3A_1084, %gather3A_1147 : vector<16xf32>
        %add3A_1149 = arith.constant 6804 : i32
        %add3A_1150 = vector.broadcast %add3A_1149 : i32 to vector<16xi32>
        %add3A_1151 = arith.addi %add3A_1126, %add3A_1150 : vector<16xi32>
        %gather3A_1152 = tpu.vector_load_idx %arg6[%add3A_1151] : memref<72576xf32, #tpu.memory_space<vmem>>[vector<16xi32>], vector<16xf32>,
        %add3A_1153 = arith.addf %scan3A_1085, %gather3A_1152 : vector<16xf32>
        %add3A_1154 = arith.constant 9072 : i32
        %add3A_1155 = vector.broadcast %add3A_1154 : i32 to vector<16xi32>
        %add3A_1156 = arith.addi %add3A_1126, %add3A_1155 : vector<16xi32>
        %gather3A_1157 = tpu.vector_load_idx %arg6[%add3A_1156] : memref<72576xf32, #tpu.memory_space<vmem>>[vector<16xi32>], vector<16xf32>,
        %add3A_1158 = arith.addf %scan3A_1086, %gather3A_1157 : vector<16xf32>
        %add3A_1159 = arith.constant 11340 : i32
        %add3A_1160 = vector.broadcast %add3A_1159 : i32 to vector<16xi32>
        %add3A_1161 = arith.addi %add3A_1126, %add3A_1160 : vector<16xi32>
        %gather3A_1162 = tpu.vector_load_idx %arg6[%add3A_1161] : memref<72576xf32, #tpu.memory_space<vmem>>[vector<16xi32>], vector<16xf32>,
        %add3A_1163 = arith.addf %scan3A_1087, %gather3A_1162 : vector<16xf32>
        %add3A_1164 = arith.constant 13608 : i32
        %add3A_1165 = vector.broadcast %add3A_1164 : i32 to vector<16xi32>
        %add3A_1166 = arith.addi %add3A_1126, %add3A_1165 : vector<16xi32>
        %gather3A_1167 = tpu.vector_load_idx %arg6[%add3A_1166] : memref<72576xf32, #tpu.memory_space<vmem>>[vector<16xi32>], vector<16xf32>,
        %add3A_1168 = arith.addf %scan3A_1088, %gather3A_1167 : vector<16xf32>
        %add3A_1169 = arith.constant 15876 : i32
        %add3A_1170 = vector.broadcast %add3A_1169 : i32 to vector<16xi32>
        %add3A_1171 = arith.addi %add3A_1126, %add3A_1170 : vector<16xi32>
        %gather3A_1172 = tpu.vector_load_idx %arg6[%add3A_1171] : memref<72576xf32, #tpu.memory_space<vmem>>[vector<16xi32>], vector<16xf32>,
        %add3A_1173 = arith.addf %scan3A_1089, %gather3A_1172 : vector<16xf32>
        %add3A_1174 = arith.constant 18144 : i32
        %add3A_1175 = vector.broadcast %add3A_1174 : i32 to vector<16xi32>
        %add3A_1176 = arith.addi %add3A_1126, %add3A_1175 : vector<16xi32>
        %gather3A_1177 = tpu.vector_load_idx %arg6[%add3A_1176] : memref<72576xf32, #tpu.memory_space<vmem>>[vector<16xi32>], vector<16xf32>,
        %add3A_1178 = arith.addf %scan3A_1090, %gather3A_1177 : vector<16xf32>
        %add3A_1179 = arith.constant 20412 : i32
        %add3A_1180 = vector.broadcast %add3A_1179 : i32 to vector<16xi32>
        %add3A_1181 = arith.addi %add3A_1126, %add3A_1180 : vector<16xi32>
        %gather3A_1182 = tpu.vector_load_idx %arg6[%add3A_1181] : memref<72576xf32, #tpu.memory_space<vmem>>[vector<16xi32>], vector<16xf32>,
        %add3A_1183 = arith.addf %scan3A_1091, %gather3A_1182 : vector<16xf32>
        %add3A_1184 = arith.constant 22680 : i32
        %add3A_1185 = vector.broadcast %add3A_1184 : i32 to vector<16xi32>
        %add3A_1186 = arith.addi %add3A_1126, %add3A_1185 : vector<16xi32>
        %gather3A_1187 = tpu.vector_load_idx %arg6[%add3A_1186] : memref<72576xf32, #tpu.memory_space<vmem>>[vector<16xi32>], vector<16xf32>,
        %add3A_1188 = arith.addf %scan3A_1092, %gather3A_1187 : vector<16xf32>
        %add3A_1189 = arith.constant 24948 : i32
        %add3A_1190 = vector.broadcast %add3A_1189 : i32 to vector<16xi32>
        %add3A_1191 = arith.addi %add3A_1126, %add3A_1190 : vector<16xi32>
        %gather3A_1192 = tpu.vector_load_idx %arg6[%add3A_1191] : memref<72576xf32, #tpu.memory_space<vmem>>[vector<16xi32>], vector<16xf32>,
        %add3A_1193 = arith.addf %scan3A_1093, %gather3A_1192 : vector<16xf32>
        %add3A_1194 = arith.constant 27216 : i32
        %add3A_1195 = vector.broadcast %add3A_1194 : i32 to vector<16xi32>
        %add3A_1196 = arith.addi %add3A_1126, %add3A_1195 : vector<16xi32>
        %gather3A_1197 = tpu.vector_load_idx %arg6[%add3A_1196] : memref<72576xf32, #tpu.memory_space<vmem>>[vector<16xi32>], vector<16xf32>,
        %add3A_1198 = arith.addf %scan3A_1094, %gather3A_1197 : vector<16xf32>
        %add3A_1199 = arith.constant 29484 : i32
        %add3A_1200 = vector.broadcast %add3A_1199 : i32 to vector<16xi32>
        %add3A_1201 = arith.addi %add3A_1126, %add3A_1200 : vector<16xi32>
        %gather3A_1202 = tpu.vector_load_idx %arg6[%add3A_1201] : memref<72576xf32, #tpu.memory_space<vmem>>[vector<16xi32>], vector<16xf32>,
        %add3A_1203 = arith.addf %scan3A_1095, %gather3A_1202 : vector<16xf32>
        %add3A_1204 = arith.constant 31752 : i32
        %add3A_1205 = vector.broadcast %add3A_1204 : i32 to vector<16xi32>
        %add3A_1206 = arith.addi %add3A_1126, %add3A_1205 : vector<16xi32>
        %gather3A_1207 = tpu.vector_load_idx %arg6[%add3A_1206] : memref<72576xf32, #tpu.memory_space<vmem>>[vector<16xi32>], vector<16xf32>,
        %add3A_1208 = arith.addf %scan3A_1096, %gather3A_1207 : vector<16xf32>
        %add3A_1209 = arith.constant 34020 : i32
        %add3A_1210 = vector.broadcast %add3A_1209 : i32 to vector<16xi32>
        %add3A_1211 = arith.addi %add3A_1126, %add3A_1210 : vector<16xi32>
        %gather3A_1212 = tpu.vector_load_idx %arg6[%add3A_1211] : memref<72576xf32, #tpu.memory_space<vmem>>[vector<16xi32>], vector<16xf32>,
        %add3A_1213 = arith.addf %scan3A_1097, %gather3A_1212 : vector<16xf32>
        %add3A_1214 = arith.constant 36288 : i32
        %add3A_1215 = vector.broadcast %add3A_1214 : i32 to vector<16xi32>
        %add3A_1216 = arith.addi %add3A_1126, %add3A_1215 : vector<16xi32>
        %gather3A_1217 = tpu.vector_load_idx %arg6[%add3A_1216] : memref<72576xf32, #tpu.memory_space<vmem>>[vector<16xi32>], vector<16xf32>,
        %add3A_1218 = arith.addf %scan3A_1098, %gather3A_1217 : vector<16xf32>
        %add3A_1219 = arith.constant 38556 : i32
        %add3A_1220 = vector.broadcast %add3A_1219 : i32 to vector<16xi32>
        %add3A_1221 = arith.addi %add3A_1126, %add3A_1220 : vector<16xi32>
        %gather3A_1222 = tpu.vector_load_idx %arg6[%add3A_1221] : memref<72576xf32, #tpu.memory_space<vmem>>[vector<16xi32>], vector<16xf32>,
        %add3A_1223 = arith.addf %scan3A_1099, %gather3A_1222 : vector<16xf32>
        %add3A_1224 = arith.constant 40824 : i32
        %add3A_1225 = vector.broadcast %add3A_1224 : i32 to vector<16xi32>
        %add3A_1226 = arith.addi %add3A_1126, %add3A_1225 : vector<16xi32>
        %gather3A_1227 = tpu.vector_load_idx %arg6[%add3A_1226] : memref<72576xf32, #tpu.memory_space<vmem>>[vector<16xi32>], vector<16xf32>,
        %add3A_1228 = arith.addf %scan3A_1100, %gather3A_1227 : vector<16xf32>
        %add3A_1229 = arith.constant 43092 : i32
        %add3A_1230 = vector.broadcast %add3A_1229 : i32 to vector<16xi32>
        %add3A_1231 = arith.addi %add3A_1126, %add3A_1230 : vector<16xi32>
        %gather3A_1232 = tpu.vector_load_idx %arg6[%add3A_1231] : memref<72576xf32, #tpu.memory_space<vmem>>[vector<16xi32>], vector<16xf32>,
        %add3A_1233 = arith.addf %scan3A_1101, %gather3A_1232 : vector<16xf32>
        %add3A_1234 = arith.constant 45360 : i32
        %add3A_1235 = vector.broadcast %add3A_1234 : i32 to vector<16xi32>
        %add3A_1236 = arith.addi %add3A_1126, %add3A_1235 : vector<16xi32>
        %gather3A_1237 = tpu.vector_load_idx %arg6[%add3A_1236] : memref<72576xf32, #tpu.memory_space<vmem>>[vector<16xi32>], vector<16xf32>,
        %add3A_1238 = arith.addf %scan3A_1102, %gather3A_1237 : vector<16xf32>
        %add3A_1239 = arith.constant 47628 : i32
        %add3A_1240 = vector.broadcast %add3A_1239 : i32 to vector<16xi32>
        %add3A_1241 = arith.addi %add3A_1126, %add3A_1240 : vector<16xi32>
        %gather3A_1242 = tpu.vector_load_idx %arg6[%add3A_1241] : memref<72576xf32, #tpu.memory_space<vmem>>[vector<16xi32>], vector<16xf32>,
        %add3A_1243 = arith.addf %scan3A_1103, %gather3A_1242 : vector<16xf32>
        %add3A_1244 = arith.constant 49896 : i32
        %add3A_1245 = vector.broadcast %add3A_1244 : i32 to vector<16xi32>
        %add3A_1246 = arith.addi %add3A_1126, %add3A_1245 : vector<16xi32>
        %gather3A_1247 = tpu.vector_load_idx %arg6[%add3A_1246] : memref<72576xf32, #tpu.memory_space<vmem>>[vector<16xi32>], vector<16xf32>,
        %add3A_1248 = arith.addf %scan3A_1104, %gather3A_1247 : vector<16xf32>
        %add3A_1249 = arith.constant 52164 : i32
        %add3A_1250 = vector.broadcast %add3A_1249 : i32 to vector<16xi32>
        %add3A_1251 = arith.addi %add3A_1126, %add3A_1250 : vector<16xi32>
        %gather3A_1252 = tpu.vector_load_idx %arg6[%add3A_1251] : memref<72576xf32, #tpu.memory_space<vmem>>[vector<16xi32>], vector<16xf32>,
        %add3A_1253 = arith.addf %scan3A_1105, %gather3A_1252 : vector<16xf32>
        %add3A_1254 = arith.constant 54432 : i32
        %add3A_1255 = vector.broadcast %add3A_1254 : i32 to vector<16xi32>
        %add3A_1256 = arith.addi %add3A_1126, %add3A_1255 : vector<16xi32>
        %gather3A_1257 = tpu.vector_load_idx %arg6[%add3A_1256] : memref<72576xf32, #tpu.memory_space<vmem>>[vector<16xi32>], vector<16xf32>,
        %add3A_1258 = arith.addf %scan3A_1106, %gather3A_1257 : vector<16xf32>
        %add3A_1259 = arith.constant 56700 : i32
        %add3A_1260 = vector.broadcast %add3A_1259 : i32 to vector<16xi32>
        %add3A_1261 = arith.addi %add3A_1126, %add3A_1260 : vector<16xi32>
        %gather3A_1262 = tpu.vector_load_idx %arg6[%add3A_1261] : memref<72576xf32, #tpu.memory_space<vmem>>[vector<16xi32>], vector<16xf32>,
        %add3A_1263 = arith.addf %scan3A_1107, %gather3A_1262 : vector<16xf32>
        %add3A_1264 = arith.constant 58968 : i32
        %add3A_1265 = vector.broadcast %add3A_1264 : i32 to vector<16xi32>
        %add3A_1266 = arith.addi %add3A_1126, %add3A_1265 : vector<16xi32>
        %gather3A_1267 = tpu.vector_load_idx %arg6[%add3A_1266] : memref<72576xf32, #tpu.memory_space<vmem>>[vector<16xi32>], vector<16xf32>,
        %add3A_1268 = arith.addf %scan3A_1108, %gather3A_1267 : vector<16xf32>
        %add3A_1269 = arith.constant 61236 : i32
        %add3A_1270 = vector.broadcast %add3A_1269 : i32 to vector<16xi32>
        %add3A_1271 = arith.addi %add3A_1126, %add3A_1270 : vector<16xi32>
        %gather3A_1272 = tpu.vector_load_idx %arg6[%add3A_1271] : memref<72576xf32, #tpu.memory_space<vmem>>[vector<16xi32>], vector<16xf32>,
        %add3A_1273 = arith.addf %scan3A_1109, %gather3A_1272 : vector<16xf32>
        %add3A_1274 = arith.constant 63504 : i32
        %add3A_1275 = vector.broadcast %add3A_1274 : i32 to vector<16xi32>
        %add3A_1276 = arith.addi %add3A_1126, %add3A_1275 : vector<16xi32>
        %gather3A_1277 = tpu.vector_load_idx %arg6[%add3A_1276] : memref<72576xf32, #tpu.memory_space<vmem>>[vector<16xi32>], vector<16xf32>,
        %add3A_1278 = arith.addf %scan3A_1110, %gather3A_1277 : vector<16xf32>
        %add3A_1279 = arith.constant 65772 : i32
        %add3A_1280 = vector.broadcast %add3A_1279 : i32 to vector<16xi32>
        %add3A_1281 = arith.addi %add3A_1126, %add3A_1280 : vector<16xi32>
        %gather3A_1282 = tpu.vector_load_idx %arg6[%add3A_1281] : memref<72576xf32, #tpu.memory_space<vmem>>[vector<16xi32>], vector<16xf32>,
        %add3A_1283 = arith.addf %scan3A_1111, %gather3A_1282 : vector<16xf32>
        %add3A_1284 = arith.constant 68040 : i32
        %add3A_1285 = vector.broadcast %add3A_1284 : i32 to vector<16xi32>
        %add3A_1286 = arith.addi %add3A_1126, %add3A_1285 : vector<16xi32>
        %gather3A_1287 = tpu.vector_load_idx %arg6[%add3A_1286] : memref<72576xf32, #tpu.memory_space<vmem>>[vector<16xi32>], vector<16xf32>,
        %add3A_1288 = arith.addf %scan3A_1112, %gather3A_1287 : vector<16xf32>
        %add3A_1289 = arith.constant 70308 : i32
        %add3A_1290 = vector.broadcast %add3A_1289 : i32 to vector<16xi32>
        %add3A_1291 = arith.addi %add3A_1126, %add3A_1290 : vector<16xi32>
        %gather3A_1292 = tpu.vector_load_idx %arg6[%add3A_1291] : memref<72576xf32, #tpu.memory_space<vmem>>[vector<16xi32>], vector<16xf32>,
        %add3A_1293 = arith.addf %scan3A_1113, %gather3A_1292 : vector<16xf32>
        %add3A_1294 = arith.constant 0 : i32
        %add3A_1295 = vector.broadcast %add3A_1294 : i32 to vector<16xi32>
        %add3A_1296 = arith.addi %add3A_1133, %add3A_1295 : vector<16xi32>
        %gather3A_1297 = tpu.vector_load_idx %arg6[%add3A_1296] : memref<72576xf32, #tpu.memory_space<vmem>>[vector<16xi32>], vector<16xf32>,
        %add3A_1298 = arith.addf %add3A_1138, %gather3A_1297 : vector<16xf32>
        %add3A_1299 = arith.constant 2268 : i32
        %add3A_1300 = vector.broadcast %add3A_1299 : i32 to vector<16xi32>
        %add3A_1301 = arith.addi %add3A_1133, %add3A_1300 : vector<16xi32>
        %gather3A_1302 = tpu.vector_load_idx %arg6[%add3A_1301] : memref<72576xf32, #tpu.memory_space<vmem>>[vector<16xi32>], vector<16xf32>,
        %add3A_1303 = arith.addf %add3A_1143, %gather3A_1302 : vector<16xf32>
        %add3A_1304 = arith.constant 4536 : i32
        %add3A_1305 = vector.broadcast %add3A_1304 : i32 to vector<16xi32>
        %add3A_1306 = arith.addi %add3A_1133, %add3A_1305 : vector<16xi32>
        %gather3A_1307 = tpu.vector_load_idx %arg6[%add3A_1306] : memref<72576xf32, #tpu.memory_space<vmem>>[vector<16xi32>], vector<16xf32>,
        %add3A_1308 = arith.addf %add3A_1148, %gather3A_1307 : vector<16xf32>
        %add3A_1309 = arith.constant 6804 : i32
        %add3A_1310 = vector.broadcast %add3A_1309 : i32 to vector<16xi32>
        %add3A_1311 = arith.addi %add3A_1133, %add3A_1310 : vector<16xi32>
        %gather3A_1312 = tpu.vector_load_idx %arg6[%add3A_1311] : memref<72576xf32, #tpu.memory_space<vmem>>[vector<16xi32>], vector<16xf32>,
        %add3A_1313 = arith.addf %add3A_1153, %gather3A_1312 : vector<16xf32>
        %add3A_1314 = arith.constant 9072 : i32
        %add3A_1315 = vector.broadcast %add3A_1314 : i32 to vector<16xi32>
        %add3A_1316 = arith.addi %add3A_1133, %add3A_1315 : vector<16xi32>
        %gather3A_1317 = tpu.vector_load_idx %arg6[%add3A_1316] : memref<72576xf32, #tpu.memory_space<vmem>>[vector<16xi32>], vector<16xf32>,
        %add3A_1318 = arith.addf %add3A_1158, %gather3A_1317 : vector<16xf32>
        %add3A_1319 = arith.constant 11340 : i32
        %add3A_1320 = vector.broadcast %add3A_1319 : i32 to vector<16xi32>
        %add3A_1321 = arith.addi %add3A_1133, %add3A_1320 : vector<16xi32>
        %gather3A_1322 = tpu.vector_load_idx %arg6[%add3A_1321] : memref<72576xf32, #tpu.memory_space<vmem>>[vector<16xi32>], vector<16xf32>,
        %add3A_1323 = arith.addf %add3A_1163, %gather3A_1322 : vector<16xf32>
        %add3A_1324 = arith.constant 13608 : i32
        %add3A_1325 = vector.broadcast %add3A_1324 : i32 to vector<16xi32>
        %add3A_1326 = arith.addi %add3A_1133, %add3A_1325 : vector<16xi32>
        %gather3A_1327 = tpu.vector_load_idx %arg6[%add3A_1326] : memref<72576xf32, #tpu.memory_space<vmem>>[vector<16xi32>], vector<16xf32>,
        %add3A_1328 = arith.addf %add3A_1168, %gather3A_1327 : vector<16xf32>
        %add3A_1329 = arith.constant 15876 : i32
        %add3A_1330 = vector.broadcast %add3A_1329 : i32 to vector<16xi32>
        %add3A_1331 = arith.addi %add3A_1133, %add3A_1330 : vector<16xi32>
        %gather3A_1332 = tpu.vector_load_idx %arg6[%add3A_1331] : memref<72576xf32, #tpu.memory_space<vmem>>[vector<16xi32>], vector<16xf32>,
        %add3A_1333 = arith.addf %add3A_1173, %gather3A_1332 : vector<16xf32>
        %add3A_1334 = arith.constant 18144 : i32
        %add3A_1335 = vector.broadcast %add3A_1334 : i32 to vector<16xi32>
        %add3A_1336 = arith.addi %add3A_1133, %add3A_1335 : vector<16xi32>
        %gather3A_1337 = tpu.vector_load_idx %arg6[%add3A_1336] : memref<72576xf32, #tpu.memory_space<vmem>>[vector<16xi32>], vector<16xf32>,
        %add3A_1338 = arith.addf %add3A_1178, %gather3A_1337 : vector<16xf32>
        %add3A_1339 = arith.constant 20412 : i32
        %add3A_1340 = vector.broadcast %add3A_1339 : i32 to vector<16xi32>
        %add3A_1341 = arith.addi %add3A_1133, %add3A_1340 : vector<16xi32>
        %gather3A_1342 = tpu.vector_load_idx %arg6[%add3A_1341] : memref<72576xf32, #tpu.memory_space<vmem>>[vector<16xi32>], vector<16xf32>,
        %add3A_1343 = arith.addf %add3A_1183, %gather3A_1342 : vector<16xf32>
        %add3A_1344 = arith.constant 22680 : i32
        %add3A_1345 = vector.broadcast %add3A_1344 : i32 to vector<16xi32>
        %add3A_1346 = arith.addi %add3A_1133, %add3A_1345 : vector<16xi32>
        %gather3A_1347 = tpu.vector_load_idx %arg6[%add3A_1346] : memref<72576xf32, #tpu.memory_space<vmem>>[vector<16xi32>], vector<16xf32>,
        %add3A_1348 = arith.addf %add3A_1188, %gather3A_1347 : vector<16xf32>
        %add3A_1349 = arith.constant 24948 : i32
        %add3A_1350 = vector.broadcast %add3A_1349 : i32 to vector<16xi32>
        %add3A_1351 = arith.addi %add3A_1133, %add3A_1350 : vector<16xi32>
        %gather3A_1352 = tpu.vector_load_idx %arg6[%add3A_1351] : memref<72576xf32, #tpu.memory_space<vmem>>[vector<16xi32>], vector<16xf32>,
        %add3A_1353 = arith.addf %add3A_1193, %gather3A_1352 : vector<16xf32>
        %add3A_1354 = arith.constant 27216 : i32
        %add3A_1355 = vector.broadcast %add3A_1354 : i32 to vector<16xi32>
        %add3A_1356 = arith.addi %add3A_1133, %add3A_1355 : vector<16xi32>
        %gather3A_1357 = tpu.vector_load_idx %arg6[%add3A_1356] : memref<72576xf32, #tpu.memory_space<vmem>>[vector<16xi32>], vector<16xf32>,
        %add3A_1358 = arith.addf %add3A_1198, %gather3A_1357 : vector<16xf32>
        %add3A_1359 = arith.constant 29484 : i32
        %add3A_1360 = vector.broadcast %add3A_1359 : i32 to vector<16xi32>
        %add3A_1361 = arith.addi %add3A_1133, %add3A_1360 : vector<16xi32>
        %gather3A_1362 = tpu.vector_load_idx %arg6[%add3A_1361] : memref<72576xf32, #tpu.memory_space<vmem>>[vector<16xi32>], vector<16xf32>,
        %add3A_1363 = arith.addf %add3A_1203, %gather3A_1362 : vector<16xf32>
        %add3A_1364 = arith.constant 31752 : i32
        %add3A_1365 = vector.broadcast %add3A_1364 : i32 to vector<16xi32>
        %add3A_1366 = arith.addi %add3A_1133, %add3A_1365 : vector<16xi32>
        %gather3A_1367 = tpu.vector_load_idx %arg6[%add3A_1366] : memref<72576xf32, #tpu.memory_space<vmem>>[vector<16xi32>], vector<16xf32>,
        %add3A_1368 = arith.addf %add3A_1208, %gather3A_1367 : vector<16xf32>
        %add3A_1369 = arith.constant 34020 : i32
        %add3A_1370 = vector.broadcast %add3A_1369 : i32 to vector<16xi32>
        %add3A_1371 = arith.addi %add3A_1133, %add3A_1370 : vector<16xi32>
        %gather3A_1372 = tpu.vector_load_idx %arg6[%add3A_1371] : memref<72576xf32, #tpu.memory_space<vmem>>[vector<16xi32>], vector<16xf32>,
        %add3A_1373 = arith.addf %add3A_1213, %gather3A_1372 : vector<16xf32>
        %add3A_1374 = arith.constant 36288 : i32
        %add3A_1375 = vector.broadcast %add3A_1374 : i32 to vector<16xi32>
        %add3A_1376 = arith.addi %add3A_1133, %add3A_1375 : vector<16xi32>
        %gather3A_1377 = tpu.vector_load_idx %arg6[%add3A_1376] : memref<72576xf32, #tpu.memory_space<vmem>>[vector<16xi32>], vector<16xf32>,
        %add3A_1378 = arith.addf %add3A_1218, %gather3A_1377 : vector<16xf32>
        %add3A_1379 = arith.constant 38556 : i32
        %add3A_1380 = vector.broadcast %add3A_1379 : i32 to vector<16xi32>
        %add3A_1381 = arith.addi %add3A_1133, %add3A_1380 : vector<16xi32>
        %gather3A_1382 = tpu.vector_load_idx %arg6[%add3A_1381] : memref<72576xf32, #tpu.memory_space<vmem>>[vector<16xi32>], vector<16xf32>,
        %add3A_1383 = arith.addf %add3A_1223, %gather3A_1382 : vector<16xf32>
        %add3A_1384 = arith.constant 40824 : i32
        %add3A_1385 = vector.broadcast %add3A_1384 : i32 to vector<16xi32>
        %add3A_1386 = arith.addi %add3A_1133, %add3A_1385 : vector<16xi32>
        %gather3A_1387 = tpu.vector_load_idx %arg6[%add3A_1386] : memref<72576xf32, #tpu.memory_space<vmem>>[vector<16xi32>], vector<16xf32>,
        %add3A_1388 = arith.addf %add3A_1228, %gather3A_1387 : vector<16xf32>
        %add3A_1389 = arith.constant 43092 : i32
        %add3A_1390 = vector.broadcast %add3A_1389 : i32 to vector<16xi32>
        %add3A_1391 = arith.addi %add3A_1133, %add3A_1390 : vector<16xi32>
        %gather3A_1392 = tpu.vector_load_idx %arg6[%add3A_1391] : memref<72576xf32, #tpu.memory_space<vmem>>[vector<16xi32>], vector<16xf32>,
        %add3A_1393 = arith.addf %add3A_1233, %gather3A_1392 : vector<16xf32>
        %add3A_1394 = arith.constant 45360 : i32
        %add3A_1395 = vector.broadcast %add3A_1394 : i32 to vector<16xi32>
        %add3A_1396 = arith.addi %add3A_1133, %add3A_1395 : vector<16xi32>
        %gather3A_1397 = tpu.vector_load_idx %arg6[%add3A_1396] : memref<72576xf32, #tpu.memory_space<vmem>>[vector<16xi32>], vector<16xf32>,
        %add3A_1398 = arith.addf %add3A_1238, %gather3A_1397 : vector<16xf32>
        %add3A_1399 = arith.constant 47628 : i32
        %add3A_1400 = vector.broadcast %add3A_1399 : i32 to vector<16xi32>
        %add3A_1401 = arith.addi %add3A_1133, %add3A_1400 : vector<16xi32>
        %gather3A_1402 = tpu.vector_load_idx %arg6[%add3A_1401] : memref<72576xf32, #tpu.memory_space<vmem>>[vector<16xi32>], vector<16xf32>,
        %add3A_1403 = arith.addf %add3A_1243, %gather3A_1402 : vector<16xf32>
        %add3A_1404 = arith.constant 49896 : i32
        %add3A_1405 = vector.broadcast %add3A_1404 : i32 to vector<16xi32>
        %add3A_1406 = arith.addi %add3A_1133, %add3A_1405 : vector<16xi32>
        %gather3A_1407 = tpu.vector_load_idx %arg6[%add3A_1406] : memref<72576xf32, #tpu.memory_space<vmem>>[vector<16xi32>], vector<16xf32>,
        %add3A_1408 = arith.addf %add3A_1248, %gather3A_1407 : vector<16xf32>
        %add3A_1409 = arith.constant 52164 : i32
        %add3A_1410 = vector.broadcast %add3A_1409 : i32 to vector<16xi32>
        %add3A_1411 = arith.addi %add3A_1133, %add3A_1410 : vector<16xi32>
        %gather3A_1412 = tpu.vector_load_idx %arg6[%add3A_1411] : memref<72576xf32, #tpu.memory_space<vmem>>[vector<16xi32>], vector<16xf32>,
        %add3A_1413 = arith.addf %add3A_1253, %gather3A_1412 : vector<16xf32>
        %add3A_1414 = arith.constant 54432 : i32
        %add3A_1415 = vector.broadcast %add3A_1414 : i32 to vector<16xi32>
        %add3A_1416 = arith.addi %add3A_1133, %add3A_1415 : vector<16xi32>
        %gather3A_1417 = tpu.vector_load_idx %arg6[%add3A_1416] : memref<72576xf32, #tpu.memory_space<vmem>>[vector<16xi32>], vector<16xf32>,
        %add3A_1418 = arith.addf %add3A_1258, %gather3A_1417 : vector<16xf32>
        %add3A_1419 = arith.constant 56700 : i32
        %add3A_1420 = vector.broadcast %add3A_1419 : i32 to vector<16xi32>
        %add3A_1421 = arith.addi %add3A_1133, %add3A_1420 : vector<16xi32>
        %gather3A_1422 = tpu.vector_load_idx %arg6[%add3A_1421] : memref<72576xf32, #tpu.memory_space<vmem>>[vector<16xi32>], vector<16xf32>,
        %add3A_1423 = arith.addf %add3A_1263, %gather3A_1422 : vector<16xf32>
        %add3A_1424 = arith.constant 58968 : i32
        %add3A_1425 = vector.broadcast %add3A_1424 : i32 to vector<16xi32>
        %add3A_1426 = arith.addi %add3A_1133, %add3A_1425 : vector<16xi32>
        %gather3A_1427 = tpu.vector_load_idx %arg6[%add3A_1426] : memref<72576xf32, #tpu.memory_space<vmem>>[vector<16xi32>], vector<16xf32>,
        %add3A_1428 = arith.addf %add3A_1268, %gather3A_1427 : vector<16xf32>
        %add3A_1429 = arith.constant 61236 : i32
        %add3A_1430 = vector.broadcast %add3A_1429 : i32 to vector<16xi32>
        %add3A_1431 = arith.addi %add3A_1133, %add3A_1430 : vector<16xi32>
        %gather3A_1432 = tpu.vector_load_idx %arg6[%add3A_1431] : memref<72576xf32, #tpu.memory_space<vmem>>[vector<16xi32>], vector<16xf32>,
        %add3A_1433 = arith.addf %add3A_1273, %gather3A_1432 : vector<16xf32>
        %add3A_1434 = arith.constant 63504 : i32
        %add3A_1435 = vector.broadcast %add3A_1434 : i32 to vector<16xi32>
        %add3A_1436 = arith.addi %add3A_1133, %add3A_1435 : vector<16xi32>
        %gather3A_1437 = tpu.vector_load_idx %arg6[%add3A_1436] : memref<72576xf32, #tpu.memory_space<vmem>>[vector<16xi32>], vector<16xf32>,
        %add3A_1438 = arith.addf %add3A_1278, %gather3A_1437 : vector<16xf32>
        %add3A_1439 = arith.constant 65772 : i32
        %add3A_1440 = vector.broadcast %add3A_1439 : i32 to vector<16xi32>
        %add3A_1441 = arith.addi %add3A_1133, %add3A_1440 : vector<16xi32>
        %gather3A_1442 = tpu.vector_load_idx %arg6[%add3A_1441] : memref<72576xf32, #tpu.memory_space<vmem>>[vector<16xi32>], vector<16xf32>,
        %add3A_1443 = arith.addf %add3A_1283, %gather3A_1442 : vector<16xf32>
        %add3A_1444 = arith.constant 68040 : i32
        %add3A_1445 = vector.broadcast %add3A_1444 : i32 to vector<16xi32>
        %add3A_1446 = arith.addi %add3A_1133, %add3A_1445 : vector<16xi32>
        %gather3A_1447 = tpu.vector_load_idx %arg6[%add3A_1446] : memref<72576xf32, #tpu.memory_space<vmem>>[vector<16xi32>], vector<16xf32>,
        %add3A_1448 = arith.addf %add3A_1288, %gather3A_1447 : vector<16xf32>
        %add3A_1449 = arith.constant 70308 : i32
        %add3A_1450 = vector.broadcast %add3A_1449 : i32 to vector<16xi32>
        %add3A_1451 = arith.addi %add3A_1133, %add3A_1450 : vector<16xi32>
        %gather3A_1452 = tpu.vector_load_idx %arg6[%add3A_1451] : memref<72576xf32, #tpu.memory_space<vmem>>[vector<16xi32>], vector<16xf32>,
        %add3A_1453 = arith.addf %add3A_1293, %gather3A_1452 : vector<16xf32>
        scf.yield %add3A_1298, %add3A_1303, %add3A_1308, %add3A_1313, %add3A_1318, %add3A_1323, %add3A_1328, %add3A_1333, %add3A_1338, %add3A_1343, %add3A_1348, %add3A_1353, %add3A_1358, %add3A_1363, %add3A_1368, %add3A_1373, %add3A_1378, %add3A_1383, %add3A_1388, %add3A_1393, %add3A_1398, %add3A_1403, %add3A_1408, %add3A_1413, %add3A_1418, %add3A_1423, %add3A_1428, %add3A_1433, %add3A_1438, %add3A_1443, %add3A_1448, %add3A_1453 : vector<16xf32>, vector<16xf32>, vector<16xf32>, vector<16xf32>, vector<16xf32>, vector<16xf32>, vector<16xf32>, vector<16xf32>, vector<16xf32>, vector<16xf32>, vector<16xf32>, vector<16xf32>, vector<16xf32>, vector<16xf32>, vector<16xf32>, vector<16xf32>, vector<16xf32>, vector<16xf32>, vector<16xf32>, vector<16xf32>, vector<16xf32>, vector<16xf32>, vector<16xf32>, vector<16xf32>, vector<16xf32>, vector<16xf32>, vector<16xf32>, vector<16xf32>, vector<16xf32>, vector<16xf32>, vector<16xf32>, vector<16xf32>
      }
      %scan3A_469 = arith.constant 14 : i32
      %mul3A_470 = arith.constant 16 : i32
      %mul3A_471 = arith.muli %scan3A_395, %mul3A_470 : i32
      %add3A_472 = arith.addi %min3A_3, %mul3A_471 : i32
      %iota3A_473 = tpu.iota {dimensions = array<i32: 0>} : vector<16xi32>
      %add3A_474 = vector.broadcast %add3A_472 : i32 to vector<16xi32>
      %add3A_475 = arith.addi %add3A_474, %iota3A_473 : vector<16xi32>
      %get3A = arith.constant 0 : i32
      %get3A_476 = arith.index_cast %get3A : i32 to index
      %get3A_477 = arith.constant 0 : index
      %get3A_478 = tpu.vector_load %arg8[%get3A_476, %get3A_477] {strides = array<i32>} : memref<32x16xf32, #tpu.memory_space<vmem>>, vector<16xf32>,
      %gt3A = arith.cmpf ogt, %scan3A_468#0, %get3A_478 : vector<16xf32>
      %select_n3A = arith.select %gt3A, %scan3A_468#0, %get3A_478 : vector<16xi1>, vector<16xf32>
      %swap3A_479 = arith.constant 0 : i32
      %swap3A_480 = arith.index_cast %swap3A_479 : i32 to index
      %swap3A_481 = arith.constant 0 : index
      %swap3A_482 = tpu.vector_load %arg8[%swap3A_480, %swap3A_481] {strides = array<i32>} : memref<32x16xf32, #tpu.memory_space<vmem>>, vector<16xf32>,
      tpu.vector_store %arg8[%swap3A_480, %swap3A_481], %select_n3A {strides = array<i32>} : memref<32x16xf32, #tpu.memory_space<vmem>>, vector<16xf32>,
      %get3A_483 = arith.constant 0 : i32
      %get3A_484 = arith.index_cast %get3A_483 : i32 to index
      %get3A_485 = arith.constant 0 : index
      %get3A_486 = tpu.vector_load %arg9[%get3A_484, %get3A_485] {strides = array<i32>} : memref<32x16xi32, #tpu.memory_space<vmem>>, vector<16xi32>,
      %select_n3A_487 = arith.select %gt3A, %add3A_475, %get3A_486 : vector<16xi1>, vector<16xi32>
      %swap3A_488 = arith.constant 0 : i32
      %swap3A_489 = arith.index_cast %swap3A_488 : i32 to index
      %swap3A_490 = arith.constant 0 : index
      %swap3A_491 = tpu.vector_load %arg9[%swap3A_489, %swap3A_490] {strides = array<i32>} : memref<32x16xi32, #tpu.memory_space<vmem>>, vector<16xi32>,
      tpu.vector_store %arg9[%swap3A_489, %swap3A_490], %select_n3A_487 {strides = array<i32>} : memref<32x16xi32, #tpu.memory_space<vmem>>, vector<16xi32>,
      %get3A_492 = arith.constant 1 : i32
      %get3A_493 = arith.index_cast %get3A_492 : i32 to index
      %get3A_494 = arith.constant 0 : index
      %get3A_495 = tpu.vector_load %arg8[%get3A_493, %get3A_494] {strides = array<i32>} : memref<32x16xf32, #tpu.memory_space<vmem>>, vector<16xf32>,
      %gt3A_496 = arith.cmpf ogt, %scan3A_468#1, %get3A_495 : vector<16xf32>
      %select_n3A_497 = arith.select %gt3A_496, %scan3A_468#1, %get3A_495 : vector<16xi1>, vector<16xf32>
      %swap3A_498 = arith.constant 1 : i32
      %swap3A_499 = arith.index_cast %swap3A_498 : i32 to index
      %swap3A_500 = arith.constant 0 : index
      %swap3A_501 = tpu.vector_load %arg8[%swap3A_499, %swap3A_500] {strides = array<i32>} : memref<32x16xf32, #tpu.memory_space<vmem>>, vector<16xf32>,
      tpu.vector_store %arg8[%swap3A_499, %swap3A_500], %select_n3A_497 {strides = array<i32>} : memref<32x16xf32, #tpu.memory_space<vmem>>, vector<16xf32>,
      %get3A_502 = arith.constant 1 : i32
      %get3A_503 = arith.index_cast %get3A_502 : i32 to index
      %get3A_504 = arith.constant 0 : index
      %get3A_505 = tpu.vector_load %arg9[%get3A_503, %get3A_504] {strides = array<i32>} : memref<32x16xi32, #tpu.memory_space<vmem>>, vector<16xi32>,
      %select_n3A_506 = arith.select %gt3A_496, %add3A_475, %get3A_505 : vector<16xi1>, vector<16xi32>
      %swap3A_507 = arith.constant 1 : i32
      %swap3A_508 = arith.index_cast %swap3A_507 : i32 to index
      %swap3A_509 = arith.constant 0 : index
      %swap3A_510 = tpu.vector_load %arg9[%swap3A_508, %swap3A_509] {strides = array<i32>} : memref<32x16xi32, #tpu.memory_space<vmem>>, vector<16xi32>,
      tpu.vector_store %arg9[%swap3A_508, %swap3A_509], %select_n3A_506 {strides = array<i32>} : memref<32x16xi32, #tpu.memory_space<vmem>>, vector<16xi32>,
      %get3A_511 = arith.constant 2 : i32
      %get3A_512 = arith.index_cast %get3A_511 : i32 to index
      %get3A_513 = arith.constant 0 : index
      %get3A_514 = tpu.vector_load %arg8[%get3A_512, %get3A_513] {strides = array<i32>} : memref<32x16xf32, #tpu.memory_space<vmem>>, vector<16xf32>,
      %gt3A_515 = arith.cmpf ogt, %scan3A_468#2, %get3A_514 : vector<16xf32>
      %select_n3A_516 = arith.select %gt3A_515, %scan3A_468#2, %get3A_514 : vector<16xi1>, vector<16xf32>
      %swap3A_517 = arith.constant 2 : i32
      %swap3A_518 = arith.index_cast %swap3A_517 : i32 to index
      %swap3A_519 = arith.constant 0 : index
      %swap3A_520 = tpu.vector_load %arg8[%swap3A_518, %swap3A_519] {strides = array<i32>} : memref<32x16xf32, #tpu.memory_space<vmem>>, vector<16xf32>,
      tpu.vector_store %arg8[%swap3A_518, %swap3A_519], %select_n3A_516 {strides = array<i32>} : memref<32x16xf32, #tpu.memory_space<vmem>>, vector<16xf32>,
      %get3A_521 = arith.constant 2 : i32
      %get3A_522 = arith.index_cast %get3A_521 : i32 to index
      %get3A_523 = arith.constant 0 : index
      %get3A_524 = tpu.vector_load %arg9[%get3A_522, %get3A_523] {strides = array<i32>} : memref<32x16xi32, #tpu.memory_space<vmem>>, vector<16xi32>,
      %select_n3A_525 = arith.select %gt3A_515, %add3A_475, %get3A_524 : vector<16xi1>, vector<16xi32>
      %swap3A_526 = arith.constant 2 : i32
      %swap3A_527 = arith.index_cast %swap3A_526 : i32 to index
      %swap3A_528 = arith.constant 0 : index
      %swap3A_529 = tpu.vector_load %arg9[%swap3A_527, %swap3A_528] {strides = array<i32>} : memref<32x16xi32, #tpu.memory_space<vmem>>, vector<16xi32>,
      tpu.vector_store %arg9[%swap3A_527, %swap3A_528], %select_n3A_525 {strides = array<i32>} : memref<32x16xi32, #tpu.memory_space<vmem>>, vector<16xi32>,
      %get3A_530 = arith.constant 3 : i32
      %get3A_531 = arith.index_cast %get3A_530 : i32 to index
      %get3A_532 = arith.constant 0 : index
      %get3A_533 = tpu.vector_load %arg8[%get3A_531, %get3A_532] {strides = array<i32>} : memref<32x16xf32, #tpu.memory_space<vmem>>, vector<16xf32>,
      %gt3A_534 = arith.cmpf ogt, %scan3A_468#3, %get3A_533 : vector<16xf32>
      %select_n3A_535 = arith.select %gt3A_534, %scan3A_468#3, %get3A_533 : vector<16xi1>, vector<16xf32>
      %swap3A_536 = arith.constant 3 : i32
      %swap3A_537 = arith.index_cast %swap3A_536 : i32 to index
      %swap3A_538 = arith.constant 0 : index
      %swap3A_539 = tpu.vector_load %arg8[%swap3A_537, %swap3A_538] {strides = array<i32>} : memref<32x16xf32, #tpu.memory_space<vmem>>, vector<16xf32>,
      tpu.vector_store %arg8[%swap3A_537, %swap3A_538], %select_n3A_535 {strides = array<i32>} : memref<32x16xf32, #tpu.memory_space<vmem>>, vector<16xf32>,
      %get3A_540 = arith.constant 3 : i32
      %get3A_541 = arith.index_cast %get3A_540 : i32 to index
      %get3A_542 = arith.constant 0 : index
      %get3A_543 = tpu.vector_load %arg9[%get3A_541, %get3A_542] {strides = array<i32>} : memref<32x16xi32, #tpu.memory_space<vmem>>, vector<16xi32>,
      %select_n3A_544 = arith.select %gt3A_534, %add3A_475, %get3A_543 : vector<16xi1>, vector<16xi32>
      %swap3A_545 = arith.constant 3 : i32
      %swap3A_546 = arith.index_cast %swap3A_545 : i32 to index
      %swap3A_547 = arith.constant 0 : index
      %swap3A_548 = tpu.vector_load %arg9[%swap3A_546, %swap3A_547] {strides = array<i32>} : memref<32x16xi32, #tpu.memory_space<vmem>>, vector<16xi32>,
      tpu.vector_store %arg9[%swap3A_546, %swap3A_547], %select_n3A_544 {strides = array<i32>} : memref<32x16xi32, #tpu.memory_space<vmem>>, vector<16xi32>,
      %get3A_549 = arith.constant 4 : i32
      %get3A_550 = arith.index_cast %get3A_549 : i32 to index
      %get3A_551 = arith.constant 0 : index
      %get3A_552 = tpu.vector_load %arg8[%get3A_550, %get3A_551] {strides = array<i32>} : memref<32x16xf32, #tpu.memory_space<vmem>>, vector<16xf32>,
      %gt3A_553 = arith.cmpf ogt, %scan3A_468#4, %get3A_552 : vector<16xf32>
      %select_n3A_554 = arith.select %gt3A_553, %scan3A_468#4, %get3A_552 : vector<16xi1>, vector<16xf32>
      %swap3A_555 = arith.constant 4 : i32
      %swap3A_556 = arith.index_cast %swap3A_555 : i32 to index
      %swap3A_557 = arith.constant 0 : index
      %swap3A_558 = tpu.vector_load %arg8[%swap3A_556, %swap3A_557] {strides = array<i32>} : memref<32x16xf32, #tpu.memory_space<vmem>>, vector<16xf32>,
      tpu.vector_store %arg8[%swap3A_556, %swap3A_557], %select_n3A_554 {strides = array<i32>} : memref<32x16xf32, #tpu.memory_space<vmem>>, vector<16xf32>,
      %get3A_559 = arith.constant 4 : i32
      %get3A_560 = arith.index_cast %get3A_559 : i32 to index
      %get3A_561 = arith.constant 0 : index
      %get3A_562 = tpu.vector_load %arg9[%get3A_560, %get3A_561] {strides = array<i32>} : memref<32x16xi32, #tpu.memory_space<vmem>>, vector<16xi32>,
      %select_n3A_563 = arith.select %gt3A_553, %add3A_475, %get3A_562 : vector<16xi1>, vector<16xi32>
      %swap3A_564 = arith.constant 4 : i32
      %swap3A_565 = arith.index_cast %swap3A_564 : i32 to index
      %swap3A_566 = arith.constant 0 : index
      %swap3A_567 = tpu.vector_load %arg9[%swap3A_565, %swap3A_566] {strides = array<i32>} : memref<32x16xi32, #tpu.memory_space<vmem>>, vector<16xi32>,
      tpu.vector_store %arg9[%swap3A_565, %swap3A_566], %select_n3A_563 {strides = array<i32>} : memref<32x16xi32, #tpu.memory_space<vmem>>, vector<16xi32>,
      %get3A_568 = arith.constant 5 : i32
      %get3A_569 = arith.index_cast %get3A_568 : i32 to index
      %get3A_570 = arith.constant 0 : index
      %get3A_571 = tpu.vector_load %arg8[%get3A_569, %get3A_570] {strides = array<i32>} : memref<32x16xf32, #tpu.memory_space<vmem>>, vector<16xf32>,
      %gt3A_572 = arith.cmpf ogt, %scan3A_468#5, %get3A_571 : vector<16xf32>
      %select_n3A_573 = arith.select %gt3A_572, %scan3A_468#5, %get3A_571 : vector<16xi1>, vector<16xf32>
      %swap3A_574 = arith.constant 5 : i32
      %swap3A_575 = arith.index_cast %swap3A_574 : i32 to index
      %swap3A_576 = arith.constant 0 : index
      %swap3A_577 = tpu.vector_load %arg8[%swap3A_575, %swap3A_576] {strides = array<i32>} : memref<32x16xf32, #tpu.memory_space<vmem>>, vector<16xf32>,
      tpu.vector_store %arg8[%swap3A_575, %swap3A_576], %select_n3A_573 {strides = array<i32>} : memref<32x16xf32, #tpu.memory_space<vmem>>, vector<16xf32>,
      %get3A_578 = arith.constant 5 : i32
      %get3A_579 = arith.index_cast %get3A_578 : i32 to index
      %get3A_580 = arith.constant 0 : index
      %get3A_581 = tpu.vector_load %arg9[%get3A_579, %get3A_580] {strides = array<i32>} : memref<32x16xi32, #tpu.memory_space<vmem>>, vector<16xi32>,
      %select_n3A_582 = arith.select %gt3A_572, %add3A_475, %get3A_581 : vector<16xi1>, vector<16xi32>
      %swap3A_583 = arith.constant 5 : i32
      %swap3A_584 = arith.index_cast %swap3A_583 : i32 to index
      %swap3A_585 = arith.constant 0 : index
      %swap3A_586 = tpu.vector_load %arg9[%swap3A_584, %swap3A_585] {strides = array<i32>} : memref<32x16xi32, #tpu.memory_space<vmem>>, vector<16xi32>,
      tpu.vector_store %arg9[%swap3A_584, %swap3A_585], %select_n3A_582 {strides = array<i32>} : memref<32x16xi32, #tpu.memory_space<vmem>>, vector<16xi32>,
      %get3A_587 = arith.constant 6 : i32
      %get3A_588 = arith.index_cast %get3A_587 : i32 to index
      %get3A_589 = arith.constant 0 : index
      %get3A_590 = tpu.vector_load %arg8[%get3A_588, %get3A_589] {strides = array<i32>} : memref<32x16xf32, #tpu.memory_space<vmem>>, vector<16xf32>,
      %gt3A_591 = arith.cmpf ogt, %scan3A_468#6, %get3A_590 : vector<16xf32>
      %select_n3A_592 = arith.select %gt3A_591, %scan3A_468#6, %get3A_590 : vector<16xi1>, vector<16xf32>
      %swap3A_593 = arith.constant 6 : i32
      %swap3A_594 = arith.index_cast %swap3A_593 : i32 to index
      %swap3A_595 = arith.constant 0 : index
      %swap3A_596 = tpu.vector_load %arg8[%swap3A_594, %swap3A_595] {strides = array<i32>} : memref<32x16xf32, #tpu.memory_space<vmem>>, vector<16xf32>,
      tpu.vector_store %arg8[%swap3A_594, %swap3A_595], %select_n3A_592 {strides = array<i32>} : memref<32x16xf32, #tpu.memory_space<vmem>>, vector<16xf32>,
      %get3A_597 = arith.constant 6 : i32
      %get3A_598 = arith.index_cast %get3A_597 : i32 to index
      %get3A_599 = arith.constant 0 : index
      %get3A_600 = tpu.vector_load %arg9[%get3A_598, %get3A_599] {strides = array<i32>} : memref<32x16xi32, #tpu.memory_space<vmem>>, vector<16xi32>,
      %select_n3A_601 = arith.select %gt3A_591, %add3A_475, %get3A_600 : vector<16xi1>, vector<16xi32>
      %swap3A_602 = arith.constant 6 : i32
      %swap3A_603 = arith.index_cast %swap3A_602 : i32 to index
      %swap3A_604 = arith.constant 0 : index
      %swap3A_605 = tpu.vector_load %arg9[%swap3A_603, %swap3A_604] {strides = array<i32>} : memref<32x16xi32, #tpu.memory_space<vmem>>, vector<16xi32>,
      tpu.vector_store %arg9[%swap3A_603, %swap3A_604], %select_n3A_601 {strides = array<i32>} : memref<32x16xi32, #tpu.memory_space<vmem>>, vector<16xi32>,
      %get3A_606 = arith.constant 7 : i32
      %get3A_607 = arith.index_cast %get3A_606 : i32 to index
      %get3A_608 = arith.constant 0 : index
      %get3A_609 = tpu.vector_load %arg8[%get3A_607, %get3A_608] {strides = array<i32>} : memref<32x16xf32, #tpu.memory_space<vmem>>, vector<16xf32>,
      %gt3A_610 = arith.cmpf ogt, %scan3A_468#7, %get3A_609 : vector<16xf32>
      %select_n3A_611 = arith.select %gt3A_610, %scan3A_468#7, %get3A_609 : vector<16xi1>, vector<16xf32>
      %swap3A_612 = arith.constant 7 : i32
      %swap3A_613 = arith.index_cast %swap3A_612 : i32 to index
      %swap3A_614 = arith.constant 0 : index
      %swap3A_615 = tpu.vector_load %arg8[%swap3A_613, %swap3A_614] {strides = array<i32>} : memref<32x16xf32, #tpu.memory_space<vmem>>, vector<16xf32>,
      tpu.vector_store %arg8[%swap3A_613, %swap3A_614], %select_n3A_611 {strides = array<i32>} : memref<32x16xf32, #tpu.memory_space<vmem>>, vector<16xf32>,
      %get3A_616 = arith.constant 7 : i32
      %get3A_617 = arith.index_cast %get3A_616 : i32 to index
      %get3A_618 = arith.constant 0 : index
      %get3A_619 = tpu.vector_load %arg9[%get3A_617, %get3A_618] {strides = array<i32>} : memref<32x16xi32, #tpu.memory_space<vmem>>, vector<16xi32>,
      %select_n3A_620 = arith.select %gt3A_610, %add3A_475, %get3A_619 : vector<16xi1>, vector<16xi32>
      %swap3A_621 = arith.constant 7 : i32
      %swap3A_622 = arith.index_cast %swap3A_621 : i32 to index
      %swap3A_623 = arith.constant 0 : index
      %swap3A_624 = tpu.vector_load %arg9[%swap3A_622, %swap3A_623] {strides = array<i32>} : memref<32x16xi32, #tpu.memory_space<vmem>>, vector<16xi32>,
      tpu.vector_store %arg9[%swap3A_622, %swap3A_623], %select_n3A_620 {strides = array<i32>} : memref<32x16xi32, #tpu.memory_space<vmem>>, vector<16xi32>,
      %get3A_625 = arith.constant 8 : i32
      %get3A_626 = arith.index_cast %get3A_625 : i32 to index
      %get3A_627 = arith.constant 0 : index
      %get3A_628 = tpu.vector_load %arg8[%get3A_626, %get3A_627] {strides = array<i32>} : memref<32x16xf32, #tpu.memory_space<vmem>>, vector<16xf32>,
      %gt3A_629 = arith.cmpf ogt, %scan3A_468#8, %get3A_628 : vector<16xf32>
      %select_n3A_630 = arith.select %gt3A_629, %scan3A_468#8, %get3A_628 : vector<16xi1>, vector<16xf32>
      %swap3A_631 = arith.constant 8 : i32
      %swap3A_632 = arith.index_cast %swap3A_631 : i32 to index
      %swap3A_633 = arith.constant 0 : index
      %swap3A_634 = tpu.vector_load %arg8[%swap3A_632, %swap3A_633] {strides = array<i32>} : memref<32x16xf32, #tpu.memory_space<vmem>>, vector<16xf32>,
      tpu.vector_store %arg8[%swap3A_632, %swap3A_633], %select_n3A_630 {strides = array<i32>} : memref<32x16xf32, #tpu.memory_space<vmem>>, vector<16xf32>,
      %get3A_635 = arith.constant 8 : i32
      %get3A_636 = arith.index_cast %get3A_635 : i32 to index
      %get3A_637 = arith.constant 0 : index
      %get3A_638 = tpu.vector_load %arg9[%get3A_636, %get3A_637] {strides = array<i32>} : memref<32x16xi32, #tpu.memory_space<vmem>>, vector<16xi32>,
      %select_n3A_639 = arith.select %gt3A_629, %add3A_475, %get3A_638 : vector<16xi1>, vector<16xi32>
      %swap3A_640 = arith.constant 8 : i32
      %swap3A_641 = arith.index_cast %swap3A_640 : i32 to index
      %swap3A_642 = arith.constant 0 : index
      %swap3A_643 = tpu.vector_load %arg9[%swap3A_641, %swap3A_642] {strides = array<i32>} : memref<32x16xi32, #tpu.memory_space<vmem>>, vector<16xi32>,
      tpu.vector_store %arg9[%swap3A_641, %swap3A_642], %select_n3A_639 {strides = array<i32>} : memref<32x16xi32, #tpu.memory_space<vmem>>, vector<16xi32>,
      %get3A_644 = arith.constant 9 : i32
      %get3A_645 = arith.index_cast %get3A_644 : i32 to index
      %get3A_646 = arith.constant 0 : index
      %get3A_647 = tpu.vector_load %arg8[%get3A_645, %get3A_646] {strides = array<i32>} : memref<32x16xf32, #tpu.memory_space<vmem>>, vector<16xf32>,
      %gt3A_648 = arith.cmpf ogt, %scan3A_468#9, %get3A_647 : vector<16xf32>
      %select_n3A_649 = arith.select %gt3A_648, %scan3A_468#9, %get3A_647 : vector<16xi1>, vector<16xf32>
      %swap3A_650 = arith.constant 9 : i32
      %swap3A_651 = arith.index_cast %swap3A_650 : i32 to index
      %swap3A_652 = arith.constant 0 : index
      %swap3A_653 = tpu.vector_load %arg8[%swap3A_651, %swap3A_652] {strides = array<i32>} : memref<32x16xf32, #tpu.memory_space<vmem>>, vector<16xf32>,
      tpu.vector_store %arg8[%swap3A_651, %swap3A_652], %select_n3A_649 {strides = array<i32>} : memref<32x16xf32, #tpu.memory_space<vmem>>, vector<16xf32>,
      %get3A_654 = arith.constant 9 : i32
      %get3A_655 = arith.index_cast %get3A_654 : i32 to index
      %get3A_656 = arith.constant 0 : index
      %get3A_657 = tpu.vector_load %arg9[%get3A_655, %get3A_656] {strides = array<i32>} : memref<32x16xi32, #tpu.memory_space<vmem>>, vector<16xi32>,
      %select_n3A_658 = arith.select %gt3A_648, %add3A_475, %get3A_657 : vector<16xi1>, vector<16xi32>
      %swap3A_659 = arith.constant 9 : i32
      %swap3A_660 = arith.index_cast %swap3A_659 : i32 to index
      %swap3A_661 = arith.constant 0 : index
      %swap3A_662 = tpu.vector_load %arg9[%swap3A_660, %swap3A_661] {strides = array<i32>} : memref<32x16xi32, #tpu.memory_space<vmem>>, vector<16xi32>,
      tpu.vector_store %arg9[%swap3A_660, %swap3A_661], %select_n3A_658 {strides = array<i32>} : memref<32x16xi32, #tpu.memory_space<vmem>>, vector<16xi32>,
      %get3A_663 = arith.constant 10 : i32
      %get3A_664 = arith.index_cast %get3A_663 : i32 to index
      %get3A_665 = arith.constant 0 : index
      %get3A_666 = tpu.vector_load %arg8[%get3A_664, %get3A_665] {strides = array<i32>} : memref<32x16xf32, #tpu.memory_space<vmem>>, vector<16xf32>,
      %gt3A_667 = arith.cmpf ogt, %scan3A_468#10, %get3A_666 : vector<16xf32>
      %select_n3A_668 = arith.select %gt3A_667, %scan3A_468#10, %get3A_666 : vector<16xi1>, vector<16xf32>
      %swap3A_669 = arith.constant 10 : i32
      %swap3A_670 = arith.index_cast %swap3A_669 : i32 to index
      %swap3A_671 = arith.constant 0 : index
      %swap3A_672 = tpu.vector_load %arg8[%swap3A_670, %swap3A_671] {strides = array<i32>} : memref<32x16xf32, #tpu.memory_space<vmem>>, vector<16xf32>,
      tpu.vector_store %arg8[%swap3A_670, %swap3A_671], %select_n3A_668 {strides = array<i32>} : memref<32x16xf32, #tpu.memory_space<vmem>>, vector<16xf32>,
      %get3A_673 = arith.constant 10 : i32
      %get3A_674 = arith.index_cast %get3A_673 : i32 to index
      %get3A_675 = arith.constant 0 : index
      %get3A_676 = tpu.vector_load %arg9[%get3A_674, %get3A_675] {strides = array<i32>} : memref<32x16xi32, #tpu.memory_space<vmem>>, vector<16xi32>,
      %select_n3A_677 = arith.select %gt3A_667, %add3A_475, %get3A_676 : vector<16xi1>, vector<16xi32>
      %swap3A_678 = arith.constant 10 : i32
      %swap3A_679 = arith.index_cast %swap3A_678 : i32 to index
      %swap3A_680 = arith.constant 0 : index
      %swap3A_681 = tpu.vector_load %arg9[%swap3A_679, %swap3A_680] {strides = array<i32>} : memref<32x16xi32, #tpu.memory_space<vmem>>, vector<16xi32>,
      tpu.vector_store %arg9[%swap3A_679, %swap3A_680], %select_n3A_677 {strides = array<i32>} : memref<32x16xi32, #tpu.memory_space<vmem>>, vector<16xi32>,
      %get3A_682 = arith.constant 11 : i32
      %get3A_683 = arith.index_cast %get3A_682 : i32 to index
      %get3A_684 = arith.constant 0 : index
      %get3A_685 = tpu.vector_load %arg8[%get3A_683, %get3A_684] {strides = array<i32>} : memref<32x16xf32, #tpu.memory_space<vmem>>, vector<16xf32>,
      %gt3A_686 = arith.cmpf ogt, %scan3A_468#11, %get3A_685 : vector<16xf32>
      %select_n3A_687 = arith.select %gt3A_686, %scan3A_468#11, %get3A_685 : vector<16xi1>, vector<16xf32>
      %swap3A_688 = arith.constant 11 : i32
      %swap3A_689 = arith.index_cast %swap3A_688 : i32 to index
      %swap3A_690 = arith.constant 0 : index
      %swap3A_691 = tpu.vector_load %arg8[%swap3A_689, %swap3A_690] {strides = array<i32>} : memref<32x16xf32, #tpu.memory_space<vmem>>, vector<16xf32>,
      tpu.vector_store %arg8[%swap3A_689, %swap3A_690], %select_n3A_687 {strides = array<i32>} : memref<32x16xf32, #tpu.memory_space<vmem>>, vector<16xf32>,
      %get3A_692 = arith.constant 11 : i32
      %get3A_693 = arith.index_cast %get3A_692 : i32 to index
      %get3A_694 = arith.constant 0 : index
      %get3A_695 = tpu.vector_load %arg9[%get3A_693, %get3A_694] {strides = array<i32>} : memref<32x16xi32, #tpu.memory_space<vmem>>, vector<16xi32>,
      %select_n3A_696 = arith.select %gt3A_686, %add3A_475, %get3A_695 : vector<16xi1>, vector<16xi32>
      %swap3A_697 = arith.constant 11 : i32
      %swap3A_698 = arith.index_cast %swap3A_697 : i32 to index
      %swap3A_699 = arith.constant 0 : index
      %swap3A_700 = tpu.vector_load %arg9[%swap3A_698, %swap3A_699] {strides = array<i32>} : memref<32x16xi32, #tpu.memory_space<vmem>>, vector<16xi32>,
      tpu.vector_store %arg9[%swap3A_698, %swap3A_699], %select_n3A_696 {strides = array<i32>} : memref<32x16xi32, #tpu.memory_space<vmem>>, vector<16xi32>,
      %get3A_701 = arith.constant 12 : i32
      %get3A_702 = arith.index_cast %get3A_701 : i32 to index
      %get3A_703 = arith.constant 0 : index
      %get3A_704 = tpu.vector_load %arg8[%get3A_702, %get3A_703] {strides = array<i32>} : memref<32x16xf32, #tpu.memory_space<vmem>>, vector<16xf32>,
      %gt3A_705 = arith.cmpf ogt, %scan3A_468#12, %get3A_704 : vector<16xf32>
      %select_n3A_706 = arith.select %gt3A_705, %scan3A_468#12, %get3A_704 : vector<16xi1>, vector<16xf32>
      %swap3A_707 = arith.constant 12 : i32
      %swap3A_708 = arith.index_cast %swap3A_707 : i32 to index
      %swap3A_709 = arith.constant 0 : index
      %swap3A_710 = tpu.vector_load %arg8[%swap3A_708, %swap3A_709] {strides = array<i32>} : memref<32x16xf32, #tpu.memory_space<vmem>>, vector<16xf32>,
      tpu.vector_store %arg8[%swap3A_708, %swap3A_709], %select_n3A_706 {strides = array<i32>} : memref<32x16xf32, #tpu.memory_space<vmem>>, vector<16xf32>,
      %get3A_711 = arith.constant 12 : i32
      %get3A_712 = arith.index_cast %get3A_711 : i32 to index
      %get3A_713 = arith.constant 0 : index
      %get3A_714 = tpu.vector_load %arg9[%get3A_712, %get3A_713] {strides = array<i32>} : memref<32x16xi32, #tpu.memory_space<vmem>>, vector<16xi32>,
      %select_n3A_715 = arith.select %gt3A_705, %add3A_475, %get3A_714 : vector<16xi1>, vector<16xi32>
      %swap3A_716 = arith.constant 12 : i32
      %swap3A_717 = arith.index_cast %swap3A_716 : i32 to index
      %swap3A_718 = arith.constant 0 : index
      %swap3A_719 = tpu.vector_load %arg9[%swap3A_717, %swap3A_718] {strides = array<i32>} : memref<32x16xi32, #tpu.memory_space<vmem>>, vector<16xi32>,
      tpu.vector_store %arg9[%swap3A_717, %swap3A_718], %select_n3A_715 {strides = array<i32>} : memref<32x16xi32, #tpu.memory_space<vmem>>, vector<16xi32>,
      %get3A_720 = arith.constant 13 : i32
      %get3A_721 = arith.index_cast %get3A_720 : i32 to index
      %get3A_722 = arith.constant 0 : index
      %get3A_723 = tpu.vector_load %arg8[%get3A_721, %get3A_722] {strides = array<i32>} : memref<32x16xf32, #tpu.memory_space<vmem>>, vector<16xf32>,
      %gt3A_724 = arith.cmpf ogt, %scan3A_468#13, %get3A_723 : vector<16xf32>
      %select_n3A_725 = arith.select %gt3A_724, %scan3A_468#13, %get3A_723 : vector<16xi1>, vector<16xf32>
      %swap3A_726 = arith.constant 13 : i32
      %swap3A_727 = arith.index_cast %swap3A_726 : i32 to index
      %swap3A_728 = arith.constant 0 : index
      %swap3A_729 = tpu.vector_load %arg8[%swap3A_727, %swap3A_728] {strides = array<i32>} : memref<32x16xf32, #tpu.memory_space<vmem>>, vector<16xf32>,
      tpu.vector_store %arg8[%swap3A_727, %swap3A_728], %select_n3A_725 {strides = array<i32>} : memref<32x16xf32, #tpu.memory_space<vmem>>, vector<16xf32>,
      %get3A_730 = arith.constant 13 : i32
      %get3A_731 = arith.index_cast %get3A_730 : i32 to index
      %get3A_732 = arith.constant 0 : index
      %get3A_733 = tpu.vector_load %arg9[%get3A_731, %get3A_732] {strides = array<i32>} : memref<32x16xi32, #tpu.memory_space<vmem>>, vector<16xi32>,
      %select_n3A_734 = arith.select %gt3A_724, %add3A_475, %get3A_733 : vector<16xi1>, vector<16xi32>
      %swap3A_735 = arith.constant 13 : i32
      %swap3A_736 = arith.index_cast %swap3A_735 : i32 to index
      %swap3A_737 = arith.constant 0 : index
      %swap3A_738 = tpu.vector_load %arg9[%swap3A_736, %swap3A_737] {strides = array<i32>} : memref<32x16xi32, #tpu.memory_space<vmem>>, vector<16xi32>,
      tpu.vector_store %arg9[%swap3A_736, %swap3A_737], %select_n3A_734 {strides = array<i32>} : memref<32x16xi32, #tpu.memory_space<vmem>>, vector<16xi32>,
      %get3A_739 = arith.constant 14 : i32
      %get3A_740 = arith.index_cast %get3A_739 : i32 to index
      %get3A_741 = arith.constant 0 : index
      %get3A_742 = tpu.vector_load %arg8[%get3A_740, %get3A_741] {strides = array<i32>} : memref<32x16xf32, #tpu.memory_space<vmem>>, vector<16xf32>,
      %gt3A_743 = arith.cmpf ogt, %scan3A_468#14, %get3A_742 : vector<16xf32>
      %select_n3A_744 = arith.select %gt3A_743, %scan3A_468#14, %get3A_742 : vector<16xi1>, vector<16xf32>
      %swap3A_745 = arith.constant 14 : i32
      %swap3A_746 = arith.index_cast %swap3A_745 : i32 to index
      %swap3A_747 = arith.constant 0 : index
      %swap3A_748 = tpu.vector_load %arg8[%swap3A_746, %swap3A_747] {strides = array<i32>} : memref<32x16xf32, #tpu.memory_space<vmem>>, vector<16xf32>,
      tpu.vector_store %arg8[%swap3A_746, %swap3A_747], %select_n3A_744 {strides = array<i32>} : memref<32x16xf32, #tpu.memory_space<vmem>>, vector<16xf32>,
      %get3A_749 = arith.constant 14 : i32
      %get3A_750 = arith.index_cast %get3A_749 : i32 to index
      %get3A_751 = arith.constant 0 : index
      %get3A_752 = tpu.vector_load %arg9[%get3A_750, %get3A_751] {strides = array<i32>} : memref<32x16xi32, #tpu.memory_space<vmem>>, vector<16xi32>,
      %select_n3A_753 = arith.select %gt3A_743, %add3A_475, %get3A_752 : vector<16xi1>, vector<16xi32>
      %swap3A_754 = arith.constant 14 : i32
      %swap3A_755 = arith.index_cast %swap3A_754 : i32 to index
      %swap3A_756 = arith.constant 0 : index
      %swap3A_757 = tpu.vector_load %arg9[%swap3A_755, %swap3A_756] {strides = array<i32>} : memref<32x16xi32, #tpu.memory_space<vmem>>, vector<16xi32>,
      tpu.vector_store %arg9[%swap3A_755, %swap3A_756], %select_n3A_753 {strides = array<i32>} : memref<32x16xi32, #tpu.memory_space<vmem>>, vector<16xi32>,
      %get3A_758 = arith.constant 15 : i32
      %get3A_759 = arith.index_cast %get3A_758 : i32 to index
      %get3A_760 = arith.constant 0 : index
      %get3A_761 = tpu.vector_load %arg8[%get3A_759, %get3A_760] {strides = array<i32>} : memref<32x16xf32, #tpu.memory_space<vmem>>, vector<16xf32>,
      %gt3A_762 = arith.cmpf ogt, %scan3A_468#15, %get3A_761 : vector<16xf32>
      %select_n3A_763 = arith.select %gt3A_762, %scan3A_468#15, %get3A_761 : vector<16xi1>, vector<16xf32>
      %swap3A_764 = arith.constant 15 : i32
      %swap3A_765 = arith.index_cast %swap3A_764 : i32 to index
      %swap3A_766 = arith.constant 0 : index
      %swap3A_767 = tpu.vector_load %arg8[%swap3A_765, %swap3A_766] {strides = array<i32>} : memref<32x16xf32, #tpu.memory_space<vmem>>, vector<16xf32>,
      tpu.vector_store %arg8[%swap3A_765, %swap3A_766], %select_n3A_763 {strides = array<i32>} : memref<32x16xf32, #tpu.memory_space<vmem>>, vector<16xf32>,
      %get3A_768 = arith.constant 15 : i32
      %get3A_769 = arith.index_cast %get3A_768 : i32 to index
      %get3A_770 = arith.constant 0 : index
      %get3A_771 = tpu.vector_load %arg9[%get3A_769, %get3A_770] {strides = array<i32>} : memref<32x16xi32, #tpu.memory_space<vmem>>, vector<16xi32>,
      %select_n3A_772 = arith.select %gt3A_762, %add3A_475, %get3A_771 : vector<16xi1>, vector<16xi32>
      %swap3A_773 = arith.constant 15 : i32
      %swap3A_774 = arith.index_cast %swap3A_773 : i32 to index
      %swap3A_775 = arith.constant 0 : index
      %swap3A_776 = tpu.vector_load %arg9[%swap3A_774, %swap3A_775] {strides = array<i32>} : memref<32x16xi32, #tpu.memory_space<vmem>>, vector<16xi32>,
      tpu.vector_store %arg9[%swap3A_774, %swap3A_775], %select_n3A_772 {strides = array<i32>} : memref<32x16xi32, #tpu.memory_space<vmem>>, vector<16xi32>,
      %get3A_777 = arith.constant 16 : i32
      %get3A_778 = arith.index_cast %get3A_777 : i32 to index
      %get3A_779 = arith.constant 0 : index
      %get3A_780 = tpu.vector_load %arg8[%get3A_778, %get3A_779] {strides = array<i32>} : memref<32x16xf32, #tpu.memory_space<vmem>>, vector<16xf32>,
      %gt3A_781 = arith.cmpf ogt, %scan3A_468#16, %get3A_780 : vector<16xf32>
      %select_n3A_782 = arith.select %gt3A_781, %scan3A_468#16, %get3A_780 : vector<16xi1>, vector<16xf32>
      %swap3A_783 = arith.constant 16 : i32
      %swap3A_784 = arith.index_cast %swap3A_783 : i32 to index
      %swap3A_785 = arith.constant 0 : index
      %swap3A_786 = tpu.vector_load %arg8[%swap3A_784, %swap3A_785] {strides = array<i32>} : memref<32x16xf32, #tpu.memory_space<vmem>>, vector<16xf32>,
      tpu.vector_store %arg8[%swap3A_784, %swap3A_785], %select_n3A_782 {strides = array<i32>} : memref<32x16xf32, #tpu.memory_space<vmem>>, vector<16xf32>,
      %get3A_787 = arith.constant 16 : i32
      %get3A_788 = arith.index_cast %get3A_787 : i32 to index
      %get3A_789 = arith.constant 0 : index
      %get3A_790 = tpu.vector_load %arg9[%get3A_788, %get3A_789] {strides = array<i32>} : memref<32x16xi32, #tpu.memory_space<vmem>>, vector<16xi32>,
      %select_n3A_791 = arith.select %gt3A_781, %add3A_475, %get3A_790 : vector<16xi1>, vector<16xi32>
      %swap3A_792 = arith.constant 16 : i32
      %swap3A_793 = arith.index_cast %swap3A_792 : i32 to index
      %swap3A_794 = arith.constant 0 : index
      %swap3A_795 = tpu.vector_load %arg9[%swap3A_793, %swap3A_794] {strides = array<i32>} : memref<32x16xi32, #tpu.memory_space<vmem>>, vector<16xi32>,
      tpu.vector_store %arg9[%swap3A_793, %swap3A_794], %select_n3A_791 {strides = array<i32>} : memref<32x16xi32, #tpu.memory_space<vmem>>, vector<16xi32>,
      %get3A_796 = arith.constant 17 : i32
      %get3A_797 = arith.index_cast %get3A_796 : i32 to index
      %get3A_798 = arith.constant 0 : index
      %get3A_799 = tpu.vector_load %arg8[%get3A_797, %get3A_798] {strides = array<i32>} : memref<32x16xf32, #tpu.memory_space<vmem>>, vector<16xf32>,
      %gt3A_800 = arith.cmpf ogt, %scan3A_468#17, %get3A_799 : vector<16xf32>
      %select_n3A_801 = arith.select %gt3A_800, %scan3A_468#17, %get3A_799 : vector<16xi1>, vector<16xf32>
      %swap3A_802 = arith.constant 17 : i32
      %swap3A_803 = arith.index_cast %swap3A_802 : i32 to index
      %swap3A_804 = arith.constant 0 : index
      %swap3A_805 = tpu.vector_load %arg8[%swap3A_803, %swap3A_804] {strides = array<i32>} : memref<32x16xf32, #tpu.memory_space<vmem>>, vector<16xf32>,
      tpu.vector_store %arg8[%swap3A_803, %swap3A_804], %select_n3A_801 {strides = array<i32>} : memref<32x16xf32, #tpu.memory_space<vmem>>, vector<16xf32>,
      %get3A_806 = arith.constant 17 : i32
      %get3A_807 = arith.index_cast %get3A_806 : i32 to index
      %get3A_808 = arith.constant 0 : index
      %get3A_809 = tpu.vector_load %arg9[%get3A_807, %get3A_808] {strides = array<i32>} : memref<32x16xi32, #tpu.memory_space<vmem>>, vector<16xi32>,
      %select_n3A_810 = arith.select %gt3A_800, %add3A_475, %get3A_809 : vector<16xi1>, vector<16xi32>
      %swap3A_811 = arith.constant 17 : i32
      %swap3A_812 = arith.index_cast %swap3A_811 : i32 to index
      %swap3A_813 = arith.constant 0 : index
      %swap3A_814 = tpu.vector_load %arg9[%swap3A_812, %swap3A_813] {strides = array<i32>} : memref<32x16xi32, #tpu.memory_space<vmem>>, vector<16xi32>,
      tpu.vector_store %arg9[%swap3A_812, %swap3A_813], %select_n3A_810 {strides = array<i32>} : memref<32x16xi32, #tpu.memory_space<vmem>>, vector<16xi32>,
      %get3A_815 = arith.constant 18 : i32
      %get3A_816 = arith.index_cast %get3A_815 : i32 to index
      %get3A_817 = arith.constant 0 : index
      %get3A_818 = tpu.vector_load %arg8[%get3A_816, %get3A_817] {strides = array<i32>} : memref<32x16xf32, #tpu.memory_space<vmem>>, vector<16xf32>,
      %gt3A_819 = arith.cmpf ogt, %scan3A_468#18, %get3A_818 : vector<16xf32>
      %select_n3A_820 = arith.select %gt3A_819, %scan3A_468#18, %get3A_818 : vector<16xi1>, vector<16xf32>
      %swap3A_821 = arith.constant 18 : i32
      %swap3A_822 = arith.index_cast %swap3A_821 : i32 to index
      %swap3A_823 = arith.constant 0 : index
      %swap3A_824 = tpu.vector_load %arg8[%swap3A_822, %swap3A_823] {strides = array<i32>} : memref<32x16xf32, #tpu.memory_space<vmem>>, vector<16xf32>,
      tpu.vector_store %arg8[%swap3A_822, %swap3A_823], %select_n3A_820 {strides = array<i32>} : memref<32x16xf32, #tpu.memory_space<vmem>>, vector<16xf32>,
      %get3A_825 = arith.constant 18 : i32
      %get3A_826 = arith.index_cast %get3A_825 : i32 to index
      %get3A_827 = arith.constant 0 : index
      %get3A_828 = tpu.vector_load %arg9[%get3A_826, %get3A_827] {strides = array<i32>} : memref<32x16xi32, #tpu.memory_space<vmem>>, vector<16xi32>,
      %select_n3A_829 = arith.select %gt3A_819, %add3A_475, %get3A_828 : vector<16xi1>, vector<16xi32>
      %swap3A_830 = arith.constant 18 : i32
      %swap3A_831 = arith.index_cast %swap3A_830 : i32 to index
      %swap3A_832 = arith.constant 0 : index
      %swap3A_833 = tpu.vector_load %arg9[%swap3A_831, %swap3A_832] {strides = array<i32>} : memref<32x16xi32, #tpu.memory_space<vmem>>, vector<16xi32>,
      tpu.vector_store %arg9[%swap3A_831, %swap3A_832], %select_n3A_829 {strides = array<i32>} : memref<32x16xi32, #tpu.memory_space<vmem>>, vector<16xi32>,
      %get3A_834 = arith.constant 19 : i32
      %get3A_835 = arith.index_cast %get3A_834 : i32 to index
      %get3A_836 = arith.constant 0 : index
      %get3A_837 = tpu.vector_load %arg8[%get3A_835, %get3A_836] {strides = array<i32>} : memref<32x16xf32, #tpu.memory_space<vmem>>, vector<16xf32>,
      %gt3A_838 = arith.cmpf ogt, %scan3A_468#19, %get3A_837 : vector<16xf32>
      %select_n3A_839 = arith.select %gt3A_838, %scan3A_468#19, %get3A_837 : vector<16xi1>, vector<16xf32>
      %swap3A_840 = arith.constant 19 : i32
      %swap3A_841 = arith.index_cast %swap3A_840 : i32 to index
      %swap3A_842 = arith.constant 0 : index
      %swap3A_843 = tpu.vector_load %arg8[%swap3A_841, %swap3A_842] {strides = array<i32>} : memref<32x16xf32, #tpu.memory_space<vmem>>, vector<16xf32>,
      tpu.vector_store %arg8[%swap3A_841, %swap3A_842], %select_n3A_839 {strides = array<i32>} : memref<32x16xf32, #tpu.memory_space<vmem>>, vector<16xf32>,
      %get3A_844 = arith.constant 19 : i32
      %get3A_845 = arith.index_cast %get3A_844 : i32 to index
      %get3A_846 = arith.constant 0 : index
      %get3A_847 = tpu.vector_load %arg9[%get3A_845, %get3A_846] {strides = array<i32>} : memref<32x16xi32, #tpu.memory_space<vmem>>, vector<16xi32>,
      %select_n3A_848 = arith.select %gt3A_838, %add3A_475, %get3A_847 : vector<16xi1>, vector<16xi32>
      %swap3A_849 = arith.constant 19 : i32
      %swap3A_850 = arith.index_cast %swap3A_849 : i32 to index
      %swap3A_851 = arith.constant 0 : index
      %swap3A_852 = tpu.vector_load %arg9[%swap3A_850, %swap3A_851] {strides = array<i32>} : memref<32x16xi32, #tpu.memory_space<vmem>>, vector<16xi32>,
      tpu.vector_store %arg9[%swap3A_850, %swap3A_851], %select_n3A_848 {strides = array<i32>} : memref<32x16xi32, #tpu.memory_space<vmem>>, vector<16xi32>,
      %get3A_853 = arith.constant 20 : i32
      %get3A_854 = arith.index_cast %get3A_853 : i32 to index
      %get3A_855 = arith.constant 0 : index
      %get3A_856 = tpu.vector_load %arg8[%get3A_854, %get3A_855] {strides = array<i32>} : memref<32x16xf32, #tpu.memory_space<vmem>>, vector<16xf32>,
      %gt3A_857 = arith.cmpf ogt, %scan3A_468#20, %get3A_856 : vector<16xf32>
      %select_n3A_858 = arith.select %gt3A_857, %scan3A_468#20, %get3A_856 : vector<16xi1>, vector<16xf32>
      %swap3A_859 = arith.constant 20 : i32
      %swap3A_860 = arith.index_cast %swap3A_859 : i32 to index
      %swap3A_861 = arith.constant 0 : index
      %swap3A_862 = tpu.vector_load %arg8[%swap3A_860, %swap3A_861] {strides = array<i32>} : memref<32x16xf32, #tpu.memory_space<vmem>>, vector<16xf32>,
      tpu.vector_store %arg8[%swap3A_860, %swap3A_861], %select_n3A_858 {strides = array<i32>} : memref<32x16xf32, #tpu.memory_space<vmem>>, vector<16xf32>,
      %get3A_863 = arith.constant 20 : i32
      %get3A_864 = arith.index_cast %get3A_863 : i32 to index
      %get3A_865 = arith.constant 0 : index
      %get3A_866 = tpu.vector_load %arg9[%get3A_864, %get3A_865] {strides = array<i32>} : memref<32x16xi32, #tpu.memory_space<vmem>>, vector<16xi32>,
      %select_n3A_867 = arith.select %gt3A_857, %add3A_475, %get3A_866 : vector<16xi1>, vector<16xi32>
      %swap3A_868 = arith.constant 20 : i32
      %swap3A_869 = arith.index_cast %swap3A_868 : i32 to index
      %swap3A_870 = arith.constant 0 : index
      %swap3A_871 = tpu.vector_load %arg9[%swap3A_869, %swap3A_870] {strides = array<i32>} : memref<32x16xi32, #tpu.memory_space<vmem>>, vector<16xi32>,
      tpu.vector_store %arg9[%swap3A_869, %swap3A_870], %select_n3A_867 {strides = array<i32>} : memref<32x16xi32, #tpu.memory_space<vmem>>, vector<16xi32>,
      %get3A_872 = arith.constant 21 : i32
      %get3A_873 = arith.index_cast %get3A_872 : i32 to index
      %get3A_874 = arith.constant 0 : index
      %get3A_875 = tpu.vector_load %arg8[%get3A_873, %get3A_874] {strides = array<i32>} : memref<32x16xf32, #tpu.memory_space<vmem>>, vector<16xf32>,
      %gt3A_876 = arith.cmpf ogt, %scan3A_468#21, %get3A_875 : vector<16xf32>
      %select_n3A_877 = arith.select %gt3A_876, %scan3A_468#21, %get3A_875 : vector<16xi1>, vector<16xf32>
      %swap3A_878 = arith.constant 21 : i32
      %swap3A_879 = arith.index_cast %swap3A_878 : i32 to index
      %swap3A_880 = arith.constant 0 : index
      %swap3A_881 = tpu.vector_load %arg8[%swap3A_879, %swap3A_880] {strides = array<i32>} : memref<32x16xf32, #tpu.memory_space<vmem>>, vector<16xf32>,
      tpu.vector_store %arg8[%swap3A_879, %swap3A_880], %select_n3A_877 {strides = array<i32>} : memref<32x16xf32, #tpu.memory_space<vmem>>, vector<16xf32>,
      %get3A_882 = arith.constant 21 : i32
      %get3A_883 = arith.index_cast %get3A_882 : i32 to index
      %get3A_884 = arith.constant 0 : index
      %get3A_885 = tpu.vector_load %arg9[%get3A_883, %get3A_884] {strides = array<i32>} : memref<32x16xi32, #tpu.memory_space<vmem>>, vector<16xi32>,
      %select_n3A_886 = arith.select %gt3A_876, %add3A_475, %get3A_885 : vector<16xi1>, vector<16xi32>
      %swap3A_887 = arith.constant 21 : i32
      %swap3A_888 = arith.index_cast %swap3A_887 : i32 to index
      %swap3A_889 = arith.constant 0 : index
      %swap3A_890 = tpu.vector_load %arg9[%swap3A_888, %swap3A_889] {strides = array<i32>} : memref<32x16xi32, #tpu.memory_space<vmem>>, vector<16xi32>,
      tpu.vector_store %arg9[%swap3A_888, %swap3A_889], %select_n3A_886 {strides = array<i32>} : memref<32x16xi32, #tpu.memory_space<vmem>>, vector<16xi32>,
      %get3A_891 = arith.constant 22 : i32
      %get3A_892 = arith.index_cast %get3A_891 : i32 to index
      %get3A_893 = arith.constant 0 : index
      %get3A_894 = tpu.vector_load %arg8[%get3A_892, %get3A_893] {strides = array<i32>} : memref<32x16xf32, #tpu.memory_space<vmem>>, vector<16xf32>,
      %gt3A_895 = arith.cmpf ogt, %scan3A_468#22, %get3A_894 : vector<16xf32>
      %select_n3A_896 = arith.select %gt3A_895, %scan3A_468#22, %get3A_894 : vector<16xi1>, vector<16xf32>
      %swap3A_897 = arith.constant 22 : i32
      %swap3A_898 = arith.index_cast %swap3A_897 : i32 to index
      %swap3A_899 = arith.constant 0 : index
      %swap3A_900 = tpu.vector_load %arg8[%swap3A_898, %swap3A_899] {strides = array<i32>} : memref<32x16xf32, #tpu.memory_space<vmem>>, vector<16xf32>,
      tpu.vector_store %arg8[%swap3A_898, %swap3A_899], %select_n3A_896 {strides = array<i32>} : memref<32x16xf32, #tpu.memory_space<vmem>>, vector<16xf32>,
      %get3A_901 = arith.constant 22 : i32
      %get3A_902 = arith.index_cast %get3A_901 : i32 to index
      %get3A_903 = arith.constant 0 : index
      %get3A_904 = tpu.vector_load %arg9[%get3A_902, %get3A_903] {strides = array<i32>} : memref<32x16xi32, #tpu.memory_space<vmem>>, vector<16xi32>,
      %select_n3A_905 = arith.select %gt3A_895, %add3A_475, %get3A_904 : vector<16xi1>, vector<16xi32>
      %swap3A_906 = arith.constant 22 : i32
      %swap3A_907 = arith.index_cast %swap3A_906 : i32 to index
      %swap3A_908 = arith.constant 0 : index
      %swap3A_909 = tpu.vector_load %arg9[%swap3A_907, %swap3A_908] {strides = array<i32>} : memref<32x16xi32, #tpu.memory_space<vmem>>, vector<16xi32>,
      tpu.vector_store %arg9[%swap3A_907, %swap3A_908], %select_n3A_905 {strides = array<i32>} : memref<32x16xi32, #tpu.memory_space<vmem>>, vector<16xi32>,
      %get3A_910 = arith.constant 23 : i32
      %get3A_911 = arith.index_cast %get3A_910 : i32 to index
      %get3A_912 = arith.constant 0 : index
      %get3A_913 = tpu.vector_load %arg8[%get3A_911, %get3A_912] {strides = array<i32>} : memref<32x16xf32, #tpu.memory_space<vmem>>, vector<16xf32>,
      %gt3A_914 = arith.cmpf ogt, %scan3A_468#23, %get3A_913 : vector<16xf32>
      %select_n3A_915 = arith.select %gt3A_914, %scan3A_468#23, %get3A_913 : vector<16xi1>, vector<16xf32>
      %swap3A_916 = arith.constant 23 : i32
      %swap3A_917 = arith.index_cast %swap3A_916 : i32 to index
      %swap3A_918 = arith.constant 0 : index
      %swap3A_919 = tpu.vector_load %arg8[%swap3A_917, %swap3A_918] {strides = array<i32>} : memref<32x16xf32, #tpu.memory_space<vmem>>, vector<16xf32>,
      tpu.vector_store %arg8[%swap3A_917, %swap3A_918], %select_n3A_915 {strides = array<i32>} : memref<32x16xf32, #tpu.memory_space<vmem>>, vector<16xf32>,
      %get3A_920 = arith.constant 23 : i32
      %get3A_921 = arith.index_cast %get3A_920 : i32 to index
      %get3A_922 = arith.constant 0 : index
      %get3A_923 = tpu.vector_load %arg9[%get3A_921, %get3A_922] {strides = array<i32>} : memref<32x16xi32, #tpu.memory_space<vmem>>, vector<16xi32>,
      %select_n3A_924 = arith.select %gt3A_914, %add3A_475, %get3A_923 : vector<16xi1>, vector<16xi32>
      %swap3A_925 = arith.constant 23 : i32
      %swap3A_926 = arith.index_cast %swap3A_925 : i32 to index
      %swap3A_927 = arith.constant 0 : index
      %swap3A_928 = tpu.vector_load %arg9[%swap3A_926, %swap3A_927] {strides = array<i32>} : memref<32x16xi32, #tpu.memory_space<vmem>>, vector<16xi32>,
      tpu.vector_store %arg9[%swap3A_926, %swap3A_927], %select_n3A_924 {strides = array<i32>} : memref<32x16xi32, #tpu.memory_space<vmem>>, vector<16xi32>,
      %get3A_929 = arith.constant 24 : i32
      %get3A_930 = arith.index_cast %get3A_929 : i32 to index
      %get3A_931 = arith.constant 0 : index
      %get3A_932 = tpu.vector_load %arg8[%get3A_930, %get3A_931] {strides = array<i32>} : memref<32x16xf32, #tpu.memory_space<vmem>>, vector<16xf32>,
      %gt3A_933 = arith.cmpf ogt, %scan3A_468#24, %get3A_932 : vector<16xf32>
      %select_n3A_934 = arith.select %gt3A_933, %scan3A_468#24, %get3A_932 : vector<16xi1>, vector<16xf32>
      %swap3A_935 = arith.constant 24 : i32
      %swap3A_936 = arith.index_cast %swap3A_935 : i32 to index
      %swap3A_937 = arith.constant 0 : index
      %swap3A_938 = tpu.vector_load %arg8[%swap3A_936, %swap3A_937] {strides = array<i32>} : memref<32x16xf32, #tpu.memory_space<vmem>>, vector<16xf32>,
      tpu.vector_store %arg8[%swap3A_936, %swap3A_937], %select_n3A_934 {strides = array<i32>} : memref<32x16xf32, #tpu.memory_space<vmem>>, vector<16xf32>,
      %get3A_939 = arith.constant 24 : i32
      %get3A_940 = arith.index_cast %get3A_939 : i32 to index
      %get3A_941 = arith.constant 0 : index
      %get3A_942 = tpu.vector_load %arg9[%get3A_940, %get3A_941] {strides = array<i32>} : memref<32x16xi32, #tpu.memory_space<vmem>>, vector<16xi32>,
      %select_n3A_943 = arith.select %gt3A_933, %add3A_475, %get3A_942 : vector<16xi1>, vector<16xi32>
      %swap3A_944 = arith.constant 24 : i32
      %swap3A_945 = arith.index_cast %swap3A_944 : i32 to index
      %swap3A_946 = arith.constant 0 : index
      %swap3A_947 = tpu.vector_load %arg9[%swap3A_945, %swap3A_946] {strides = array<i32>} : memref<32x16xi32, #tpu.memory_space<vmem>>, vector<16xi32>,
      tpu.vector_store %arg9[%swap3A_945, %swap3A_946], %select_n3A_943 {strides = array<i32>} : memref<32x16xi32, #tpu.memory_space<vmem>>, vector<16xi32>,
      %get3A_948 = arith.constant 25 : i32
      %get3A_949 = arith.index_cast %get3A_948 : i32 to index
      %get3A_950 = arith.constant 0 : index
      %get3A_951 = tpu.vector_load %arg8[%get3A_949, %get3A_950] {strides = array<i32>} : memref<32x16xf32, #tpu.memory_space<vmem>>, vector<16xf32>,
      %gt3A_952 = arith.cmpf ogt, %scan3A_468#25, %get3A_951 : vector<16xf32>
      %select_n3A_953 = arith.select %gt3A_952, %scan3A_468#25, %get3A_951 : vector<16xi1>, vector<16xf32>
      %swap3A_954 = arith.constant 25 : i32
      %swap3A_955 = arith.index_cast %swap3A_954 : i32 to index
      %swap3A_956 = arith.constant 0 : index
      %swap3A_957 = tpu.vector_load %arg8[%swap3A_955, %swap3A_956] {strides = array<i32>} : memref<32x16xf32, #tpu.memory_space<vmem>>, vector<16xf32>,
      tpu.vector_store %arg8[%swap3A_955, %swap3A_956], %select_n3A_953 {strides = array<i32>} : memref<32x16xf32, #tpu.memory_space<vmem>>, vector<16xf32>,
      %get3A_958 = arith.constant 25 : i32
      %get3A_959 = arith.index_cast %get3A_958 : i32 to index
      %get3A_960 = arith.constant 0 : index
      %get3A_961 = tpu.vector_load %arg9[%get3A_959, %get3A_960] {strides = array<i32>} : memref<32x16xi32, #tpu.memory_space<vmem>>, vector<16xi32>,
      %select_n3A_962 = arith.select %gt3A_952, %add3A_475, %get3A_961 : vector<16xi1>, vector<16xi32>
      %swap3A_963 = arith.constant 25 : i32
      %swap3A_964 = arith.index_cast %swap3A_963 : i32 to index
      %swap3A_965 = arith.constant 0 : index
      %swap3A_966 = tpu.vector_load %arg9[%swap3A_964, %swap3A_965] {strides = array<i32>} : memref<32x16xi32, #tpu.memory_space<vmem>>, vector<16xi32>,
      tpu.vector_store %arg9[%swap3A_964, %swap3A_965], %select_n3A_962 {strides = array<i32>} : memref<32x16xi32, #tpu.memory_space<vmem>>, vector<16xi32>,
      %get3A_967 = arith.constant 26 : i32
      %get3A_968 = arith.index_cast %get3A_967 : i32 to index
      %get3A_969 = arith.constant 0 : index
      %get3A_970 = tpu.vector_load %arg8[%get3A_968, %get3A_969] {strides = array<i32>} : memref<32x16xf32, #tpu.memory_space<vmem>>, vector<16xf32>,
      %gt3A_971 = arith.cmpf ogt, %scan3A_468#26, %get3A_970 : vector<16xf32>
      %select_n3A_972 = arith.select %gt3A_971, %scan3A_468#26, %get3A_970 : vector<16xi1>, vector<16xf32>
      %swap3A_973 = arith.constant 26 : i32
      %swap3A_974 = arith.index_cast %swap3A_973 : i32 to index
      %swap3A_975 = arith.constant 0 : index
      %swap3A_976 = tpu.vector_load %arg8[%swap3A_974, %swap3A_975] {strides = array<i32>} : memref<32x16xf32, #tpu.memory_space<vmem>>, vector<16xf32>,
      tpu.vector_store %arg8[%swap3A_974, %swap3A_975], %select_n3A_972 {strides = array<i32>} : memref<32x16xf32, #tpu.memory_space<vmem>>, vector<16xf32>,
      %get3A_977 = arith.constant 26 : i32
      %get3A_978 = arith.index_cast %get3A_977 : i32 to index
      %get3A_979 = arith.constant 0 : index
      %get3A_980 = tpu.vector_load %arg9[%get3A_978, %get3A_979] {strides = array<i32>} : memref<32x16xi32, #tpu.memory_space<vmem>>, vector<16xi32>,
      %select_n3A_981 = arith.select %gt3A_971, %add3A_475, %get3A_980 : vector<16xi1>, vector<16xi32>
      %swap3A_982 = arith.constant 26 : i32
      %swap3A_983 = arith.index_cast %swap3A_982 : i32 to index
      %swap3A_984 = arith.constant 0 : index
      %swap3A_985 = tpu.vector_load %arg9[%swap3A_983, %swap3A_984] {strides = array<i32>} : memref<32x16xi32, #tpu.memory_space<vmem>>, vector<16xi32>,
      tpu.vector_store %arg9[%swap3A_983, %swap3A_984], %select_n3A_981 {strides = array<i32>} : memref<32x16xi32, #tpu.memory_space<vmem>>, vector<16xi32>,
      %get3A_986 = arith.constant 27 : i32
      %get3A_987 = arith.index_cast %get3A_986 : i32 to index
      %get3A_988 = arith.constant 0 : index
      %get3A_989 = tpu.vector_load %arg8[%get3A_987, %get3A_988] {strides = array<i32>} : memref<32x16xf32, #tpu.memory_space<vmem>>, vector<16xf32>,
      %gt3A_990 = arith.cmpf ogt, %scan3A_468#27, %get3A_989 : vector<16xf32>
      %select_n3A_991 = arith.select %gt3A_990, %scan3A_468#27, %get3A_989 : vector<16xi1>, vector<16xf32>
      %swap3A_992 = arith.constant 27 : i32
      %swap3A_993 = arith.index_cast %swap3A_992 : i32 to index
      %swap3A_994 = arith.constant 0 : index
      %swap3A_995 = tpu.vector_load %arg8[%swap3A_993, %swap3A_994] {strides = array<i32>} : memref<32x16xf32, #tpu.memory_space<vmem>>, vector<16xf32>,
      tpu.vector_store %arg8[%swap3A_993, %swap3A_994], %select_n3A_991 {strides = array<i32>} : memref<32x16xf32, #tpu.memory_space<vmem>>, vector<16xf32>,
      %get3A_996 = arith.constant 27 : i32
      %get3A_997 = arith.index_cast %get3A_996 : i32 to index
      %get3A_998 = arith.constant 0 : index
      %get3A_999 = tpu.vector_load %arg9[%get3A_997, %get3A_998] {strides = array<i32>} : memref<32x16xi32, #tpu.memory_space<vmem>>, vector<16xi32>,
      %select_n3A_1000 = arith.select %gt3A_990, %add3A_475, %get3A_999 : vector<16xi1>, vector<16xi32>
      %swap3A_1001 = arith.constant 27 : i32
      %swap3A_1002 = arith.index_cast %swap3A_1001 : i32 to index
      %swap3A_1003 = arith.constant 0 : index
      %swap3A_1004 = tpu.vector_load %arg9[%swap3A_1002, %swap3A_1003] {strides = array<i32>} : memref<32x16xi32, #tpu.memory_space<vmem>>, vector<16xi32>,
      tpu.vector_store %arg9[%swap3A_1002, %swap3A_1003], %select_n3A_1000 {strides = array<i32>} : memref<32x16xi32, #tpu.memory_space<vmem>>, vector<16xi32>,
      %get3A_1005 = arith.constant 28 : i32
      %get3A_1006 = arith.index_cast %get3A_1005 : i32 to index
      %get3A_1007 = arith.constant 0 : index
      %get3A_1008 = tpu.vector_load %arg8[%get3A_1006, %get3A_1007] {strides = array<i32>} : memref<32x16xf32, #tpu.memory_space<vmem>>, vector<16xf32>,
      %gt3A_1009 = arith.cmpf ogt, %scan3A_468#28, %get3A_1008 : vector<16xf32>
      %select_n3A_1010 = arith.select %gt3A_1009, %scan3A_468#28, %get3A_1008 : vector<16xi1>, vector<16xf32>
      %swap3A_1011 = arith.constant 28 : i32
      %swap3A_1012 = arith.index_cast %swap3A_1011 : i32 to index
      %swap3A_1013 = arith.constant 0 : index
      %swap3A_1014 = tpu.vector_load %arg8[%swap3A_1012, %swap3A_1013] {strides = array<i32>} : memref<32x16xf32, #tpu.memory_space<vmem>>, vector<16xf32>,
      tpu.vector_store %arg8[%swap3A_1012, %swap3A_1013], %select_n3A_1010 {strides = array<i32>} : memref<32x16xf32, #tpu.memory_space<vmem>>, vector<16xf32>,
      %get3A_1015 = arith.constant 28 : i32
      %get3A_1016 = arith.index_cast %get3A_1015 : i32 to index
      %get3A_1017 = arith.constant 0 : index
      %get3A_1018 = tpu.vector_load %arg9[%get3A_1016, %get3A_1017] {strides = array<i32>} : memref<32x16xi32, #tpu.memory_space<vmem>>, vector<16xi32>,
      %select_n3A_1019 = arith.select %gt3A_1009, %add3A_475, %get3A_1018 : vector<16xi1>, vector<16xi32>
      %swap3A_1020 = arith.constant 28 : i32
      %swap3A_1021 = arith.index_cast %swap3A_1020 : i32 to index
      %swap3A_1022 = arith.constant 0 : index
      %swap3A_1023 = tpu.vector_load %arg9[%swap3A_1021, %swap3A_1022] {strides = array<i32>} : memref<32x16xi32, #tpu.memory_space<vmem>>, vector<16xi32>,
      tpu.vector_store %arg9[%swap3A_1021, %swap3A_1022], %select_n3A_1019 {strides = array<i32>} : memref<32x16xi32, #tpu.memory_space<vmem>>, vector<16xi32>,
      %get3A_1024 = arith.constant 29 : i32
      %get3A_1025 = arith.index_cast %get3A_1024 : i32 to index
      %get3A_1026 = arith.constant 0 : index
      %get3A_1027 = tpu.vector_load %arg8[%get3A_1025, %get3A_1026] {strides = array<i32>} : memref<32x16xf32, #tpu.memory_space<vmem>>, vector<16xf32>,
      %gt3A_1028 = arith.cmpf ogt, %scan3A_468#29, %get3A_1027 : vector<16xf32>
      %select_n3A_1029 = arith.select %gt3A_1028, %scan3A_468#29, %get3A_1027 : vector<16xi1>, vector<16xf32>
      %swap3A_1030 = arith.constant 29 : i32
      %swap3A_1031 = arith.index_cast %swap3A_1030 : i32 to index
      %swap3A_1032 = arith.constant 0 : index
      %swap3A_1033 = tpu.vector_load %arg8[%swap3A_1031, %swap3A_1032] {strides = array<i32>} : memref<32x16xf32, #tpu.memory_space<vmem>>, vector<16xf32>,
      tpu.vector_store %arg8[%swap3A_1031, %swap3A_1032], %select_n3A_1029 {strides = array<i32>} : memref<32x16xf32, #tpu.memory_space<vmem>>, vector<16xf32>,
      %get3A_1034 = arith.constant 29 : i32
      %get3A_1035 = arith.index_cast %get3A_1034 : i32 to index
      %get3A_1036 = arith.constant 0 : index
      %get3A_1037 = tpu.vector_load %arg9[%get3A_1035, %get3A_1036] {strides = array<i32>} : memref<32x16xi32, #tpu.memory_space<vmem>>, vector<16xi32>,
      %select_n3A_1038 = arith.select %gt3A_1028, %add3A_475, %get3A_1037 : vector<16xi1>, vector<16xi32>
      %swap3A_1039 = arith.constant 29 : i32
      %swap3A_1040 = arith.index_cast %swap3A_1039 : i32 to index
      %swap3A_1041 = arith.constant 0 : index
      %swap3A_1042 = tpu.vector_load %arg9[%swap3A_1040, %swap3A_1041] {strides = array<i32>} : memref<32x16xi32, #tpu.memory_space<vmem>>, vector<16xi32>,
      tpu.vector_store %arg9[%swap3A_1040, %swap3A_1041], %select_n3A_1038 {strides = array<i32>} : memref<32x16xi32, #tpu.memory_space<vmem>>, vector<16xi32>,
      %get3A_1043 = arith.constant 30 : i32
      %get3A_1044 = arith.index_cast %get3A_1043 : i32 to index
      %get3A_1045 = arith.constant 0 : index
      %get3A_1046 = tpu.vector_load %arg8[%get3A_1044, %get3A_1045] {strides = array<i32>} : memref<32x16xf32, #tpu.memory_space<vmem>>, vector<16xf32>,
      %gt3A_1047 = arith.cmpf ogt, %scan3A_468#30, %get3A_1046 : vector<16xf32>
      %select_n3A_1048 = arith.select %gt3A_1047, %scan3A_468#30, %get3A_1046 : vector<16xi1>, vector<16xf32>
      %swap3A_1049 = arith.constant 30 : i32
      %swap3A_1050 = arith.index_cast %swap3A_1049 : i32 to index
      %swap3A_1051 = arith.constant 0 : index
      %swap3A_1052 = tpu.vector_load %arg8[%swap3A_1050, %swap3A_1051] {strides = array<i32>} : memref<32x16xf32, #tpu.memory_space<vmem>>, vector<16xf32>,
      tpu.vector_store %arg8[%swap3A_1050, %swap3A_1051], %select_n3A_1048 {strides = array<i32>} : memref<32x16xf32, #tpu.memory_space<vmem>>, vector<16xf32>,
      %get3A_1053 = arith.constant 30 : i32
      %get3A_1054 = arith.index_cast %get3A_1053 : i32 to index
      %get3A_1055 = arith.constant 0 : index
      %get3A_1056 = tpu.vector_load %arg9[%get3A_1054, %get3A_1055] {strides = array<i32>} : memref<32x16xi32, #tpu.memory_space<vmem>>, vector<16xi32>,
      %select_n3A_1057 = arith.select %gt3A_1047, %add3A_475, %get3A_1056 : vector<16xi1>, vector<16xi32>
      %swap3A_1058 = arith.constant 30 : i32
      %swap3A_1059 = arith.index_cast %swap3A_1058 : i32 to index
      %swap3A_1060 = arith.constant 0 : index
      %swap3A_1061 = tpu.vector_load %arg9[%swap3A_1059, %swap3A_1060] {strides = array<i32>} : memref<32x16xi32, #tpu.memory_space<vmem>>, vector<16xi32>,
      tpu.vector_store %arg9[%swap3A_1059, %swap3A_1060], %select_n3A_1057 {strides = array<i32>} : memref<32x16xi32, #tpu.memory_space<vmem>>, vector<16xi32>,
      %get3A_1062 = arith.constant 31 : i32
      %get3A_1063 = arith.index_cast %get3A_1062 : i32 to index
      %get3A_1064 = arith.constant 0 : index
      %get3A_1065 = tpu.vector_load %arg8[%get3A_1063, %get3A_1064] {strides = array<i32>} : memref<32x16xf32, #tpu.memory_space<vmem>>, vector<16xf32>,
      %gt3A_1066 = arith.cmpf ogt, %scan3A_468#31, %get3A_1065 : vector<16xf32>
      %select_n3A_1067 = arith.select %gt3A_1066, %scan3A_468#31, %get3A_1065 : vector<16xi1>, vector<16xf32>
      %swap3A_1068 = arith.constant 31 : i32
      %swap3A_1069 = arith.index_cast %swap3A_1068 : i32 to index
      %swap3A_1070 = arith.constant 0 : index
      %swap3A_1071 = tpu.vector_load %arg8[%swap3A_1069, %swap3A_1070] {strides = array<i32>} : memref<32x16xf32, #tpu.memory_space<vmem>>, vector<16xf32>,
      tpu.vector_store %arg8[%swap3A_1069, %swap3A_1070], %select_n3A_1067 {strides = array<i32>} : memref<32x16xf32, #tpu.memory_space<vmem>>, vector<16xf32>,
      %get3A_1072 = arith.constant 31 : i32
      %get3A_1073 = arith.index_cast %get3A_1072 : i32 to index
      %get3A_1074 = arith.constant 0 : index
      %get3A_1075 = tpu.vector_load %arg9[%get3A_1073, %get3A_1074] {strides = array<i32>} : memref<32x16xi32, #tpu.memory_space<vmem>>, vector<16xi32>,
      %select_n3A_1076 = arith.select %gt3A_1066, %add3A_475, %get3A_1075 : vector<16xi1>, vector<16xi32>
      %swap3A_1077 = arith.constant 31 : i32
      %swap3A_1078 = arith.index_cast %swap3A_1077 : i32 to index
      %swap3A_1079 = arith.constant 0 : index
      %swap3A_1080 = tpu.vector_load %arg9[%swap3A_1078, %swap3A_1079] {strides = array<i32>} : memref<32x16xi32, #tpu.memory_space<vmem>>, vector<16xi32>,
      tpu.vector_store %arg9[%swap3A_1078, %swap3A_1079], %select_n3A_1076 {strides = array<i32>} : memref<32x16xi32, #tpu.memory_space<vmem>>, vector<16xi32>,
    }
    %scan3A_394 = arith.constant 62 : i32
    "tpu.region"() ({
      %run_scoped3A = tpu.sem_alloc : memref<!tpu.dma_semaphore, #tpu.memory_space<semaphore_mem>>
      %dma_start3A = arith.constant 0 : i32
      %dma_start3A_395 = arith.constant 0 : i32
      %dma_start3A_396 = tpu.memref_slice %arg4[%add3A, %dma_start3A, %dma_start3A_395] : memref<32x32x16xf32, #tpu.memory_space<hbm>> -> memref<1x32x16xf32, #tpu.memory_space<hbm>>
      %dma_start3A_397 = tpu.memref_squeeze %dma_start3A_396 : memref<1x32x16xf32, #tpu.memory_space<hbm>> -> memref<32x16xf32, #tpu.memory_space<hbm>>
      %dma_start3A_398 = arith.constant 0 : i32
      %dma_start3A_399 = arith.constant 0 : i32
      %dma_start3A_400 = tpu.memref_slice %arg4[%add3A, %dma_start3A_398, %dma_start3A_399] : memref<32x32x16xf32, #tpu.memory_space<hbm>> -> memref<1x32x16xf32, #tpu.memory_space<hbm>>
      %dma_start3A_401 = tpu.memref_squeeze %dma_start3A_400 : memref<1x32x16xf32, #tpu.memory_space<hbm>> -> memref<32x16xf32, #tpu.memory_space<hbm>>
      tpu.enqueue_dma source(%arg8 : memref<32x16xf32, #tpu.memory_space<vmem>>) target(%dma_start3A_401 : memref<32x16xf32, #tpu.memory_space<hbm>>) target_semaphore(%run_scoped3A : memref<!tpu.dma_semaphore, #tpu.memory_space<semaphore_mem>>)
      %dma_wait3A = arith.constant 0 : i32
      %dma_wait3A_402 = arith.constant 0 : i32
      %dma_wait3A_403 = tpu.memref_slice %arg4[%add3A, %dma_wait3A, %dma_wait3A_402] : memref<32x32x16xf32, #tpu.memory_space<hbm>> -> memref<1x32x16xf32, #tpu.memory_space<hbm>>
      %dma_wait3A_404 = tpu.memref_squeeze %dma_wait3A_403 : memref<1x32x16xf32, #tpu.memory_space<hbm>> -> memref<32x16xf32, #tpu.memory_space<hbm>>
      %dma_wait3A_405 = arith.constant 0 : i32
      %dma_wait3A_406 = arith.constant 0 : i32
      %dma_wait3A_407 = tpu.memref_slice %arg4[%add3A, %dma_wait3A_405, %dma_wait3A_406] : memref<32x32x16xf32, #tpu.memory_space<hbm>> -> memref<1x32x16xf32, #tpu.memory_space<hbm>>
      %dma_wait3A_408 = tpu.memref_squeeze %dma_wait3A_407 : memref<1x32x16xf32, #tpu.memory_space<hbm>> -> memref<32x16xf32, #tpu.memory_space<hbm>>
      tpu.wait_dma2 semaphore(%run_scoped3A : memref<!tpu.dma_semaphore, #tpu.memory_space<semaphore_mem>>) src(%arg8 : memref<32x16xf32, #tpu.memory_space<vmem>>) dst(%dma_wait3A_408 : memref<32x16xf32, #tpu.memory_space<hbm>>)
      tpu.yield
    }) : () -> ()
    "tpu.region"() ({
      %run_scoped3A = tpu.sem_alloc : memref<!tpu.dma_semaphore, #tpu.memory_space<semaphore_mem>>
      %dma_start3A = arith.constant 0 : i32
      %dma_start3A_395 = arith.constant 0 : i32
      %dma_start3A_396 = tpu.memref_slice %arg5[%add3A, %dma_start3A, %dma_start3A_395] : memref<32x32x16xi32, #tpu.memory_space<hbm>> -> memref<1x32x16xi32, #tpu.memory_space<hbm>>
      %dma_start3A_397 = tpu.memref_squeeze %dma_start3A_396 : memref<1x32x16xi32, #tpu.memory_space<hbm>> -> memref<32x16xi32, #tpu.memory_space<hbm>>
      %dma_start3A_398 = arith.constant 0 : i32
      %dma_start3A_399 = arith.constant 0 : i32
      %dma_start3A_400 = tpu.memref_slice %arg5[%add3A, %dma_start3A_398, %dma_start3A_399] : memref<32x32x16xi32, #tpu.memory_space<hbm>> -> memref<1x32x16xi32, #tpu.memory_space<hbm>>
      %dma_start3A_401 = tpu.memref_squeeze %dma_start3A_400 : memref<1x32x16xi32, #tpu.memory_space<hbm>> -> memref<32x16xi32, #tpu.memory_space<hbm>>
      tpu.enqueue_dma source(%arg9 : memref<32x16xi32, #tpu.memory_space<vmem>>) target(%dma_start3A_401 : memref<32x16xi32, #tpu.memory_space<hbm>>) target_semaphore(%run_scoped3A : memref<!tpu.dma_semaphore, #tpu.memory_space<semaphore_mem>>)
      %dma_wait3A = arith.constant 0 : i32
      %dma_wait3A_402 = arith.constant 0 : i32
      %dma_wait3A_403 = tpu.memref_slice %arg5[%add3A, %dma_wait3A, %dma_wait3A_402] : memref<32x32x16xi32, #tpu.memory_space<hbm>> -> memref<1x32x16xi32, #tpu.memory_space<hbm>>
      %dma_wait3A_404 = tpu.memref_squeeze %dma_wait3A_403 : memref<1x32x16xi32, #tpu.memory_space<hbm>> -> memref<32x16xi32, #tpu.memory_space<hbm>>
      %dma_wait3A_405 = arith.constant 0 : i32
      %dma_wait3A_406 = arith.constant 0 : i32
      %dma_wait3A_407 = tpu.memref_slice %arg5[%add3A, %dma_wait3A_405, %dma_wait3A_406] : memref<32x32x16xi32, #tpu.memory_space<hbm>> -> memref<1x32x16xi32, #tpu.memory_space<hbm>>
      %dma_wait3A_408 = tpu.memref_squeeze %dma_wait3A_407 : memref<1x32x16xi32, #tpu.memory_space<hbm>> -> memref<32x16xi32, #tpu.memory_space<hbm>>
      tpu.wait_dma2 semaphore(%run_scoped3A : memref<!tpu.dma_semaphore, #tpu.memory_space<semaphore_mem>>) src(%arg9 : memref<32x16xi32, #tpu.memory_space<vmem>>) dst(%dma_wait3A_408 : memref<32x16xi32, #tpu.memory_space<hbm>>)
      tpu.yield
    }) : () -> ()
    return
  }
}

module attributes {stable_mosaic.version = 14 : i64} {
  func.func @_whiten_idft_body(%arg0: i32, %arg1: memref<8x8x2176xf32, #tpu.memory_space<vmem>>, %arg2: memref<8x8x2176xf32, #tpu.memory_space<vmem>>, %arg3: memref<2176x128xf32, #tpu.memory_space<vmem>>, %arg4: memref<2176x128xf32, #tpu.memory_space<vmem>>, %arg5: memref<224x128xf32, #tpu.memory_space<vmem>>) attributes {dimension_semantics = [#tpu.dimension_semantics<arbitrary>], iteration_bounds = array<i64: 4>, scalar_prefetch = 0 : i64, scratch_operands = 0 : i64, tpu.core_type = #tpu.core_type<tc>, window_params = [{transform_indices = @transform_0, window_bounds = array<i64: 8, 8, 2176>}, {transform_indices = @transform_1, window_bounds = array<i64: 8, 8, 2176>}, {pipeline_mode = #tpu.pipeline_mode<synchronous>, transform_indices = @transform_2, window_bounds = array<i64: 2176, 128>}, {pipeline_mode = #tpu.pipeline_mode<synchronous>, transform_indices = @transform_3, window_bounds = array<i64: 2176, 128>}, {transform_indices = @transform_4, window_bounds = array<i64: 224, 128>}]} {
    %get3A = arith.constant 0 : index
    %get3A_0 = arith.constant 0 : index
    %get3A_1 = arith.constant 0 : index
    %get3A_2 = vector.load %arg1[%get3A, %get3A_0, %get3A_1] : memref<8x8x2176xf32, #tpu.memory_space<vmem>>, vector<1x8x2176xf32>
    %get3A_3 = vector.shape_cast %get3A_2 : vector<1x8x2176xf32> to vector<8x2176xf32>
    %get3A_4 = arith.constant 0 : index
    %get3A_5 = arith.constant 0 : index
    %get3A_6 = arith.constant 0 : index
    %get3A_7 = vector.load %arg2[%get3A_4, %get3A_5, %get3A_6] : memref<8x8x2176xf32, #tpu.memory_space<vmem>>, vector<1x8x2176xf32>
    %get3A_8 = vector.shape_cast %get3A_7 : vector<1x8x2176xf32> to vector<8x2176xf32>
    %slice3A = vector.extract_strided_slice %get3A_3 {offsets = [0, 0], sizes = [1, 2176], strides = [1, 1]} : vector<8x2176xf32> to vector<1x2176xf32>
    %broadcast_in_dim3A = vector.shape_cast %slice3A : vector<1x2176xf32> to vector<1x2176xf32>
    %broadcast_in_dim3A_9 = vector.broadcast %broadcast_in_dim3A : vector<1x2176xf32> to vector<7x2176xf32>
    %slice3A_10 = vector.extract_strided_slice %get3A_3 {offsets = [1, 0], sizes = [1, 2176], strides = [1, 1]} : vector<8x2176xf32> to vector<1x2176xf32>
    %broadcast_in_dim3A_11 = vector.shape_cast %slice3A_10 : vector<1x2176xf32> to vector<1x2176xf32>
    %broadcast_in_dim3A_12 = vector.broadcast %broadcast_in_dim3A_11 : vector<1x2176xf32> to vector<6x2176xf32>
    %slice3A_13 = vector.extract_strided_slice %get3A_3 {offsets = [2, 0], sizes = [1, 2176], strides = [1, 1]} : vector<8x2176xf32> to vector<1x2176xf32>
    %broadcast_in_dim3A_14 = vector.shape_cast %slice3A_13 : vector<1x2176xf32> to vector<1x2176xf32>
    %broadcast_in_dim3A_15 = vector.broadcast %broadcast_in_dim3A_14 : vector<1x2176xf32> to vector<5x2176xf32>
    %slice3A_16 = vector.extract_strided_slice %get3A_3 {offsets = [3, 0], sizes = [1, 2176], strides = [1, 1]} : vector<8x2176xf32> to vector<1x2176xf32>
    %broadcast_in_dim3A_17 = vector.shape_cast %slice3A_16 : vector<1x2176xf32> to vector<1x2176xf32>
    %broadcast_in_dim3A_18 = vector.broadcast %broadcast_in_dim3A_17 : vector<1x2176xf32> to vector<4x2176xf32>
    %slice3A_19 = vector.extract_strided_slice %get3A_3 {offsets = [4, 0], sizes = [1, 2176], strides = [1, 1]} : vector<8x2176xf32> to vector<1x2176xf32>
    %broadcast_in_dim3A_20 = vector.shape_cast %slice3A_19 : vector<1x2176xf32> to vector<1x2176xf32>
    %broadcast_in_dim3A_21 = vector.broadcast %broadcast_in_dim3A_20 : vector<1x2176xf32> to vector<3x2176xf32>
    %slice3A_22 = vector.extract_strided_slice %get3A_3 {offsets = [5, 0], sizes = [1, 2176], strides = [1, 1]} : vector<8x2176xf32> to vector<1x2176xf32>
    %broadcast_in_dim3A_23 = vector.shape_cast %slice3A_22 : vector<1x2176xf32> to vector<1x2176xf32>
    %broadcast_in_dim3A_24 = vector.broadcast %broadcast_in_dim3A_23 : vector<1x2176xf32> to vector<2x2176xf32>
    %slice3A_25 = vector.extract_strided_slice %get3A_3 {offsets = [6, 0], sizes = [1, 2176], strides = [1, 1]} : vector<8x2176xf32> to vector<1x2176xf32>
    %concatenate3A = tpu.concatenate %broadcast_in_dim3A_9, %broadcast_in_dim3A_12, %broadcast_in_dim3A_15, %broadcast_in_dim3A_18, %broadcast_in_dim3A_21, %broadcast_in_dim3A_24, %slice3A_25 in 0 : vector<7x2176xf32>, vector<6x2176xf32>, vector<5x2176xf32>, vector<4x2176xf32>, vector<3x2176xf32>, vector<2x2176xf32>, vector<1x2176xf32> -> vector<28x2176xf32>
    %slice3A_26 = vector.extract_strided_slice %get3A_3 {offsets = [1, 0], sizes = [7, 2176], strides = [1, 1]} : vector<8x2176xf32> to vector<7x2176xf32>
    %slice3A_27 = vector.extract_strided_slice %get3A_3 {offsets = [2, 0], sizes = [6, 2176], strides = [1, 1]} : vector<8x2176xf32> to vector<6x2176xf32>
    %slice3A_28 = vector.extract_strided_slice %get3A_3 {offsets = [3, 0], sizes = [5, 2176], strides = [1, 1]} : vector<8x2176xf32> to vector<5x2176xf32>
    %slice3A_29 = vector.extract_strided_slice %get3A_3 {offsets = [4, 0], sizes = [4, 2176], strides = [1, 1]} : vector<8x2176xf32> to vector<4x2176xf32>
    %slice3A_30 = vector.extract_strided_slice %get3A_3 {offsets = [5, 0], sizes = [3, 2176], strides = [1, 1]} : vector<8x2176xf32> to vector<3x2176xf32>
    %slice3A_31 = vector.extract_strided_slice %get3A_3 {offsets = [6, 0], sizes = [2, 2176], strides = [1, 1]} : vector<8x2176xf32> to vector<2x2176xf32>
    %slice3A_32 = vector.extract_strided_slice %get3A_3 {offsets = [7, 0], sizes = [1, 2176], strides = [1, 1]} : vector<8x2176xf32> to vector<1x2176xf32>
    %concatenate3A_33 = tpu.concatenate %slice3A_26, %slice3A_27, %slice3A_28, %slice3A_29, %slice3A_30, %slice3A_31, %slice3A_32 in 0 : vector<7x2176xf32>, vector<6x2176xf32>, vector<5x2176xf32>, vector<4x2176xf32>, vector<3x2176xf32>, vector<2x2176xf32>, vector<1x2176xf32> -> vector<28x2176xf32>
    %slice3A_34 = vector.extract_strided_slice %get3A_8 {offsets = [0, 0], sizes = [1, 2176], strides = [1, 1]} : vector<8x2176xf32> to vector<1x2176xf32>
    %broadcast_in_dim3A_35 = vector.shape_cast %slice3A_34 : vector<1x2176xf32> to vector<1x2176xf32>
    %broadcast_in_dim3A_36 = vector.broadcast %broadcast_in_dim3A_35 : vector<1x2176xf32> to vector<7x2176xf32>
    %slice3A_37 = vector.extract_strided_slice %get3A_8 {offsets = [1, 0], sizes = [1, 2176], strides = [1, 1]} : vector<8x2176xf32> to vector<1x2176xf32>
    %broadcast_in_dim3A_38 = vector.shape_cast %slice3A_37 : vector<1x2176xf32> to vector<1x2176xf32>
    %broadcast_in_dim3A_39 = vector.broadcast %broadcast_in_dim3A_38 : vector<1x2176xf32> to vector<6x2176xf32>
    %slice3A_40 = vector.extract_strided_slice %get3A_8 {offsets = [2, 0], sizes = [1, 2176], strides = [1, 1]} : vector<8x2176xf32> to vector<1x2176xf32>
    %broadcast_in_dim3A_41 = vector.shape_cast %slice3A_40 : vector<1x2176xf32> to vector<1x2176xf32>
    %broadcast_in_dim3A_42 = vector.broadcast %broadcast_in_dim3A_41 : vector<1x2176xf32> to vector<5x2176xf32>
    %slice3A_43 = vector.extract_strided_slice %get3A_8 {offsets = [3, 0], sizes = [1, 2176], strides = [1, 1]} : vector<8x2176xf32> to vector<1x2176xf32>
    %broadcast_in_dim3A_44 = vector.shape_cast %slice3A_43 : vector<1x2176xf32> to vector<1x2176xf32>
    %broadcast_in_dim3A_45 = vector.broadcast %broadcast_in_dim3A_44 : vector<1x2176xf32> to vector<4x2176xf32>
    %slice3A_46 = vector.extract_strided_slice %get3A_8 {offsets = [4, 0], sizes = [1, 2176], strides = [1, 1]} : vector<8x2176xf32> to vector<1x2176xf32>
    %broadcast_in_dim3A_47 = vector.shape_cast %slice3A_46 : vector<1x2176xf32> to vector<1x2176xf32>
    %broadcast_in_dim3A_48 = vector.broadcast %broadcast_in_dim3A_47 : vector<1x2176xf32> to vector<3x2176xf32>
    %slice3A_49 = vector.extract_strided_slice %get3A_8 {offsets = [5, 0], sizes = [1, 2176], strides = [1, 1]} : vector<8x2176xf32> to vector<1x2176xf32>
    %broadcast_in_dim3A_50 = vector.shape_cast %slice3A_49 : vector<1x2176xf32> to vector<1x2176xf32>
    %broadcast_in_dim3A_51 = vector.broadcast %broadcast_in_dim3A_50 : vector<1x2176xf32> to vector<2x2176xf32>
    %slice3A_52 = vector.extract_strided_slice %get3A_8 {offsets = [6, 0], sizes = [1, 2176], strides = [1, 1]} : vector<8x2176xf32> to vector<1x2176xf32>
    %concatenate3A_53 = tpu.concatenate %broadcast_in_dim3A_36, %broadcast_in_dim3A_39, %broadcast_in_dim3A_42, %broadcast_in_dim3A_45, %broadcast_in_dim3A_48, %broadcast_in_dim3A_51, %slice3A_52 in 0 : vector<7x2176xf32>, vector<6x2176xf32>, vector<5x2176xf32>, vector<4x2176xf32>, vector<3x2176xf32>, vector<2x2176xf32>, vector<1x2176xf32> -> vector<28x2176xf32>
    %slice3A_54 = vector.extract_strided_slice %get3A_8 {offsets = [1, 0], sizes = [7, 2176], strides = [1, 1]} : vector<8x2176xf32> to vector<7x2176xf32>
    %slice3A_55 = vector.extract_strided_slice %get3A_8 {offsets = [2, 0], sizes = [6, 2176], strides = [1, 1]} : vector<8x2176xf32> to vector<6x2176xf32>
    %slice3A_56 = vector.extract_strided_slice %get3A_8 {offsets = [3, 0], sizes = [5, 2176], strides = [1, 1]} : vector<8x2176xf32> to vector<5x2176xf32>
    %slice3A_57 = vector.extract_strided_slice %get3A_8 {offsets = [4, 0], sizes = [4, 2176], strides = [1, 1]} : vector<8x2176xf32> to vector<4x2176xf32>
    %slice3A_58 = vector.extract_strided_slice %get3A_8 {offsets = [5, 0], sizes = [3, 2176], strides = [1, 1]} : vector<8x2176xf32> to vector<3x2176xf32>
    %slice3A_59 = vector.extract_strided_slice %get3A_8 {offsets = [6, 0], sizes = [2, 2176], strides = [1, 1]} : vector<8x2176xf32> to vector<2x2176xf32>
    %slice3A_60 = vector.extract_strided_slice %get3A_8 {offsets = [7, 0], sizes = [1, 2176], strides = [1, 1]} : vector<8x2176xf32> to vector<1x2176xf32>
    %concatenate3A_61 = tpu.concatenate %slice3A_54, %slice3A_55, %slice3A_56, %slice3A_57, %slice3A_58, %slice3A_59, %slice3A_60 in 0 : vector<7x2176xf32>, vector<6x2176xf32>, vector<5x2176xf32>, vector<4x2176xf32>, vector<3x2176xf32>, vector<2x2176xf32>, vector<1x2176xf32> -> vector<28x2176xf32>
    %mul3A = arith.mulf %concatenate3A, %concatenate3A_33 : vector<28x2176xf32>
    %mul3A_62 = arith.mulf %concatenate3A_53, %concatenate3A_61 : vector<28x2176xf32>
    %add3A = arith.addf %mul3A, %mul3A_62 : vector<28x2176xf32>
    %mul3A_63 = arith.mulf %concatenate3A_53, %concatenate3A_33 : vector<28x2176xf32>
    %mul3A_64 = arith.mulf %concatenate3A, %concatenate3A_61 : vector<28x2176xf32>
    %sub3A = arith.subf %mul3A_63, %mul3A_64 : vector<28x2176xf32>
    %mul3A_65 = arith.mulf %add3A, %add3A : vector<28x2176xf32>
    %mul3A_66 = arith.mulf %sub3A, %sub3A : vector<28x2176xf32>
    %add3A_67 = arith.addf %mul3A_65, %mul3A_66 : vector<28x2176xf32>
    %sqrt3A = math.sqrt %add3A_67 : vector<28x2176xf32>
    %add3A_68 = arith.constant 9.99999996E-13 : f32
    %add3A_69 = vector.broadcast %add3A_68 : f32 to vector<28x2176xf32>
    %add3A_70 = arith.addf %sqrt3A, %add3A_69 : vector<28x2176xf32>
    %div3A = arith.constant 1.000000e+00 : f32
    %div3A_71 = vector.broadcast %div3A : f32 to vector<28x2176xf32>
    %div3A_72 = arith.divf %div3A_71, %add3A_70 : vector<28x2176xf32>
    %mul3A_73 = arith.mulf %add3A, %div3A_72 : vector<28x2176xf32>
    %mul3A_74 = arith.mulf %sub3A, %div3A_72 : vector<28x2176xf32>
    %get3A_75 = arith.constant 1 : index
    %get3A_76 = arith.constant 0 : index
    %get3A_77 = arith.constant 0 : index
    %get3A_78 = vector.load %arg1[%get3A_75, %get3A_76, %get3A_77] : memref<8x8x2176xf32, #tpu.memory_space<vmem>>, vector<1x8x2176xf32>
    %get3A_79 = vector.shape_cast %get3A_78 : vector<1x8x2176xf32> to vector<8x2176xf32>
    %get3A_80 = arith.constant 1 : index
    %get3A_81 = arith.constant 0 : index
    %get3A_82 = arith.constant 0 : index
    %get3A_83 = vector.load %arg2[%get3A_80, %get3A_81, %get3A_82] : memref<8x8x2176xf32, #tpu.memory_space<vmem>>, vector<1x8x2176xf32>
    %get3A_84 = vector.shape_cast %get3A_83 : vector<1x8x2176xf32> to vector<8x2176xf32>
    %slice3A_85 = vector.extract_strided_slice %get3A_79 {offsets = [0, 0], sizes = [1, 2176], strides = [1, 1]} : vector<8x2176xf32> to vector<1x2176xf32>
    %broadcast_in_dim3A_86 = vector.shape_cast %slice3A_85 : vector<1x2176xf32> to vector<1x2176xf32>
    %broadcast_in_dim3A_87 = vector.broadcast %broadcast_in_dim3A_86 : vector<1x2176xf32> to vector<7x2176xf32>
    %slice3A_88 = vector.extract_strided_slice %get3A_79 {offsets = [1, 0], sizes = [1, 2176], strides = [1, 1]} : vector<8x2176xf32> to vector<1x2176xf32>
    %broadcast_in_dim3A_89 = vector.shape_cast %slice3A_88 : vector<1x2176xf32> to vector<1x2176xf32>
    %broadcast_in_dim3A_90 = vector.broadcast %broadcast_in_dim3A_89 : vector<1x2176xf32> to vector<6x2176xf32>
    %slice3A_91 = vector.extract_strided_slice %get3A_79 {offsets = [2, 0], sizes = [1, 2176], strides = [1, 1]} : vector<8x2176xf32> to vector<1x2176xf32>
    %broadcast_in_dim3A_92 = vector.shape_cast %slice3A_91 : vector<1x2176xf32> to vector<1x2176xf32>
    %broadcast_in_dim3A_93 = vector.broadcast %broadcast_in_dim3A_92 : vector<1x2176xf32> to vector<5x2176xf32>
    %slice3A_94 = vector.extract_strided_slice %get3A_79 {offsets = [3, 0], sizes = [1, 2176], strides = [1, 1]} : vector<8x2176xf32> to vector<1x2176xf32>
    %broadcast_in_dim3A_95 = vector.shape_cast %slice3A_94 : vector<1x2176xf32> to vector<1x2176xf32>
    %broadcast_in_dim3A_96 = vector.broadcast %broadcast_in_dim3A_95 : vector<1x2176xf32> to vector<4x2176xf32>
    %slice3A_97 = vector.extract_strided_slice %get3A_79 {offsets = [4, 0], sizes = [1, 2176], strides = [1, 1]} : vector<8x2176xf32> to vector<1x2176xf32>
    %broadcast_in_dim3A_98 = vector.shape_cast %slice3A_97 : vector<1x2176xf32> to vector<1x2176xf32>
    %broadcast_in_dim3A_99 = vector.broadcast %broadcast_in_dim3A_98 : vector<1x2176xf32> to vector<3x2176xf32>
    %slice3A_100 = vector.extract_strided_slice %get3A_79 {offsets = [5, 0], sizes = [1, 2176], strides = [1, 1]} : vector<8x2176xf32> to vector<1x2176xf32>
    %broadcast_in_dim3A_101 = vector.shape_cast %slice3A_100 : vector<1x2176xf32> to vector<1x2176xf32>
    %broadcast_in_dim3A_102 = vector.broadcast %broadcast_in_dim3A_101 : vector<1x2176xf32> to vector<2x2176xf32>
    %slice3A_103 = vector.extract_strided_slice %get3A_79 {offsets = [6, 0], sizes = [1, 2176], strides = [1, 1]} : vector<8x2176xf32> to vector<1x2176xf32>
    %concatenate3A_104 = tpu.concatenate %broadcast_in_dim3A_87, %broadcast_in_dim3A_90, %broadcast_in_dim3A_93, %broadcast_in_dim3A_96, %broadcast_in_dim3A_99, %broadcast_in_dim3A_102, %slice3A_103 in 0 : vector<7x2176xf32>, vector<6x2176xf32>, vector<5x2176xf32>, vector<4x2176xf32>, vector<3x2176xf32>, vector<2x2176xf32>, vector<1x2176xf32> -> vector<28x2176xf32>
    %slice3A_105 = vector.extract_strided_slice %get3A_79 {offsets = [1, 0], sizes = [7, 2176], strides = [1, 1]} : vector<8x2176xf32> to vector<7x2176xf32>
    %slice3A_106 = vector.extract_strided_slice %get3A_79 {offsets = [2, 0], sizes = [6, 2176], strides = [1, 1]} : vector<8x2176xf32> to vector<6x2176xf32>
    %slice3A_107 = vector.extract_strided_slice %get3A_79 {offsets = [3, 0], sizes = [5, 2176], strides = [1, 1]} : vector<8x2176xf32> to vector<5x2176xf32>
    %slice3A_108 = vector.extract_strided_slice %get3A_79 {offsets = [4, 0], sizes = [4, 2176], strides = [1, 1]} : vector<8x2176xf32> to vector<4x2176xf32>
    %slice3A_109 = vector.extract_strided_slice %get3A_79 {offsets = [5, 0], sizes = [3, 2176], strides = [1, 1]} : vector<8x2176xf32> to vector<3x2176xf32>
    %slice3A_110 = vector.extract_strided_slice %get3A_79 {offsets = [6, 0], sizes = [2, 2176], strides = [1, 1]} : vector<8x2176xf32> to vector<2x2176xf32>
    %slice3A_111 = vector.extract_strided_slice %get3A_79 {offsets = [7, 0], sizes = [1, 2176], strides = [1, 1]} : vector<8x2176xf32> to vector<1x2176xf32>
    %concatenate3A_112 = tpu.concatenate %slice3A_105, %slice3A_106, %slice3A_107, %slice3A_108, %slice3A_109, %slice3A_110, %slice3A_111 in 0 : vector<7x2176xf32>, vector<6x2176xf32>, vector<5x2176xf32>, vector<4x2176xf32>, vector<3x2176xf32>, vector<2x2176xf32>, vector<1x2176xf32> -> vector<28x2176xf32>
    %slice3A_113 = vector.extract_strided_slice %get3A_84 {offsets = [0, 0], sizes = [1, 2176], strides = [1, 1]} : vector<8x2176xf32> to vector<1x2176xf32>
    %broadcast_in_dim3A_114 = vector.shape_cast %slice3A_113 : vector<1x2176xf32> to vector<1x2176xf32>
    %broadcast_in_dim3A_115 = vector.broadcast %broadcast_in_dim3A_114 : vector<1x2176xf32> to vector<7x2176xf32>
    %slice3A_116 = vector.extract_strided_slice %get3A_84 {offsets = [1, 0], sizes = [1, 2176], strides = [1, 1]} : vector<8x2176xf32> to vector<1x2176xf32>
    %broadcast_in_dim3A_117 = vector.shape_cast %slice3A_116 : vector<1x2176xf32> to vector<1x2176xf32>
    %broadcast_in_dim3A_118 = vector.broadcast %broadcast_in_dim3A_117 : vector<1x2176xf32> to vector<6x2176xf32>
    %slice3A_119 = vector.extract_strided_slice %get3A_84 {offsets = [2, 0], sizes = [1, 2176], strides = [1, 1]} : vector<8x2176xf32> to vector<1x2176xf32>
    %broadcast_in_dim3A_120 = vector.shape_cast %slice3A_119 : vector<1x2176xf32> to vector<1x2176xf32>
    %broadcast_in_dim3A_121 = vector.broadcast %broadcast_in_dim3A_120 : vector<1x2176xf32> to vector<5x2176xf32>
    %slice3A_122 = vector.extract_strided_slice %get3A_84 {offsets = [3, 0], sizes = [1, 2176], strides = [1, 1]} : vector<8x2176xf32> to vector<1x2176xf32>
    %broadcast_in_dim3A_123 = vector.shape_cast %slice3A_122 : vector<1x2176xf32> to vector<1x2176xf32>
    %broadcast_in_dim3A_124 = vector.broadcast %broadcast_in_dim3A_123 : vector<1x2176xf32> to vector<4x2176xf32>
    %slice3A_125 = vector.extract_strided_slice %get3A_84 {offsets = [4, 0], sizes = [1, 2176], strides = [1, 1]} : vector<8x2176xf32> to vector<1x2176xf32>
    %broadcast_in_dim3A_126 = vector.shape_cast %slice3A_125 : vector<1x2176xf32> to vector<1x2176xf32>
    %broadcast_in_dim3A_127 = vector.broadcast %broadcast_in_dim3A_126 : vector<1x2176xf32> to vector<3x2176xf32>
    %slice3A_128 = vector.extract_strided_slice %get3A_84 {offsets = [5, 0], sizes = [1, 2176], strides = [1, 1]} : vector<8x2176xf32> to vector<1x2176xf32>
    %broadcast_in_dim3A_129 = vector.shape_cast %slice3A_128 : vector<1x2176xf32> to vector<1x2176xf32>
    %broadcast_in_dim3A_130 = vector.broadcast %broadcast_in_dim3A_129 : vector<1x2176xf32> to vector<2x2176xf32>
    %slice3A_131 = vector.extract_strided_slice %get3A_84 {offsets = [6, 0], sizes = [1, 2176], strides = [1, 1]} : vector<8x2176xf32> to vector<1x2176xf32>
    %concatenate3A_132 = tpu.concatenate %broadcast_in_dim3A_115, %broadcast_in_dim3A_118, %broadcast_in_dim3A_121, %broadcast_in_dim3A_124, %broadcast_in_dim3A_127, %broadcast_in_dim3A_130, %slice3A_131 in 0 : vector<7x2176xf32>, vector<6x2176xf32>, vector<5x2176xf32>, vector<4x2176xf32>, vector<3x2176xf32>, vector<2x2176xf32>, vector<1x2176xf32> -> vector<28x2176xf32>
    %slice3A_133 = vector.extract_strided_slice %get3A_84 {offsets = [1, 0], sizes = [7, 2176], strides = [1, 1]} : vector<8x2176xf32> to vector<7x2176xf32>
    %slice3A_134 = vector.extract_strided_slice %get3A_84 {offsets = [2, 0], sizes = [6, 2176], strides = [1, 1]} : vector<8x2176xf32> to vector<6x2176xf32>
    %slice3A_135 = vector.extract_strided_slice %get3A_84 {offsets = [3, 0], sizes = [5, 2176], strides = [1, 1]} : vector<8x2176xf32> to vector<5x2176xf32>
    %slice3A_136 = vector.extract_strided_slice %get3A_84 {offsets = [4, 0], sizes = [4, 2176], strides = [1, 1]} : vector<8x2176xf32> to vector<4x2176xf32>
    %slice3A_137 = vector.extract_strided_slice %get3A_84 {offsets = [5, 0], sizes = [3, 2176], strides = [1, 1]} : vector<8x2176xf32> to vector<3x2176xf32>
    %slice3A_138 = vector.extract_strided_slice %get3A_84 {offsets = [6, 0], sizes = [2, 2176], strides = [1, 1]} : vector<8x2176xf32> to vector<2x2176xf32>
    %slice3A_139 = vector.extract_strided_slice %get3A_84 {offsets = [7, 0], sizes = [1, 2176], strides = [1, 1]} : vector<8x2176xf32> to vector<1x2176xf32>
    %concatenate3A_140 = tpu.concatenate %slice3A_133, %slice3A_134, %slice3A_135, %slice3A_136, %slice3A_137, %slice3A_138, %slice3A_139 in 0 : vector<7x2176xf32>, vector<6x2176xf32>, vector<5x2176xf32>, vector<4x2176xf32>, vector<3x2176xf32>, vector<2x2176xf32>, vector<1x2176xf32> -> vector<28x2176xf32>
    %mul3A_141 = arith.mulf %concatenate3A_104, %concatenate3A_112 : vector<28x2176xf32>
    %mul3A_142 = arith.mulf %concatenate3A_132, %concatenate3A_140 : vector<28x2176xf32>
    %add3A_143 = arith.addf %mul3A_141, %mul3A_142 : vector<28x2176xf32>
    %mul3A_144 = arith.mulf %concatenate3A_132, %concatenate3A_112 : vector<28x2176xf32>
    %mul3A_145 = arith.mulf %concatenate3A_104, %concatenate3A_140 : vector<28x2176xf32>
    %sub3A_146 = arith.subf %mul3A_144, %mul3A_145 : vector<28x2176xf32>
    %mul3A_147 = arith.mulf %add3A_143, %add3A_143 : vector<28x2176xf32>
    %mul3A_148 = arith.mulf %sub3A_146, %sub3A_146 : vector<28x2176xf32>
    %add3A_149 = arith.addf %mul3A_147, %mul3A_148 : vector<28x2176xf32>
    %sqrt3A_150 = math.sqrt %add3A_149 : vector<28x2176xf32>
    %add3A_151 = arith.constant 9.99999996E-13 : f32
    %add3A_152 = vector.broadcast %add3A_151 : f32 to vector<28x2176xf32>
    %add3A_153 = arith.addf %sqrt3A_150, %add3A_152 : vector<28x2176xf32>
    %div3A_154 = arith.constant 1.000000e+00 : f32
    %div3A_155 = vector.broadcast %div3A_154 : f32 to vector<28x2176xf32>
    %div3A_156 = arith.divf %div3A_155, %add3A_153 : vector<28x2176xf32>
    %mul3A_157 = arith.mulf %add3A_143, %div3A_156 : vector<28x2176xf32>
    %mul3A_158 = arith.mulf %sub3A_146, %div3A_156 : vector<28x2176xf32>
    %get3A_159 = arith.constant 2 : index
    %get3A_160 = arith.constant 0 : index
    %get3A_161 = arith.constant 0 : index
    %get3A_162 = vector.load %arg1[%get3A_159, %get3A_160, %get3A_161] : memref<8x8x2176xf32, #tpu.memory_space<vmem>>, vector<1x8x2176xf32>
    %get3A_163 = vector.shape_cast %get3A_162 : vector<1x8x2176xf32> to vector<8x2176xf32>
    %get3A_164 = arith.constant 2 : index
    %get3A_165 = arith.constant 0 : index
    %get3A_166 = arith.constant 0 : index
    %get3A_167 = vector.load %arg2[%get3A_164, %get3A_165, %get3A_166] : memref<8x8x2176xf32, #tpu.memory_space<vmem>>, vector<1x8x2176xf32>
    %get3A_168 = vector.shape_cast %get3A_167 : vector<1x8x2176xf32> to vector<8x2176xf32>
    %slice3A_169 = vector.extract_strided_slice %get3A_163 {offsets = [0, 0], sizes = [1, 2176], strides = [1, 1]} : vector<8x2176xf32> to vector<1x2176xf32>
    %broadcast_in_dim3A_170 = vector.shape_cast %slice3A_169 : vector<1x2176xf32> to vector<1x2176xf32>
    %broadcast_in_dim3A_171 = vector.broadcast %broadcast_in_dim3A_170 : vector<1x2176xf32> to vector<7x2176xf32>
    %slice3A_172 = vector.extract_strided_slice %get3A_163 {offsets = [1, 0], sizes = [1, 2176], strides = [1, 1]} : vector<8x2176xf32> to vector<1x2176xf32>
    %broadcast_in_dim3A_173 = vector.shape_cast %slice3A_172 : vector<1x2176xf32> to vector<1x2176xf32>
    %broadcast_in_dim3A_174 = vector.broadcast %broadcast_in_dim3A_173 : vector<1x2176xf32> to vector<6x2176xf32>
    %slice3A_175 = vector.extract_strided_slice %get3A_163 {offsets = [2, 0], sizes = [1, 2176], strides = [1, 1]} : vector<8x2176xf32> to vector<1x2176xf32>
    %broadcast_in_dim3A_176 = vector.shape_cast %slice3A_175 : vector<1x2176xf32> to vector<1x2176xf32>
    %broadcast_in_dim3A_177 = vector.broadcast %broadcast_in_dim3A_176 : vector<1x2176xf32> to vector<5x2176xf32>
    %slice3A_178 = vector.extract_strided_slice %get3A_163 {offsets = [3, 0], sizes = [1, 2176], strides = [1, 1]} : vector<8x2176xf32> to vector<1x2176xf32>
    %broadcast_in_dim3A_179 = vector.shape_cast %slice3A_178 : vector<1x2176xf32> to vector<1x2176xf32>
    %broadcast_in_dim3A_180 = vector.broadcast %broadcast_in_dim3A_179 : vector<1x2176xf32> to vector<4x2176xf32>
    %slice3A_181 = vector.extract_strided_slice %get3A_163 {offsets = [4, 0], sizes = [1, 2176], strides = [1, 1]} : vector<8x2176xf32> to vector<1x2176xf32>
    %broadcast_in_dim3A_182 = vector.shape_cast %slice3A_181 : vector<1x2176xf32> to vector<1x2176xf32>
    %broadcast_in_dim3A_183 = vector.broadcast %broadcast_in_dim3A_182 : vector<1x2176xf32> to vector<3x2176xf32>
    %slice3A_184 = vector.extract_strided_slice %get3A_163 {offsets = [5, 0], sizes = [1, 2176], strides = [1, 1]} : vector<8x2176xf32> to vector<1x2176xf32>
    %broadcast_in_dim3A_185 = vector.shape_cast %slice3A_184 : vector<1x2176xf32> to vector<1x2176xf32>
    %broadcast_in_dim3A_186 = vector.broadcast %broadcast_in_dim3A_185 : vector<1x2176xf32> to vector<2x2176xf32>
    %slice3A_187 = vector.extract_strided_slice %get3A_163 {offsets = [6, 0], sizes = [1, 2176], strides = [1, 1]} : vector<8x2176xf32> to vector<1x2176xf32>
    %concatenate3A_188 = tpu.concatenate %broadcast_in_dim3A_171, %broadcast_in_dim3A_174, %broadcast_in_dim3A_177, %broadcast_in_dim3A_180, %broadcast_in_dim3A_183, %broadcast_in_dim3A_186, %slice3A_187 in 0 : vector<7x2176xf32>, vector<6x2176xf32>, vector<5x2176xf32>, vector<4x2176xf32>, vector<3x2176xf32>, vector<2x2176xf32>, vector<1x2176xf32> -> vector<28x2176xf32>
    %slice3A_189 = vector.extract_strided_slice %get3A_163 {offsets = [1, 0], sizes = [7, 2176], strides = [1, 1]} : vector<8x2176xf32> to vector<7x2176xf32>
    %slice3A_190 = vector.extract_strided_slice %get3A_163 {offsets = [2, 0], sizes = [6, 2176], strides = [1, 1]} : vector<8x2176xf32> to vector<6x2176xf32>
    %slice3A_191 = vector.extract_strided_slice %get3A_163 {offsets = [3, 0], sizes = [5, 2176], strides = [1, 1]} : vector<8x2176xf32> to vector<5x2176xf32>
    %slice3A_192 = vector.extract_strided_slice %get3A_163 {offsets = [4, 0], sizes = [4, 2176], strides = [1, 1]} : vector<8x2176xf32> to vector<4x2176xf32>
    %slice3A_193 = vector.extract_strided_slice %get3A_163 {offsets = [5, 0], sizes = [3, 2176], strides = [1, 1]} : vector<8x2176xf32> to vector<3x2176xf32>
    %slice3A_194 = vector.extract_strided_slice %get3A_163 {offsets = [6, 0], sizes = [2, 2176], strides = [1, 1]} : vector<8x2176xf32> to vector<2x2176xf32>
    %slice3A_195 = vector.extract_strided_slice %get3A_163 {offsets = [7, 0], sizes = [1, 2176], strides = [1, 1]} : vector<8x2176xf32> to vector<1x2176xf32>
    %concatenate3A_196 = tpu.concatenate %slice3A_189, %slice3A_190, %slice3A_191, %slice3A_192, %slice3A_193, %slice3A_194, %slice3A_195 in 0 : vector<7x2176xf32>, vector<6x2176xf32>, vector<5x2176xf32>, vector<4x2176xf32>, vector<3x2176xf32>, vector<2x2176xf32>, vector<1x2176xf32> -> vector<28x2176xf32>
    %slice3A_197 = vector.extract_strided_slice %get3A_168 {offsets = [0, 0], sizes = [1, 2176], strides = [1, 1]} : vector<8x2176xf32> to vector<1x2176xf32>
    %broadcast_in_dim3A_198 = vector.shape_cast %slice3A_197 : vector<1x2176xf32> to vector<1x2176xf32>
    %broadcast_in_dim3A_199 = vector.broadcast %broadcast_in_dim3A_198 : vector<1x2176xf32> to vector<7x2176xf32>
    %slice3A_200 = vector.extract_strided_slice %get3A_168 {offsets = [1, 0], sizes = [1, 2176], strides = [1, 1]} : vector<8x2176xf32> to vector<1x2176xf32>
    %broadcast_in_dim3A_201 = vector.shape_cast %slice3A_200 : vector<1x2176xf32> to vector<1x2176xf32>
    %broadcast_in_dim3A_202 = vector.broadcast %broadcast_in_dim3A_201 : vector<1x2176xf32> to vector<6x2176xf32>
    %slice3A_203 = vector.extract_strided_slice %get3A_168 {offsets = [2, 0], sizes = [1, 2176], strides = [1, 1]} : vector<8x2176xf32> to vector<1x2176xf32>
    %broadcast_in_dim3A_204 = vector.shape_cast %slice3A_203 : vector<1x2176xf32> to vector<1x2176xf32>
    %broadcast_in_dim3A_205 = vector.broadcast %broadcast_in_dim3A_204 : vector<1x2176xf32> to vector<5x2176xf32>
    %slice3A_206 = vector.extract_strided_slice %get3A_168 {offsets = [3, 0], sizes = [1, 2176], strides = [1, 1]} : vector<8x2176xf32> to vector<1x2176xf32>
    %broadcast_in_dim3A_207 = vector.shape_cast %slice3A_206 : vector<1x2176xf32> to vector<1x2176xf32>
    %broadcast_in_dim3A_208 = vector.broadcast %broadcast_in_dim3A_207 : vector<1x2176xf32> to vector<4x2176xf32>
    %slice3A_209 = vector.extract_strided_slice %get3A_168 {offsets = [4, 0], sizes = [1, 2176], strides = [1, 1]} : vector<8x2176xf32> to vector<1x2176xf32>
    %broadcast_in_dim3A_210 = vector.shape_cast %slice3A_209 : vector<1x2176xf32> to vector<1x2176xf32>
    %broadcast_in_dim3A_211 = vector.broadcast %broadcast_in_dim3A_210 : vector<1x2176xf32> to vector<3x2176xf32>
    %slice3A_212 = vector.extract_strided_slice %get3A_168 {offsets = [5, 0], sizes = [1, 2176], strides = [1, 1]} : vector<8x2176xf32> to vector<1x2176xf32>
    %broadcast_in_dim3A_213 = vector.shape_cast %slice3A_212 : vector<1x2176xf32> to vector<1x2176xf32>
    %broadcast_in_dim3A_214 = vector.broadcast %broadcast_in_dim3A_213 : vector<1x2176xf32> to vector<2x2176xf32>
    %slice3A_215 = vector.extract_strided_slice %get3A_168 {offsets = [6, 0], sizes = [1, 2176], strides = [1, 1]} : vector<8x2176xf32> to vector<1x2176xf32>
    %concatenate3A_216 = tpu.concatenate %broadcast_in_dim3A_199, %broadcast_in_dim3A_202, %broadcast_in_dim3A_205, %broadcast_in_dim3A_208, %broadcast_in_dim3A_211, %broadcast_in_dim3A_214, %slice3A_215 in 0 : vector<7x2176xf32>, vector<6x2176xf32>, vector<5x2176xf32>, vector<4x2176xf32>, vector<3x2176xf32>, vector<2x2176xf32>, vector<1x2176xf32> -> vector<28x2176xf32>
    %slice3A_217 = vector.extract_strided_slice %get3A_168 {offsets = [1, 0], sizes = [7, 2176], strides = [1, 1]} : vector<8x2176xf32> to vector<7x2176xf32>
    %slice3A_218 = vector.extract_strided_slice %get3A_168 {offsets = [2, 0], sizes = [6, 2176], strides = [1, 1]} : vector<8x2176xf32> to vector<6x2176xf32>
    %slice3A_219 = vector.extract_strided_slice %get3A_168 {offsets = [3, 0], sizes = [5, 2176], strides = [1, 1]} : vector<8x2176xf32> to vector<5x2176xf32>
    %slice3A_220 = vector.extract_strided_slice %get3A_168 {offsets = [4, 0], sizes = [4, 2176], strides = [1, 1]} : vector<8x2176xf32> to vector<4x2176xf32>
    %slice3A_221 = vector.extract_strided_slice %get3A_168 {offsets = [5, 0], sizes = [3, 2176], strides = [1, 1]} : vector<8x2176xf32> to vector<3x2176xf32>
    %slice3A_222 = vector.extract_strided_slice %get3A_168 {offsets = [6, 0], sizes = [2, 2176], strides = [1, 1]} : vector<8x2176xf32> to vector<2x2176xf32>
    %slice3A_223 = vector.extract_strided_slice %get3A_168 {offsets = [7, 0], sizes = [1, 2176], strides = [1, 1]} : vector<8x2176xf32> to vector<1x2176xf32>
    %concatenate3A_224 = tpu.concatenate %slice3A_217, %slice3A_218, %slice3A_219, %slice3A_220, %slice3A_221, %slice3A_222, %slice3A_223 in 0 : vector<7x2176xf32>, vector<6x2176xf32>, vector<5x2176xf32>, vector<4x2176xf32>, vector<3x2176xf32>, vector<2x2176xf32>, vector<1x2176xf32> -> vector<28x2176xf32>
    %mul3A_225 = arith.mulf %concatenate3A_188, %concatenate3A_196 : vector<28x2176xf32>
    %mul3A_226 = arith.mulf %concatenate3A_216, %concatenate3A_224 : vector<28x2176xf32>
    %add3A_227 = arith.addf %mul3A_225, %mul3A_226 : vector<28x2176xf32>
    %mul3A_228 = arith.mulf %concatenate3A_216, %concatenate3A_196 : vector<28x2176xf32>
    %mul3A_229 = arith.mulf %concatenate3A_188, %concatenate3A_224 : vector<28x2176xf32>
    %sub3A_230 = arith.subf %mul3A_228, %mul3A_229 : vector<28x2176xf32>
    %mul3A_231 = arith.mulf %add3A_227, %add3A_227 : vector<28x2176xf32>
    %mul3A_232 = arith.mulf %sub3A_230, %sub3A_230 : vector<28x2176xf32>
    %add3A_233 = arith.addf %mul3A_231, %mul3A_232 : vector<28x2176xf32>
    %sqrt3A_234 = math.sqrt %add3A_233 : vector<28x2176xf32>
    %add3A_235 = arith.constant 9.99999996E-13 : f32
    %add3A_236 = vector.broadcast %add3A_235 : f32 to vector<28x2176xf32>
    %add3A_237 = arith.addf %sqrt3A_234, %add3A_236 : vector<28x2176xf32>
    %div3A_238 = arith.constant 1.000000e+00 : f32
    %div3A_239 = vector.broadcast %div3A_238 : f32 to vector<28x2176xf32>
    %div3A_240 = arith.divf %div3A_239, %add3A_237 : vector<28x2176xf32>
    %mul3A_241 = arith.mulf %add3A_227, %div3A_240 : vector<28x2176xf32>
    %mul3A_242 = arith.mulf %sub3A_230, %div3A_240 : vector<28x2176xf32>
    %get3A_243 = arith.constant 3 : index
    %get3A_244 = arith.constant 0 : index
    %get3A_245 = arith.constant 0 : index
    %get3A_246 = vector.load %arg1[%get3A_243, %get3A_244, %get3A_245] : memref<8x8x2176xf32, #tpu.memory_space<vmem>>, vector<1x8x2176xf32>
    %get3A_247 = vector.shape_cast %get3A_246 : vector<1x8x2176xf32> to vector<8x2176xf32>
    %get3A_248 = arith.constant 3 : index
    %get3A_249 = arith.constant 0 : index
    %get3A_250 = arith.constant 0 : index
    %get3A_251 = vector.load %arg2[%get3A_248, %get3A_249, %get3A_250] : memref<8x8x2176xf32, #tpu.memory_space<vmem>>, vector<1x8x2176xf32>
    %get3A_252 = vector.shape_cast %get3A_251 : vector<1x8x2176xf32> to vector<8x2176xf32>
    %slice3A_253 = vector.extract_strided_slice %get3A_247 {offsets = [0, 0], sizes = [1, 2176], strides = [1, 1]} : vector<8x2176xf32> to vector<1x2176xf32>
    %broadcast_in_dim3A_254 = vector.shape_cast %slice3A_253 : vector<1x2176xf32> to vector<1x2176xf32>
    %broadcast_in_dim3A_255 = vector.broadcast %broadcast_in_dim3A_254 : vector<1x2176xf32> to vector<7x2176xf32>
    %slice3A_256 = vector.extract_strided_slice %get3A_247 {offsets = [1, 0], sizes = [1, 2176], strides = [1, 1]} : vector<8x2176xf32> to vector<1x2176xf32>
    %broadcast_in_dim3A_257 = vector.shape_cast %slice3A_256 : vector<1x2176xf32> to vector<1x2176xf32>
    %broadcast_in_dim3A_258 = vector.broadcast %broadcast_in_dim3A_257 : vector<1x2176xf32> to vector<6x2176xf32>
    %slice3A_259 = vector.extract_strided_slice %get3A_247 {offsets = [2, 0], sizes = [1, 2176], strides = [1, 1]} : vector<8x2176xf32> to vector<1x2176xf32>
    %broadcast_in_dim3A_260 = vector.shape_cast %slice3A_259 : vector<1x2176xf32> to vector<1x2176xf32>
    %broadcast_in_dim3A_261 = vector.broadcast %broadcast_in_dim3A_260 : vector<1x2176xf32> to vector<5x2176xf32>
    %slice3A_262 = vector.extract_strided_slice %get3A_247 {offsets = [3, 0], sizes = [1, 2176], strides = [1, 1]} : vector<8x2176xf32> to vector<1x2176xf32>
    %broadcast_in_dim3A_263 = vector.shape_cast %slice3A_262 : vector<1x2176xf32> to vector<1x2176xf32>
    %broadcast_in_dim3A_264 = vector.broadcast %broadcast_in_dim3A_263 : vector<1x2176xf32> to vector<4x2176xf32>
    %slice3A_265 = vector.extract_strided_slice %get3A_247 {offsets = [4, 0], sizes = [1, 2176], strides = [1, 1]} : vector<8x2176xf32> to vector<1x2176xf32>
    %broadcast_in_dim3A_266 = vector.shape_cast %slice3A_265 : vector<1x2176xf32> to vector<1x2176xf32>
    %broadcast_in_dim3A_267 = vector.broadcast %broadcast_in_dim3A_266 : vector<1x2176xf32> to vector<3x2176xf32>
    %slice3A_268 = vector.extract_strided_slice %get3A_247 {offsets = [5, 0], sizes = [1, 2176], strides = [1, 1]} : vector<8x2176xf32> to vector<1x2176xf32>
    %broadcast_in_dim3A_269 = vector.shape_cast %slice3A_268 : vector<1x2176xf32> to vector<1x2176xf32>
    %broadcast_in_dim3A_270 = vector.broadcast %broadcast_in_dim3A_269 : vector<1x2176xf32> to vector<2x2176xf32>
    %slice3A_271 = vector.extract_strided_slice %get3A_247 {offsets = [6, 0], sizes = [1, 2176], strides = [1, 1]} : vector<8x2176xf32> to vector<1x2176xf32>
    %concatenate3A_272 = tpu.concatenate %broadcast_in_dim3A_255, %broadcast_in_dim3A_258, %broadcast_in_dim3A_261, %broadcast_in_dim3A_264, %broadcast_in_dim3A_267, %broadcast_in_dim3A_270, %slice3A_271 in 0 : vector<7x2176xf32>, vector<6x2176xf32>, vector<5x2176xf32>, vector<4x2176xf32>, vector<3x2176xf32>, vector<2x2176xf32>, vector<1x2176xf32> -> vector<28x2176xf32>
    %slice3A_273 = vector.extract_strided_slice %get3A_247 {offsets = [1, 0], sizes = [7, 2176], strides = [1, 1]} : vector<8x2176xf32> to vector<7x2176xf32>
    %slice3A_274 = vector.extract_strided_slice %get3A_247 {offsets = [2, 0], sizes = [6, 2176], strides = [1, 1]} : vector<8x2176xf32> to vector<6x2176xf32>
    %slice3A_275 = vector.extract_strided_slice %get3A_247 {offsets = [3, 0], sizes = [5, 2176], strides = [1, 1]} : vector<8x2176xf32> to vector<5x2176xf32>
    %slice3A_276 = vector.extract_strided_slice %get3A_247 {offsets = [4, 0], sizes = [4, 2176], strides = [1, 1]} : vector<8x2176xf32> to vector<4x2176xf32>
    %slice3A_277 = vector.extract_strided_slice %get3A_247 {offsets = [5, 0], sizes = [3, 2176], strides = [1, 1]} : vector<8x2176xf32> to vector<3x2176xf32>
    %slice3A_278 = vector.extract_strided_slice %get3A_247 {offsets = [6, 0], sizes = [2, 2176], strides = [1, 1]} : vector<8x2176xf32> to vector<2x2176xf32>
    %slice3A_279 = vector.extract_strided_slice %get3A_247 {offsets = [7, 0], sizes = [1, 2176], strides = [1, 1]} : vector<8x2176xf32> to vector<1x2176xf32>
    %concatenate3A_280 = tpu.concatenate %slice3A_273, %slice3A_274, %slice3A_275, %slice3A_276, %slice3A_277, %slice3A_278, %slice3A_279 in 0 : vector<7x2176xf32>, vector<6x2176xf32>, vector<5x2176xf32>, vector<4x2176xf32>, vector<3x2176xf32>, vector<2x2176xf32>, vector<1x2176xf32> -> vector<28x2176xf32>
    %slice3A_281 = vector.extract_strided_slice %get3A_252 {offsets = [0, 0], sizes = [1, 2176], strides = [1, 1]} : vector<8x2176xf32> to vector<1x2176xf32>
    %broadcast_in_dim3A_282 = vector.shape_cast %slice3A_281 : vector<1x2176xf32> to vector<1x2176xf32>
    %broadcast_in_dim3A_283 = vector.broadcast %broadcast_in_dim3A_282 : vector<1x2176xf32> to vector<7x2176xf32>
    %slice3A_284 = vector.extract_strided_slice %get3A_252 {offsets = [1, 0], sizes = [1, 2176], strides = [1, 1]} : vector<8x2176xf32> to vector<1x2176xf32>
    %broadcast_in_dim3A_285 = vector.shape_cast %slice3A_284 : vector<1x2176xf32> to vector<1x2176xf32>
    %broadcast_in_dim3A_286 = vector.broadcast %broadcast_in_dim3A_285 : vector<1x2176xf32> to vector<6x2176xf32>
    %slice3A_287 = vector.extract_strided_slice %get3A_252 {offsets = [2, 0], sizes = [1, 2176], strides = [1, 1]} : vector<8x2176xf32> to vector<1x2176xf32>
    %broadcast_in_dim3A_288 = vector.shape_cast %slice3A_287 : vector<1x2176xf32> to vector<1x2176xf32>
    %broadcast_in_dim3A_289 = vector.broadcast %broadcast_in_dim3A_288 : vector<1x2176xf32> to vector<5x2176xf32>
    %slice3A_290 = vector.extract_strided_slice %get3A_252 {offsets = [3, 0], sizes = [1, 2176], strides = [1, 1]} : vector<8x2176xf32> to vector<1x2176xf32>
    %broadcast_in_dim3A_291 = vector.shape_cast %slice3A_290 : vector<1x2176xf32> to vector<1x2176xf32>
    %broadcast_in_dim3A_292 = vector.broadcast %broadcast_in_dim3A_291 : vector<1x2176xf32> to vector<4x2176xf32>
    %slice3A_293 = vector.extract_strided_slice %get3A_252 {offsets = [4, 0], sizes = [1, 2176], strides = [1, 1]} : vector<8x2176xf32> to vector<1x2176xf32>
    %broadcast_in_dim3A_294 = vector.shape_cast %slice3A_293 : vector<1x2176xf32> to vector<1x2176xf32>
    %broadcast_in_dim3A_295 = vector.broadcast %broadcast_in_dim3A_294 : vector<1x2176xf32> to vector<3x2176xf32>
    %slice3A_296 = vector.extract_strided_slice %get3A_252 {offsets = [5, 0], sizes = [1, 2176], strides = [1, 1]} : vector<8x2176xf32> to vector<1x2176xf32>
    %broadcast_in_dim3A_297 = vector.shape_cast %slice3A_296 : vector<1x2176xf32> to vector<1x2176xf32>
    %broadcast_in_dim3A_298 = vector.broadcast %broadcast_in_dim3A_297 : vector<1x2176xf32> to vector<2x2176xf32>
    %slice3A_299 = vector.extract_strided_slice %get3A_252 {offsets = [6, 0], sizes = [1, 2176], strides = [1, 1]} : vector<8x2176xf32> to vector<1x2176xf32>
    %concatenate3A_300 = tpu.concatenate %broadcast_in_dim3A_283, %broadcast_in_dim3A_286, %broadcast_in_dim3A_289, %broadcast_in_dim3A_292, %broadcast_in_dim3A_295, %broadcast_in_dim3A_298, %slice3A_299 in 0 : vector<7x2176xf32>, vector<6x2176xf32>, vector<5x2176xf32>, vector<4x2176xf32>, vector<3x2176xf32>, vector<2x2176xf32>, vector<1x2176xf32> -> vector<28x2176xf32>
    %slice3A_301 = vector.extract_strided_slice %get3A_252 {offsets = [1, 0], sizes = [7, 2176], strides = [1, 1]} : vector<8x2176xf32> to vector<7x2176xf32>
    %slice3A_302 = vector.extract_strided_slice %get3A_252 {offsets = [2, 0], sizes = [6, 2176], strides = [1, 1]} : vector<8x2176xf32> to vector<6x2176xf32>
    %slice3A_303 = vector.extract_strided_slice %get3A_252 {offsets = [3, 0], sizes = [5, 2176], strides = [1, 1]} : vector<8x2176xf32> to vector<5x2176xf32>
    %slice3A_304 = vector.extract_strided_slice %get3A_252 {offsets = [4, 0], sizes = [4, 2176], strides = [1, 1]} : vector<8x2176xf32> to vector<4x2176xf32>
    %slice3A_305 = vector.extract_strided_slice %get3A_252 {offsets = [5, 0], sizes = [3, 2176], strides = [1, 1]} : vector<8x2176xf32> to vector<3x2176xf32>
    %slice3A_306 = vector.extract_strided_slice %get3A_252 {offsets = [6, 0], sizes = [2, 2176], strides = [1, 1]} : vector<8x2176xf32> to vector<2x2176xf32>
    %slice3A_307 = vector.extract_strided_slice %get3A_252 {offsets = [7, 0], sizes = [1, 2176], strides = [1, 1]} : vector<8x2176xf32> to vector<1x2176xf32>
    %concatenate3A_308 = tpu.concatenate %slice3A_301, %slice3A_302, %slice3A_303, %slice3A_304, %slice3A_305, %slice3A_306, %slice3A_307 in 0 : vector<7x2176xf32>, vector<6x2176xf32>, vector<5x2176xf32>, vector<4x2176xf32>, vector<3x2176xf32>, vector<2x2176xf32>, vector<1x2176xf32> -> vector<28x2176xf32>
    %mul3A_309 = arith.mulf %concatenate3A_272, %concatenate3A_280 : vector<28x2176xf32>
    %mul3A_310 = arith.mulf %concatenate3A_300, %concatenate3A_308 : vector<28x2176xf32>
    %add3A_311 = arith.addf %mul3A_309, %mul3A_310 : vector<28x2176xf32>
    %mul3A_312 = arith.mulf %concatenate3A_300, %concatenate3A_280 : vector<28x2176xf32>
    %mul3A_313 = arith.mulf %concatenate3A_272, %concatenate3A_308 : vector<28x2176xf32>
    %sub3A_314 = arith.subf %mul3A_312, %mul3A_313 : vector<28x2176xf32>
    %mul3A_315 = arith.mulf %add3A_311, %add3A_311 : vector<28x2176xf32>
    %mul3A_316 = arith.mulf %sub3A_314, %sub3A_314 : vector<28x2176xf32>
    %add3A_317 = arith.addf %mul3A_315, %mul3A_316 : vector<28x2176xf32>
    %sqrt3A_318 = math.sqrt %add3A_317 : vector<28x2176xf32>
    %add3A_319 = arith.constant 9.99999996E-13 : f32
    %add3A_320 = vector.broadcast %add3A_319 : f32 to vector<28x2176xf32>
    %add3A_321 = arith.addf %sqrt3A_318, %add3A_320 : vector<28x2176xf32>
    %div3A_322 = arith.constant 1.000000e+00 : f32
    %div3A_323 = vector.broadcast %div3A_322 : f32 to vector<28x2176xf32>
    %div3A_324 = arith.divf %div3A_323, %add3A_321 : vector<28x2176xf32>
    %mul3A_325 = arith.mulf %add3A_311, %div3A_324 : vector<28x2176xf32>
    %mul3A_326 = arith.mulf %sub3A_314, %div3A_324 : vector<28x2176xf32>
    %get3A_327 = arith.constant 4 : index
    %get3A_328 = arith.constant 0 : index
    %get3A_329 = arith.constant 0 : index
    %get3A_330 = vector.load %arg1[%get3A_327, %get3A_328, %get3A_329] : memref<8x8x2176xf32, #tpu.memory_space<vmem>>, vector<1x8x2176xf32>
    %get3A_331 = vector.shape_cast %get3A_330 : vector<1x8x2176xf32> to vector<8x2176xf32>
    %get3A_332 = arith.constant 4 : index
    %get3A_333 = arith.constant 0 : index
    %get3A_334 = arith.constant 0 : index
    %get3A_335 = vector.load %arg2[%get3A_332, %get3A_333, %get3A_334] : memref<8x8x2176xf32, #tpu.memory_space<vmem>>, vector<1x8x2176xf32>
    %get3A_336 = vector.shape_cast %get3A_335 : vector<1x8x2176xf32> to vector<8x2176xf32>
    %slice3A_337 = vector.extract_strided_slice %get3A_331 {offsets = [0, 0], sizes = [1, 2176], strides = [1, 1]} : vector<8x2176xf32> to vector<1x2176xf32>
    %broadcast_in_dim3A_338 = vector.shape_cast %slice3A_337 : vector<1x2176xf32> to vector<1x2176xf32>
    %broadcast_in_dim3A_339 = vector.broadcast %broadcast_in_dim3A_338 : vector<1x2176xf32> to vector<7x2176xf32>
    %slice3A_340 = vector.extract_strided_slice %get3A_331 {offsets = [1, 0], sizes = [1, 2176], strides = [1, 1]} : vector<8x2176xf32> to vector<1x2176xf32>
    %broadcast_in_dim3A_341 = vector.shape_cast %slice3A_340 : vector<1x2176xf32> to vector<1x2176xf32>
    %broadcast_in_dim3A_342 = vector.broadcast %broadcast_in_dim3A_341 : vector<1x2176xf32> to vector<6x2176xf32>
    %slice3A_343 = vector.extract_strided_slice %get3A_331 {offsets = [2, 0], sizes = [1, 2176], strides = [1, 1]} : vector<8x2176xf32> to vector<1x2176xf32>
    %broadcast_in_dim3A_344 = vector.shape_cast %slice3A_343 : vector<1x2176xf32> to vector<1x2176xf32>
    %broadcast_in_dim3A_345 = vector.broadcast %broadcast_in_dim3A_344 : vector<1x2176xf32> to vector<5x2176xf32>
    %slice3A_346 = vector.extract_strided_slice %get3A_331 {offsets = [3, 0], sizes = [1, 2176], strides = [1, 1]} : vector<8x2176xf32> to vector<1x2176xf32>
    %broadcast_in_dim3A_347 = vector.shape_cast %slice3A_346 : vector<1x2176xf32> to vector<1x2176xf32>
    %broadcast_in_dim3A_348 = vector.broadcast %broadcast_in_dim3A_347 : vector<1x2176xf32> to vector<4x2176xf32>
    %slice3A_349 = vector.extract_strided_slice %get3A_331 {offsets = [4, 0], sizes = [1, 2176], strides = [1, 1]} : vector<8x2176xf32> to vector<1x2176xf32>
    %broadcast_in_dim3A_350 = vector.shape_cast %slice3A_349 : vector<1x2176xf32> to vector<1x2176xf32>
    %broadcast_in_dim3A_351 = vector.broadcast %broadcast_in_dim3A_350 : vector<1x2176xf32> to vector<3x2176xf32>
    %slice3A_352 = vector.extract_strided_slice %get3A_331 {offsets = [5, 0], sizes = [1, 2176], strides = [1, 1]} : vector<8x2176xf32> to vector<1x2176xf32>
    %broadcast_in_dim3A_353 = vector.shape_cast %slice3A_352 : vector<1x2176xf32> to vector<1x2176xf32>
    %broadcast_in_dim3A_354 = vector.broadcast %broadcast_in_dim3A_353 : vector<1x2176xf32> to vector<2x2176xf32>
    %slice3A_355 = vector.extract_strided_slice %get3A_331 {offsets = [6, 0], sizes = [1, 2176], strides = [1, 1]} : vector<8x2176xf32> to vector<1x2176xf32>
    %concatenate3A_356 = tpu.concatenate %broadcast_in_dim3A_339, %broadcast_in_dim3A_342, %broadcast_in_dim3A_345, %broadcast_in_dim3A_348, %broadcast_in_dim3A_351, %broadcast_in_dim3A_354, %slice3A_355 in 0 : vector<7x2176xf32>, vector<6x2176xf32>, vector<5x2176xf32>, vector<4x2176xf32>, vector<3x2176xf32>, vector<2x2176xf32>, vector<1x2176xf32> -> vector<28x2176xf32>
    %slice3A_357 = vector.extract_strided_slice %get3A_331 {offsets = [1, 0], sizes = [7, 2176], strides = [1, 1]} : vector<8x2176xf32> to vector<7x2176xf32>
    %slice3A_358 = vector.extract_strided_slice %get3A_331 {offsets = [2, 0], sizes = [6, 2176], strides = [1, 1]} : vector<8x2176xf32> to vector<6x2176xf32>
    %slice3A_359 = vector.extract_strided_slice %get3A_331 {offsets = [3, 0], sizes = [5, 2176], strides = [1, 1]} : vector<8x2176xf32> to vector<5x2176xf32>
    %slice3A_360 = vector.extract_strided_slice %get3A_331 {offsets = [4, 0], sizes = [4, 2176], strides = [1, 1]} : vector<8x2176xf32> to vector<4x2176xf32>
    %slice3A_361 = vector.extract_strided_slice %get3A_331 {offsets = [5, 0], sizes = [3, 2176], strides = [1, 1]} : vector<8x2176xf32> to vector<3x2176xf32>
    %slice3A_362 = vector.extract_strided_slice %get3A_331 {offsets = [6, 0], sizes = [2, 2176], strides = [1, 1]} : vector<8x2176xf32> to vector<2x2176xf32>
    %slice3A_363 = vector.extract_strided_slice %get3A_331 {offsets = [7, 0], sizes = [1, 2176], strides = [1, 1]} : vector<8x2176xf32> to vector<1x2176xf32>
    %concatenate3A_364 = tpu.concatenate %slice3A_357, %slice3A_358, %slice3A_359, %slice3A_360, %slice3A_361, %slice3A_362, %slice3A_363 in 0 : vector<7x2176xf32>, vector<6x2176xf32>, vector<5x2176xf32>, vector<4x2176xf32>, vector<3x2176xf32>, vector<2x2176xf32>, vector<1x2176xf32> -> vector<28x2176xf32>
    %slice3A_365 = vector.extract_strided_slice %get3A_336 {offsets = [0, 0], sizes = [1, 2176], strides = [1, 1]} : vector<8x2176xf32> to vector<1x2176xf32>
    %broadcast_in_dim3A_366 = vector.shape_cast %slice3A_365 : vector<1x2176xf32> to vector<1x2176xf32>
    %broadcast_in_dim3A_367 = vector.broadcast %broadcast_in_dim3A_366 : vector<1x2176xf32> to vector<7x2176xf32>
    %slice3A_368 = vector.extract_strided_slice %get3A_336 {offsets = [1, 0], sizes = [1, 2176], strides = [1, 1]} : vector<8x2176xf32> to vector<1x2176xf32>
    %broadcast_in_dim3A_369 = vector.shape_cast %slice3A_368 : vector<1x2176xf32> to vector<1x2176xf32>
    %broadcast_in_dim3A_370 = vector.broadcast %broadcast_in_dim3A_369 : vector<1x2176xf32> to vector<6x2176xf32>
    %slice3A_371 = vector.extract_strided_slice %get3A_336 {offsets = [2, 0], sizes = [1, 2176], strides = [1, 1]} : vector<8x2176xf32> to vector<1x2176xf32>
    %broadcast_in_dim3A_372 = vector.shape_cast %slice3A_371 : vector<1x2176xf32> to vector<1x2176xf32>
    %broadcast_in_dim3A_373 = vector.broadcast %broadcast_in_dim3A_372 : vector<1x2176xf32> to vector<5x2176xf32>
    %slice3A_374 = vector.extract_strided_slice %get3A_336 {offsets = [3, 0], sizes = [1, 2176], strides = [1, 1]} : vector<8x2176xf32> to vector<1x2176xf32>
    %broadcast_in_dim3A_375 = vector.shape_cast %slice3A_374 : vector<1x2176xf32> to vector<1x2176xf32>
    %broadcast_in_dim3A_376 = vector.broadcast %broadcast_in_dim3A_375 : vector<1x2176xf32> to vector<4x2176xf32>
    %slice3A_377 = vector.extract_strided_slice %get3A_336 {offsets = [4, 0], sizes = [1, 2176], strides = [1, 1]} : vector<8x2176xf32> to vector<1x2176xf32>
    %broadcast_in_dim3A_378 = vector.shape_cast %slice3A_377 : vector<1x2176xf32> to vector<1x2176xf32>
    %broadcast_in_dim3A_379 = vector.broadcast %broadcast_in_dim3A_378 : vector<1x2176xf32> to vector<3x2176xf32>
    %slice3A_380 = vector.extract_strided_slice %get3A_336 {offsets = [5, 0], sizes = [1, 2176], strides = [1, 1]} : vector<8x2176xf32> to vector<1x2176xf32>
    %broadcast_in_dim3A_381 = vector.shape_cast %slice3A_380 : vector<1x2176xf32> to vector<1x2176xf32>
    %broadcast_in_dim3A_382 = vector.broadcast %broadcast_in_dim3A_381 : vector<1x2176xf32> to vector<2x2176xf32>
    %slice3A_383 = vector.extract_strided_slice %get3A_336 {offsets = [6, 0], sizes = [1, 2176], strides = [1, 1]} : vector<8x2176xf32> to vector<1x2176xf32>
    %concatenate3A_384 = tpu.concatenate %broadcast_in_dim3A_367, %broadcast_in_dim3A_370, %broadcast_in_dim3A_373, %broadcast_in_dim3A_376, %broadcast_in_dim3A_379, %broadcast_in_dim3A_382, %slice3A_383 in 0 : vector<7x2176xf32>, vector<6x2176xf32>, vector<5x2176xf32>, vector<4x2176xf32>, vector<3x2176xf32>, vector<2x2176xf32>, vector<1x2176xf32> -> vector<28x2176xf32>
    %slice3A_385 = vector.extract_strided_slice %get3A_336 {offsets = [1, 0], sizes = [7, 2176], strides = [1, 1]} : vector<8x2176xf32> to vector<7x2176xf32>
    %slice3A_386 = vector.extract_strided_slice %get3A_336 {offsets = [2, 0], sizes = [6, 2176], strides = [1, 1]} : vector<8x2176xf32> to vector<6x2176xf32>
    %slice3A_387 = vector.extract_strided_slice %get3A_336 {offsets = [3, 0], sizes = [5, 2176], strides = [1, 1]} : vector<8x2176xf32> to vector<5x2176xf32>
    %slice3A_388 = vector.extract_strided_slice %get3A_336 {offsets = [4, 0], sizes = [4, 2176], strides = [1, 1]} : vector<8x2176xf32> to vector<4x2176xf32>
    %slice3A_389 = vector.extract_strided_slice %get3A_336 {offsets = [5, 0], sizes = [3, 2176], strides = [1, 1]} : vector<8x2176xf32> to vector<3x2176xf32>
    %slice3A_390 = vector.extract_strided_slice %get3A_336 {offsets = [6, 0], sizes = [2, 2176], strides = [1, 1]} : vector<8x2176xf32> to vector<2x2176xf32>
    %slice3A_391 = vector.extract_strided_slice %get3A_336 {offsets = [7, 0], sizes = [1, 2176], strides = [1, 1]} : vector<8x2176xf32> to vector<1x2176xf32>
    %concatenate3A_392 = tpu.concatenate %slice3A_385, %slice3A_386, %slice3A_387, %slice3A_388, %slice3A_389, %slice3A_390, %slice3A_391 in 0 : vector<7x2176xf32>, vector<6x2176xf32>, vector<5x2176xf32>, vector<4x2176xf32>, vector<3x2176xf32>, vector<2x2176xf32>, vector<1x2176xf32> -> vector<28x2176xf32>
    %mul3A_393 = arith.mulf %concatenate3A_356, %concatenate3A_364 : vector<28x2176xf32>
    %mul3A_394 = arith.mulf %concatenate3A_384, %concatenate3A_392 : vector<28x2176xf32>
    %add3A_395 = arith.addf %mul3A_393, %mul3A_394 : vector<28x2176xf32>
    %mul3A_396 = arith.mulf %concatenate3A_384, %concatenate3A_364 : vector<28x2176xf32>
    %mul3A_397 = arith.mulf %concatenate3A_356, %concatenate3A_392 : vector<28x2176xf32>
    %sub3A_398 = arith.subf %mul3A_396, %mul3A_397 : vector<28x2176xf32>
    %mul3A_399 = arith.mulf %add3A_395, %add3A_395 : vector<28x2176xf32>
    %mul3A_400 = arith.mulf %sub3A_398, %sub3A_398 : vector<28x2176xf32>
    %add3A_401 = arith.addf %mul3A_399, %mul3A_400 : vector<28x2176xf32>
    %sqrt3A_402 = math.sqrt %add3A_401 : vector<28x2176xf32>
    %add3A_403 = arith.constant 9.99999996E-13 : f32
    %add3A_404 = vector.broadcast %add3A_403 : f32 to vector<28x2176xf32>
    %add3A_405 = arith.addf %sqrt3A_402, %add3A_404 : vector<28x2176xf32>
    %div3A_406 = arith.constant 1.000000e+00 : f32
    %div3A_407 = vector.broadcast %div3A_406 : f32 to vector<28x2176xf32>
    %div3A_408 = arith.divf %div3A_407, %add3A_405 : vector<28x2176xf32>
    %mul3A_409 = arith.mulf %add3A_395, %div3A_408 : vector<28x2176xf32>
    %mul3A_410 = arith.mulf %sub3A_398, %div3A_408 : vector<28x2176xf32>
    %get3A_411 = arith.constant 5 : index
    %get3A_412 = arith.constant 0 : index
    %get3A_413 = arith.constant 0 : index
    %get3A_414 = vector.load %arg1[%get3A_411, %get3A_412, %get3A_413] : memref<8x8x2176xf32, #tpu.memory_space<vmem>>, vector<1x8x2176xf32>
    %get3A_415 = vector.shape_cast %get3A_414 : vector<1x8x2176xf32> to vector<8x2176xf32>
    %get3A_416 = arith.constant 5 : index
    %get3A_417 = arith.constant 0 : index
    %get3A_418 = arith.constant 0 : index
    %get3A_419 = vector.load %arg2[%get3A_416, %get3A_417, %get3A_418] : memref<8x8x2176xf32, #tpu.memory_space<vmem>>, vector<1x8x2176xf32>
    %get3A_420 = vector.shape_cast %get3A_419 : vector<1x8x2176xf32> to vector<8x2176xf32>
    %slice3A_421 = vector.extract_strided_slice %get3A_415 {offsets = [0, 0], sizes = [1, 2176], strides = [1, 1]} : vector<8x2176xf32> to vector<1x2176xf32>
    %broadcast_in_dim3A_422 = vector.shape_cast %slice3A_421 : vector<1x2176xf32> to vector<1x2176xf32>
    %broadcast_in_dim3A_423 = vector.broadcast %broadcast_in_dim3A_422 : vector<1x2176xf32> to vector<7x2176xf32>
    %slice3A_424 = vector.extract_strided_slice %get3A_415 {offsets = [1, 0], sizes = [1, 2176], strides = [1, 1]} : vector<8x2176xf32> to vector<1x2176xf32>
    %broadcast_in_dim3A_425 = vector.shape_cast %slice3A_424 : vector<1x2176xf32> to vector<1x2176xf32>
    %broadcast_in_dim3A_426 = vector.broadcast %broadcast_in_dim3A_425 : vector<1x2176xf32> to vector<6x2176xf32>
    %slice3A_427 = vector.extract_strided_slice %get3A_415 {offsets = [2, 0], sizes = [1, 2176], strides = [1, 1]} : vector<8x2176xf32> to vector<1x2176xf32>
    %broadcast_in_dim3A_428 = vector.shape_cast %slice3A_427 : vector<1x2176xf32> to vector<1x2176xf32>
    %broadcast_in_dim3A_429 = vector.broadcast %broadcast_in_dim3A_428 : vector<1x2176xf32> to vector<5x2176xf32>
    %slice3A_430 = vector.extract_strided_slice %get3A_415 {offsets = [3, 0], sizes = [1, 2176], strides = [1, 1]} : vector<8x2176xf32> to vector<1x2176xf32>
    %broadcast_in_dim3A_431 = vector.shape_cast %slice3A_430 : vector<1x2176xf32> to vector<1x2176xf32>
    %broadcast_in_dim3A_432 = vector.broadcast %broadcast_in_dim3A_431 : vector<1x2176xf32> to vector<4x2176xf32>
    %slice3A_433 = vector.extract_strided_slice %get3A_415 {offsets = [4, 0], sizes = [1, 2176], strides = [1, 1]} : vector<8x2176xf32> to vector<1x2176xf32>
    %broadcast_in_dim3A_434 = vector.shape_cast %slice3A_433 : vector<1x2176xf32> to vector<1x2176xf32>
    %broadcast_in_dim3A_435 = vector.broadcast %broadcast_in_dim3A_434 : vector<1x2176xf32> to vector<3x2176xf32>
    %slice3A_436 = vector.extract_strided_slice %get3A_415 {offsets = [5, 0], sizes = [1, 2176], strides = [1, 1]} : vector<8x2176xf32> to vector<1x2176xf32>
    %broadcast_in_dim3A_437 = vector.shape_cast %slice3A_436 : vector<1x2176xf32> to vector<1x2176xf32>
    %broadcast_in_dim3A_438 = vector.broadcast %broadcast_in_dim3A_437 : vector<1x2176xf32> to vector<2x2176xf32>
    %slice3A_439 = vector.extract_strided_slice %get3A_415 {offsets = [6, 0], sizes = [1, 2176], strides = [1, 1]} : vector<8x2176xf32> to vector<1x2176xf32>
    %concatenate3A_440 = tpu.concatenate %broadcast_in_dim3A_423, %broadcast_in_dim3A_426, %broadcast_in_dim3A_429, %broadcast_in_dim3A_432, %broadcast_in_dim3A_435, %broadcast_in_dim3A_438, %slice3A_439 in 0 : vector<7x2176xf32>, vector<6x2176xf32>, vector<5x2176xf32>, vector<4x2176xf32>, vector<3x2176xf32>, vector<2x2176xf32>, vector<1x2176xf32> -> vector<28x2176xf32>
    %slice3A_441 = vector.extract_strided_slice %get3A_415 {offsets = [1, 0], sizes = [7, 2176], strides = [1, 1]} : vector<8x2176xf32> to vector<7x2176xf32>
    %slice3A_442 = vector.extract_strided_slice %get3A_415 {offsets = [2, 0], sizes = [6, 2176], strides = [1, 1]} : vector<8x2176xf32> to vector<6x2176xf32>
    %slice3A_443 = vector.extract_strided_slice %get3A_415 {offsets = [3, 0], sizes = [5, 2176], strides = [1, 1]} : vector<8x2176xf32> to vector<5x2176xf32>
    %slice3A_444 = vector.extract_strided_slice %get3A_415 {offsets = [4, 0], sizes = [4, 2176], strides = [1, 1]} : vector<8x2176xf32> to vector<4x2176xf32>
    %slice3A_445 = vector.extract_strided_slice %get3A_415 {offsets = [5, 0], sizes = [3, 2176], strides = [1, 1]} : vector<8x2176xf32> to vector<3x2176xf32>
    %slice3A_446 = vector.extract_strided_slice %get3A_415 {offsets = [6, 0], sizes = [2, 2176], strides = [1, 1]} : vector<8x2176xf32> to vector<2x2176xf32>
    %slice3A_447 = vector.extract_strided_slice %get3A_415 {offsets = [7, 0], sizes = [1, 2176], strides = [1, 1]} : vector<8x2176xf32> to vector<1x2176xf32>
    %concatenate3A_448 = tpu.concatenate %slice3A_441, %slice3A_442, %slice3A_443, %slice3A_444, %slice3A_445, %slice3A_446, %slice3A_447 in 0 : vector<7x2176xf32>, vector<6x2176xf32>, vector<5x2176xf32>, vector<4x2176xf32>, vector<3x2176xf32>, vector<2x2176xf32>, vector<1x2176xf32> -> vector<28x2176xf32>
    %slice3A_449 = vector.extract_strided_slice %get3A_420 {offsets = [0, 0], sizes = [1, 2176], strides = [1, 1]} : vector<8x2176xf32> to vector<1x2176xf32>
    %broadcast_in_dim3A_450 = vector.shape_cast %slice3A_449 : vector<1x2176xf32> to vector<1x2176xf32>
    %broadcast_in_dim3A_451 = vector.broadcast %broadcast_in_dim3A_450 : vector<1x2176xf32> to vector<7x2176xf32>
    %slice3A_452 = vector.extract_strided_slice %get3A_420 {offsets = [1, 0], sizes = [1, 2176], strides = [1, 1]} : vector<8x2176xf32> to vector<1x2176xf32>
    %broadcast_in_dim3A_453 = vector.shape_cast %slice3A_452 : vector<1x2176xf32> to vector<1x2176xf32>
    %broadcast_in_dim3A_454 = vector.broadcast %broadcast_in_dim3A_453 : vector<1x2176xf32> to vector<6x2176xf32>
    %slice3A_455 = vector.extract_strided_slice %get3A_420 {offsets = [2, 0], sizes = [1, 2176], strides = [1, 1]} : vector<8x2176xf32> to vector<1x2176xf32>
    %broadcast_in_dim3A_456 = vector.shape_cast %slice3A_455 : vector<1x2176xf32> to vector<1x2176xf32>
    %broadcast_in_dim3A_457 = vector.broadcast %broadcast_in_dim3A_456 : vector<1x2176xf32> to vector<5x2176xf32>
    %slice3A_458 = vector.extract_strided_slice %get3A_420 {offsets = [3, 0], sizes = [1, 2176], strides = [1, 1]} : vector<8x2176xf32> to vector<1x2176xf32>
    %broadcast_in_dim3A_459 = vector.shape_cast %slice3A_458 : vector<1x2176xf32> to vector<1x2176xf32>
    %broadcast_in_dim3A_460 = vector.broadcast %broadcast_in_dim3A_459 : vector<1x2176xf32> to vector<4x2176xf32>
    %slice3A_461 = vector.extract_strided_slice %get3A_420 {offsets = [4, 0], sizes = [1, 2176], strides = [1, 1]} : vector<8x2176xf32> to vector<1x2176xf32>
    %broadcast_in_dim3A_462 = vector.shape_cast %slice3A_461 : vector<1x2176xf32> to vector<1x2176xf32>
    %broadcast_in_dim3A_463 = vector.broadcast %broadcast_in_dim3A_462 : vector<1x2176xf32> to vector<3x2176xf32>
    %slice3A_464 = vector.extract_strided_slice %get3A_420 {offsets = [5, 0], sizes = [1, 2176], strides = [1, 1]} : vector<8x2176xf32> to vector<1x2176xf32>
    %broadcast_in_dim3A_465 = vector.shape_cast %slice3A_464 : vector<1x2176xf32> to vector<1x2176xf32>
    %broadcast_in_dim3A_466 = vector.broadcast %broadcast_in_dim3A_465 : vector<1x2176xf32> to vector<2x2176xf32>
    %slice3A_467 = vector.extract_strided_slice %get3A_420 {offsets = [6, 0], sizes = [1, 2176], strides = [1, 1]} : vector<8x2176xf32> to vector<1x2176xf32>
    %concatenate3A_468 = tpu.concatenate %broadcast_in_dim3A_451, %broadcast_in_dim3A_454, %broadcast_in_dim3A_457, %broadcast_in_dim3A_460, %broadcast_in_dim3A_463, %broadcast_in_dim3A_466, %slice3A_467 in 0 : vector<7x2176xf32>, vector<6x2176xf32>, vector<5x2176xf32>, vector<4x2176xf32>, vector<3x2176xf32>, vector<2x2176xf32>, vector<1x2176xf32> -> vector<28x2176xf32>
    %slice3A_469 = vector.extract_strided_slice %get3A_420 {offsets = [1, 0], sizes = [7, 2176], strides = [1, 1]} : vector<8x2176xf32> to vector<7x2176xf32>
    %slice3A_470 = vector.extract_strided_slice %get3A_420 {offsets = [2, 0], sizes = [6, 2176], strides = [1, 1]} : vector<8x2176xf32> to vector<6x2176xf32>
    %slice3A_471 = vector.extract_strided_slice %get3A_420 {offsets = [3, 0], sizes = [5, 2176], strides = [1, 1]} : vector<8x2176xf32> to vector<5x2176xf32>
    %slice3A_472 = vector.extract_strided_slice %get3A_420 {offsets = [4, 0], sizes = [4, 2176], strides = [1, 1]} : vector<8x2176xf32> to vector<4x2176xf32>
    %slice3A_473 = vector.extract_strided_slice %get3A_420 {offsets = [5, 0], sizes = [3, 2176], strides = [1, 1]} : vector<8x2176xf32> to vector<3x2176xf32>
    %slice3A_474 = vector.extract_strided_slice %get3A_420 {offsets = [6, 0], sizes = [2, 2176], strides = [1, 1]} : vector<8x2176xf32> to vector<2x2176xf32>
    %slice3A_475 = vector.extract_strided_slice %get3A_420 {offsets = [7, 0], sizes = [1, 2176], strides = [1, 1]} : vector<8x2176xf32> to vector<1x2176xf32>
    %concatenate3A_476 = tpu.concatenate %slice3A_469, %slice3A_470, %slice3A_471, %slice3A_472, %slice3A_473, %slice3A_474, %slice3A_475 in 0 : vector<7x2176xf32>, vector<6x2176xf32>, vector<5x2176xf32>, vector<4x2176xf32>, vector<3x2176xf32>, vector<2x2176xf32>, vector<1x2176xf32> -> vector<28x2176xf32>
    %mul3A_477 = arith.mulf %concatenate3A_440, %concatenate3A_448 : vector<28x2176xf32>
    %mul3A_478 = arith.mulf %concatenate3A_468, %concatenate3A_476 : vector<28x2176xf32>
    %add3A_479 = arith.addf %mul3A_477, %mul3A_478 : vector<28x2176xf32>
    %mul3A_480 = arith.mulf %concatenate3A_468, %concatenate3A_448 : vector<28x2176xf32>
    %mul3A_481 = arith.mulf %concatenate3A_440, %concatenate3A_476 : vector<28x2176xf32>
    %sub3A_482 = arith.subf %mul3A_480, %mul3A_481 : vector<28x2176xf32>
    %mul3A_483 = arith.mulf %add3A_479, %add3A_479 : vector<28x2176xf32>
    %mul3A_484 = arith.mulf %sub3A_482, %sub3A_482 : vector<28x2176xf32>
    %add3A_485 = arith.addf %mul3A_483, %mul3A_484 : vector<28x2176xf32>
    %sqrt3A_486 = math.sqrt %add3A_485 : vector<28x2176xf32>
    %add3A_487 = arith.constant 9.99999996E-13 : f32
    %add3A_488 = vector.broadcast %add3A_487 : f32 to vector<28x2176xf32>
    %add3A_489 = arith.addf %sqrt3A_486, %add3A_488 : vector<28x2176xf32>
    %div3A_490 = arith.constant 1.000000e+00 : f32
    %div3A_491 = vector.broadcast %div3A_490 : f32 to vector<28x2176xf32>
    %div3A_492 = arith.divf %div3A_491, %add3A_489 : vector<28x2176xf32>
    %mul3A_493 = arith.mulf %add3A_479, %div3A_492 : vector<28x2176xf32>
    %mul3A_494 = arith.mulf %sub3A_482, %div3A_492 : vector<28x2176xf32>
    %get3A_495 = arith.constant 6 : index
    %get3A_496 = arith.constant 0 : index
    %get3A_497 = arith.constant 0 : index
    %get3A_498 = vector.load %arg1[%get3A_495, %get3A_496, %get3A_497] : memref<8x8x2176xf32, #tpu.memory_space<vmem>>, vector<1x8x2176xf32>
    %get3A_499 = vector.shape_cast %get3A_498 : vector<1x8x2176xf32> to vector<8x2176xf32>
    %get3A_500 = arith.constant 6 : index
    %get3A_501 = arith.constant 0 : index
    %get3A_502 = arith.constant 0 : index
    %get3A_503 = vector.load %arg2[%get3A_500, %get3A_501, %get3A_502] : memref<8x8x2176xf32, #tpu.memory_space<vmem>>, vector<1x8x2176xf32>
    %get3A_504 = vector.shape_cast %get3A_503 : vector<1x8x2176xf32> to vector<8x2176xf32>
    %slice3A_505 = vector.extract_strided_slice %get3A_499 {offsets = [0, 0], sizes = [1, 2176], strides = [1, 1]} : vector<8x2176xf32> to vector<1x2176xf32>
    %broadcast_in_dim3A_506 = vector.shape_cast %slice3A_505 : vector<1x2176xf32> to vector<1x2176xf32>
    %broadcast_in_dim3A_507 = vector.broadcast %broadcast_in_dim3A_506 : vector<1x2176xf32> to vector<7x2176xf32>
    %slice3A_508 = vector.extract_strided_slice %get3A_499 {offsets = [1, 0], sizes = [1, 2176], strides = [1, 1]} : vector<8x2176xf32> to vector<1x2176xf32>
    %broadcast_in_dim3A_509 = vector.shape_cast %slice3A_508 : vector<1x2176xf32> to vector<1x2176xf32>
    %broadcast_in_dim3A_510 = vector.broadcast %broadcast_in_dim3A_509 : vector<1x2176xf32> to vector<6x2176xf32>
    %slice3A_511 = vector.extract_strided_slice %get3A_499 {offsets = [2, 0], sizes = [1, 2176], strides = [1, 1]} : vector<8x2176xf32> to vector<1x2176xf32>
    %broadcast_in_dim3A_512 = vector.shape_cast %slice3A_511 : vector<1x2176xf32> to vector<1x2176xf32>
    %broadcast_in_dim3A_513 = vector.broadcast %broadcast_in_dim3A_512 : vector<1x2176xf32> to vector<5x2176xf32>
    %slice3A_514 = vector.extract_strided_slice %get3A_499 {offsets = [3, 0], sizes = [1, 2176], strides = [1, 1]} : vector<8x2176xf32> to vector<1x2176xf32>
    %broadcast_in_dim3A_515 = vector.shape_cast %slice3A_514 : vector<1x2176xf32> to vector<1x2176xf32>
    %broadcast_in_dim3A_516 = vector.broadcast %broadcast_in_dim3A_515 : vector<1x2176xf32> to vector<4x2176xf32>
    %slice3A_517 = vector.extract_strided_slice %get3A_499 {offsets = [4, 0], sizes = [1, 2176], strides = [1, 1]} : vector<8x2176xf32> to vector<1x2176xf32>
    %broadcast_in_dim3A_518 = vector.shape_cast %slice3A_517 : vector<1x2176xf32> to vector<1x2176xf32>
    %broadcast_in_dim3A_519 = vector.broadcast %broadcast_in_dim3A_518 : vector<1x2176xf32> to vector<3x2176xf32>
    %slice3A_520 = vector.extract_strided_slice %get3A_499 {offsets = [5, 0], sizes = [1, 2176], strides = [1, 1]} : vector<8x2176xf32> to vector<1x2176xf32>
    %broadcast_in_dim3A_521 = vector.shape_cast %slice3A_520 : vector<1x2176xf32> to vector<1x2176xf32>
    %broadcast_in_dim3A_522 = vector.broadcast %broadcast_in_dim3A_521 : vector<1x2176xf32> to vector<2x2176xf32>
    %slice3A_523 = vector.extract_strided_slice %get3A_499 {offsets = [6, 0], sizes = [1, 2176], strides = [1, 1]} : vector<8x2176xf32> to vector<1x2176xf32>
    %concatenate3A_524 = tpu.concatenate %broadcast_in_dim3A_507, %broadcast_in_dim3A_510, %broadcast_in_dim3A_513, %broadcast_in_dim3A_516, %broadcast_in_dim3A_519, %broadcast_in_dim3A_522, %slice3A_523 in 0 : vector<7x2176xf32>, vector<6x2176xf32>, vector<5x2176xf32>, vector<4x2176xf32>, vector<3x2176xf32>, vector<2x2176xf32>, vector<1x2176xf32> -> vector<28x2176xf32>
    %slice3A_525 = vector.extract_strided_slice %get3A_499 {offsets = [1, 0], sizes = [7, 2176], strides = [1, 1]} : vector<8x2176xf32> to vector<7x2176xf32>
    %slice3A_526 = vector.extract_strided_slice %get3A_499 {offsets = [2, 0], sizes = [6, 2176], strides = [1, 1]} : vector<8x2176xf32> to vector<6x2176xf32>
    %slice3A_527 = vector.extract_strided_slice %get3A_499 {offsets = [3, 0], sizes = [5, 2176], strides = [1, 1]} : vector<8x2176xf32> to vector<5x2176xf32>
    %slice3A_528 = vector.extract_strided_slice %get3A_499 {offsets = [4, 0], sizes = [4, 2176], strides = [1, 1]} : vector<8x2176xf32> to vector<4x2176xf32>
    %slice3A_529 = vector.extract_strided_slice %get3A_499 {offsets = [5, 0], sizes = [3, 2176], strides = [1, 1]} : vector<8x2176xf32> to vector<3x2176xf32>
    %slice3A_530 = vector.extract_strided_slice %get3A_499 {offsets = [6, 0], sizes = [2, 2176], strides = [1, 1]} : vector<8x2176xf32> to vector<2x2176xf32>
    %slice3A_531 = vector.extract_strided_slice %get3A_499 {offsets = [7, 0], sizes = [1, 2176], strides = [1, 1]} : vector<8x2176xf32> to vector<1x2176xf32>
    %concatenate3A_532 = tpu.concatenate %slice3A_525, %slice3A_526, %slice3A_527, %slice3A_528, %slice3A_529, %slice3A_530, %slice3A_531 in 0 : vector<7x2176xf32>, vector<6x2176xf32>, vector<5x2176xf32>, vector<4x2176xf32>, vector<3x2176xf32>, vector<2x2176xf32>, vector<1x2176xf32> -> vector<28x2176xf32>
    %slice3A_533 = vector.extract_strided_slice %get3A_504 {offsets = [0, 0], sizes = [1, 2176], strides = [1, 1]} : vector<8x2176xf32> to vector<1x2176xf32>
    %broadcast_in_dim3A_534 = vector.shape_cast %slice3A_533 : vector<1x2176xf32> to vector<1x2176xf32>
    %broadcast_in_dim3A_535 = vector.broadcast %broadcast_in_dim3A_534 : vector<1x2176xf32> to vector<7x2176xf32>
    %slice3A_536 = vector.extract_strided_slice %get3A_504 {offsets = [1, 0], sizes = [1, 2176], strides = [1, 1]} : vector<8x2176xf32> to vector<1x2176xf32>
    %broadcast_in_dim3A_537 = vector.shape_cast %slice3A_536 : vector<1x2176xf32> to vector<1x2176xf32>
    %broadcast_in_dim3A_538 = vector.broadcast %broadcast_in_dim3A_537 : vector<1x2176xf32> to vector<6x2176xf32>
    %slice3A_539 = vector.extract_strided_slice %get3A_504 {offsets = [2, 0], sizes = [1, 2176], strides = [1, 1]} : vector<8x2176xf32> to vector<1x2176xf32>
    %broadcast_in_dim3A_540 = vector.shape_cast %slice3A_539 : vector<1x2176xf32> to vector<1x2176xf32>
    %broadcast_in_dim3A_541 = vector.broadcast %broadcast_in_dim3A_540 : vector<1x2176xf32> to vector<5x2176xf32>
    %slice3A_542 = vector.extract_strided_slice %get3A_504 {offsets = [3, 0], sizes = [1, 2176], strides = [1, 1]} : vector<8x2176xf32> to vector<1x2176xf32>
    %broadcast_in_dim3A_543 = vector.shape_cast %slice3A_542 : vector<1x2176xf32> to vector<1x2176xf32>
    %broadcast_in_dim3A_544 = vector.broadcast %broadcast_in_dim3A_543 : vector<1x2176xf32> to vector<4x2176xf32>
    %slice3A_545 = vector.extract_strided_slice %get3A_504 {offsets = [4, 0], sizes = [1, 2176], strides = [1, 1]} : vector<8x2176xf32> to vector<1x2176xf32>
    %broadcast_in_dim3A_546 = vector.shape_cast %slice3A_545 : vector<1x2176xf32> to vector<1x2176xf32>
    %broadcast_in_dim3A_547 = vector.broadcast %broadcast_in_dim3A_546 : vector<1x2176xf32> to vector<3x2176xf32>
    %slice3A_548 = vector.extract_strided_slice %get3A_504 {offsets = [5, 0], sizes = [1, 2176], strides = [1, 1]} : vector<8x2176xf32> to vector<1x2176xf32>
    %broadcast_in_dim3A_549 = vector.shape_cast %slice3A_548 : vector<1x2176xf32> to vector<1x2176xf32>
    %broadcast_in_dim3A_550 = vector.broadcast %broadcast_in_dim3A_549 : vector<1x2176xf32> to vector<2x2176xf32>
    %slice3A_551 = vector.extract_strided_slice %get3A_504 {offsets = [6, 0], sizes = [1, 2176], strides = [1, 1]} : vector<8x2176xf32> to vector<1x2176xf32>
    %concatenate3A_552 = tpu.concatenate %broadcast_in_dim3A_535, %broadcast_in_dim3A_538, %broadcast_in_dim3A_541, %broadcast_in_dim3A_544, %broadcast_in_dim3A_547, %broadcast_in_dim3A_550, %slice3A_551 in 0 : vector<7x2176xf32>, vector<6x2176xf32>, vector<5x2176xf32>, vector<4x2176xf32>, vector<3x2176xf32>, vector<2x2176xf32>, vector<1x2176xf32> -> vector<28x2176xf32>
    %slice3A_553 = vector.extract_strided_slice %get3A_504 {offsets = [1, 0], sizes = [7, 2176], strides = [1, 1]} : vector<8x2176xf32> to vector<7x2176xf32>
    %slice3A_554 = vector.extract_strided_slice %get3A_504 {offsets = [2, 0], sizes = [6, 2176], strides = [1, 1]} : vector<8x2176xf32> to vector<6x2176xf32>
    %slice3A_555 = vector.extract_strided_slice %get3A_504 {offsets = [3, 0], sizes = [5, 2176], strides = [1, 1]} : vector<8x2176xf32> to vector<5x2176xf32>
    %slice3A_556 = vector.extract_strided_slice %get3A_504 {offsets = [4, 0], sizes = [4, 2176], strides = [1, 1]} : vector<8x2176xf32> to vector<4x2176xf32>
    %slice3A_557 = vector.extract_strided_slice %get3A_504 {offsets = [5, 0], sizes = [3, 2176], strides = [1, 1]} : vector<8x2176xf32> to vector<3x2176xf32>
    %slice3A_558 = vector.extract_strided_slice %get3A_504 {offsets = [6, 0], sizes = [2, 2176], strides = [1, 1]} : vector<8x2176xf32> to vector<2x2176xf32>
    %slice3A_559 = vector.extract_strided_slice %get3A_504 {offsets = [7, 0], sizes = [1, 2176], strides = [1, 1]} : vector<8x2176xf32> to vector<1x2176xf32>
    %concatenate3A_560 = tpu.concatenate %slice3A_553, %slice3A_554, %slice3A_555, %slice3A_556, %slice3A_557, %slice3A_558, %slice3A_559 in 0 : vector<7x2176xf32>, vector<6x2176xf32>, vector<5x2176xf32>, vector<4x2176xf32>, vector<3x2176xf32>, vector<2x2176xf32>, vector<1x2176xf32> -> vector<28x2176xf32>
    %mul3A_561 = arith.mulf %concatenate3A_524, %concatenate3A_532 : vector<28x2176xf32>
    %mul3A_562 = arith.mulf %concatenate3A_552, %concatenate3A_560 : vector<28x2176xf32>
    %add3A_563 = arith.addf %mul3A_561, %mul3A_562 : vector<28x2176xf32>
    %mul3A_564 = arith.mulf %concatenate3A_552, %concatenate3A_532 : vector<28x2176xf32>
    %mul3A_565 = arith.mulf %concatenate3A_524, %concatenate3A_560 : vector<28x2176xf32>
    %sub3A_566 = arith.subf %mul3A_564, %mul3A_565 : vector<28x2176xf32>
    %mul3A_567 = arith.mulf %add3A_563, %add3A_563 : vector<28x2176xf32>
    %mul3A_568 = arith.mulf %sub3A_566, %sub3A_566 : vector<28x2176xf32>
    %add3A_569 = arith.addf %mul3A_567, %mul3A_568 : vector<28x2176xf32>
    %sqrt3A_570 = math.sqrt %add3A_569 : vector<28x2176xf32>
    %add3A_571 = arith.constant 9.99999996E-13 : f32
    %add3A_572 = vector.broadcast %add3A_571 : f32 to vector<28x2176xf32>
    %add3A_573 = arith.addf %sqrt3A_570, %add3A_572 : vector<28x2176xf32>
    %div3A_574 = arith.constant 1.000000e+00 : f32
    %div3A_575 = vector.broadcast %div3A_574 : f32 to vector<28x2176xf32>
    %div3A_576 = arith.divf %div3A_575, %add3A_573 : vector<28x2176xf32>
    %mul3A_577 = arith.mulf %add3A_563, %div3A_576 : vector<28x2176xf32>
    %mul3A_578 = arith.mulf %sub3A_566, %div3A_576 : vector<28x2176xf32>
    %get3A_579 = arith.constant 7 : index
    %get3A_580 = arith.constant 0 : index
    %get3A_581 = arith.constant 0 : index
    %get3A_582 = vector.load %arg1[%get3A_579, %get3A_580, %get3A_581] : memref<8x8x2176xf32, #tpu.memory_space<vmem>>, vector<1x8x2176xf32>
    %get3A_583 = vector.shape_cast %get3A_582 : vector<1x8x2176xf32> to vector<8x2176xf32>
    %get3A_584 = arith.constant 7 : index
    %get3A_585 = arith.constant 0 : index
    %get3A_586 = arith.constant 0 : index
    %get3A_587 = vector.load %arg2[%get3A_584, %get3A_585, %get3A_586] : memref<8x8x2176xf32, #tpu.memory_space<vmem>>, vector<1x8x2176xf32>
    %get3A_588 = vector.shape_cast %get3A_587 : vector<1x8x2176xf32> to vector<8x2176xf32>
    %slice3A_589 = vector.extract_strided_slice %get3A_583 {offsets = [0, 0], sizes = [1, 2176], strides = [1, 1]} : vector<8x2176xf32> to vector<1x2176xf32>
    %broadcast_in_dim3A_590 = vector.shape_cast %slice3A_589 : vector<1x2176xf32> to vector<1x2176xf32>
    %broadcast_in_dim3A_591 = vector.broadcast %broadcast_in_dim3A_590 : vector<1x2176xf32> to vector<7x2176xf32>
    %slice3A_592 = vector.extract_strided_slice %get3A_583 {offsets = [1, 0], sizes = [1, 2176], strides = [1, 1]} : vector<8x2176xf32> to vector<1x2176xf32>
    %broadcast_in_dim3A_593 = vector.shape_cast %slice3A_592 : vector<1x2176xf32> to vector<1x2176xf32>
    %broadcast_in_dim3A_594 = vector.broadcast %broadcast_in_dim3A_593 : vector<1x2176xf32> to vector<6x2176xf32>
    %slice3A_595 = vector.extract_strided_slice %get3A_583 {offsets = [2, 0], sizes = [1, 2176], strides = [1, 1]} : vector<8x2176xf32> to vector<1x2176xf32>
    %broadcast_in_dim3A_596 = vector.shape_cast %slice3A_595 : vector<1x2176xf32> to vector<1x2176xf32>
    %broadcast_in_dim3A_597 = vector.broadcast %broadcast_in_dim3A_596 : vector<1x2176xf32> to vector<5x2176xf32>
    %slice3A_598 = vector.extract_strided_slice %get3A_583 {offsets = [3, 0], sizes = [1, 2176], strides = [1, 1]} : vector<8x2176xf32> to vector<1x2176xf32>
    %broadcast_in_dim3A_599 = vector.shape_cast %slice3A_598 : vector<1x2176xf32> to vector<1x2176xf32>
    %broadcast_in_dim3A_600 = vector.broadcast %broadcast_in_dim3A_599 : vector<1x2176xf32> to vector<4x2176xf32>
    %slice3A_601 = vector.extract_strided_slice %get3A_583 {offsets = [4, 0], sizes = [1, 2176], strides = [1, 1]} : vector<8x2176xf32> to vector<1x2176xf32>
    %broadcast_in_dim3A_602 = vector.shape_cast %slice3A_601 : vector<1x2176xf32> to vector<1x2176xf32>
    %broadcast_in_dim3A_603 = vector.broadcast %broadcast_in_dim3A_602 : vector<1x2176xf32> to vector<3x2176xf32>
    %slice3A_604 = vector.extract_strided_slice %get3A_583 {offsets = [5, 0], sizes = [1, 2176], strides = [1, 1]} : vector<8x2176xf32> to vector<1x2176xf32>
    %broadcast_in_dim3A_605 = vector.shape_cast %slice3A_604 : vector<1x2176xf32> to vector<1x2176xf32>
    %broadcast_in_dim3A_606 = vector.broadcast %broadcast_in_dim3A_605 : vector<1x2176xf32> to vector<2x2176xf32>
    %slice3A_607 = vector.extract_strided_slice %get3A_583 {offsets = [6, 0], sizes = [1, 2176], strides = [1, 1]} : vector<8x2176xf32> to vector<1x2176xf32>
    %concatenate3A_608 = tpu.concatenate %broadcast_in_dim3A_591, %broadcast_in_dim3A_594, %broadcast_in_dim3A_597, %broadcast_in_dim3A_600, %broadcast_in_dim3A_603, %broadcast_in_dim3A_606, %slice3A_607 in 0 : vector<7x2176xf32>, vector<6x2176xf32>, vector<5x2176xf32>, vector<4x2176xf32>, vector<3x2176xf32>, vector<2x2176xf32>, vector<1x2176xf32> -> vector<28x2176xf32>
    %slice3A_609 = vector.extract_strided_slice %get3A_583 {offsets = [1, 0], sizes = [7, 2176], strides = [1, 1]} : vector<8x2176xf32> to vector<7x2176xf32>
    %slice3A_610 = vector.extract_strided_slice %get3A_583 {offsets = [2, 0], sizes = [6, 2176], strides = [1, 1]} : vector<8x2176xf32> to vector<6x2176xf32>
    %slice3A_611 = vector.extract_strided_slice %get3A_583 {offsets = [3, 0], sizes = [5, 2176], strides = [1, 1]} : vector<8x2176xf32> to vector<5x2176xf32>
    %slice3A_612 = vector.extract_strided_slice %get3A_583 {offsets = [4, 0], sizes = [4, 2176], strides = [1, 1]} : vector<8x2176xf32> to vector<4x2176xf32>
    %slice3A_613 = vector.extract_strided_slice %get3A_583 {offsets = [5, 0], sizes = [3, 2176], strides = [1, 1]} : vector<8x2176xf32> to vector<3x2176xf32>
    %slice3A_614 = vector.extract_strided_slice %get3A_583 {offsets = [6, 0], sizes = [2, 2176], strides = [1, 1]} : vector<8x2176xf32> to vector<2x2176xf32>
    %slice3A_615 = vector.extract_strided_slice %get3A_583 {offsets = [7, 0], sizes = [1, 2176], strides = [1, 1]} : vector<8x2176xf32> to vector<1x2176xf32>
    %concatenate3A_616 = tpu.concatenate %slice3A_609, %slice3A_610, %slice3A_611, %slice3A_612, %slice3A_613, %slice3A_614, %slice3A_615 in 0 : vector<7x2176xf32>, vector<6x2176xf32>, vector<5x2176xf32>, vector<4x2176xf32>, vector<3x2176xf32>, vector<2x2176xf32>, vector<1x2176xf32> -> vector<28x2176xf32>
    %slice3A_617 = vector.extract_strided_slice %get3A_588 {offsets = [0, 0], sizes = [1, 2176], strides = [1, 1]} : vector<8x2176xf32> to vector<1x2176xf32>
    %broadcast_in_dim3A_618 = vector.shape_cast %slice3A_617 : vector<1x2176xf32> to vector<1x2176xf32>
    %broadcast_in_dim3A_619 = vector.broadcast %broadcast_in_dim3A_618 : vector<1x2176xf32> to vector<7x2176xf32>
    %slice3A_620 = vector.extract_strided_slice %get3A_588 {offsets = [1, 0], sizes = [1, 2176], strides = [1, 1]} : vector<8x2176xf32> to vector<1x2176xf32>
    %broadcast_in_dim3A_621 = vector.shape_cast %slice3A_620 : vector<1x2176xf32> to vector<1x2176xf32>
    %broadcast_in_dim3A_622 = vector.broadcast %broadcast_in_dim3A_621 : vector<1x2176xf32> to vector<6x2176xf32>
    %slice3A_623 = vector.extract_strided_slice %get3A_588 {offsets = [2, 0], sizes = [1, 2176], strides = [1, 1]} : vector<8x2176xf32> to vector<1x2176xf32>
    %broadcast_in_dim3A_624 = vector.shape_cast %slice3A_623 : vector<1x2176xf32> to vector<1x2176xf32>
    %broadcast_in_dim3A_625 = vector.broadcast %broadcast_in_dim3A_624 : vector<1x2176xf32> to vector<5x2176xf32>
    %slice3A_626 = vector.extract_strided_slice %get3A_588 {offsets = [3, 0], sizes = [1, 2176], strides = [1, 1]} : vector<8x2176xf32> to vector<1x2176xf32>
    %broadcast_in_dim3A_627 = vector.shape_cast %slice3A_626 : vector<1x2176xf32> to vector<1x2176xf32>
    %broadcast_in_dim3A_628 = vector.broadcast %broadcast_in_dim3A_627 : vector<1x2176xf32> to vector<4x2176xf32>
    %slice3A_629 = vector.extract_strided_slice %get3A_588 {offsets = [4, 0], sizes = [1, 2176], strides = [1, 1]} : vector<8x2176xf32> to vector<1x2176xf32>
    %broadcast_in_dim3A_630 = vector.shape_cast %slice3A_629 : vector<1x2176xf32> to vector<1x2176xf32>
    %broadcast_in_dim3A_631 = vector.broadcast %broadcast_in_dim3A_630 : vector<1x2176xf32> to vector<3x2176xf32>
    %slice3A_632 = vector.extract_strided_slice %get3A_588 {offsets = [5, 0], sizes = [1, 2176], strides = [1, 1]} : vector<8x2176xf32> to vector<1x2176xf32>
    %broadcast_in_dim3A_633 = vector.shape_cast %slice3A_632 : vector<1x2176xf32> to vector<1x2176xf32>
    %broadcast_in_dim3A_634 = vector.broadcast %broadcast_in_dim3A_633 : vector<1x2176xf32> to vector<2x2176xf32>
    %slice3A_635 = vector.extract_strided_slice %get3A_588 {offsets = [6, 0], sizes = [1, 2176], strides = [1, 1]} : vector<8x2176xf32> to vector<1x2176xf32>
    %concatenate3A_636 = tpu.concatenate %broadcast_in_dim3A_619, %broadcast_in_dim3A_622, %broadcast_in_dim3A_625, %broadcast_in_dim3A_628, %broadcast_in_dim3A_631, %broadcast_in_dim3A_634, %slice3A_635 in 0 : vector<7x2176xf32>, vector<6x2176xf32>, vector<5x2176xf32>, vector<4x2176xf32>, vector<3x2176xf32>, vector<2x2176xf32>, vector<1x2176xf32> -> vector<28x2176xf32>
    %slice3A_637 = vector.extract_strided_slice %get3A_588 {offsets = [1, 0], sizes = [7, 2176], strides = [1, 1]} : vector<8x2176xf32> to vector<7x2176xf32>
    %slice3A_638 = vector.extract_strided_slice %get3A_588 {offsets = [2, 0], sizes = [6, 2176], strides = [1, 1]} : vector<8x2176xf32> to vector<6x2176xf32>
    %slice3A_639 = vector.extract_strided_slice %get3A_588 {offsets = [3, 0], sizes = [5, 2176], strides = [1, 1]} : vector<8x2176xf32> to vector<5x2176xf32>
    %slice3A_640 = vector.extract_strided_slice %get3A_588 {offsets = [4, 0], sizes = [4, 2176], strides = [1, 1]} : vector<8x2176xf32> to vector<4x2176xf32>
    %slice3A_641 = vector.extract_strided_slice %get3A_588 {offsets = [5, 0], sizes = [3, 2176], strides = [1, 1]} : vector<8x2176xf32> to vector<3x2176xf32>
    %slice3A_642 = vector.extract_strided_slice %get3A_588 {offsets = [6, 0], sizes = [2, 2176], strides = [1, 1]} : vector<8x2176xf32> to vector<2x2176xf32>
    %slice3A_643 = vector.extract_strided_slice %get3A_588 {offsets = [7, 0], sizes = [1, 2176], strides = [1, 1]} : vector<8x2176xf32> to vector<1x2176xf32>
    %concatenate3A_644 = tpu.concatenate %slice3A_637, %slice3A_638, %slice3A_639, %slice3A_640, %slice3A_641, %slice3A_642, %slice3A_643 in 0 : vector<7x2176xf32>, vector<6x2176xf32>, vector<5x2176xf32>, vector<4x2176xf32>, vector<3x2176xf32>, vector<2x2176xf32>, vector<1x2176xf32> -> vector<28x2176xf32>
    %mul3A_645 = arith.mulf %concatenate3A_608, %concatenate3A_616 : vector<28x2176xf32>
    %mul3A_646 = arith.mulf %concatenate3A_636, %concatenate3A_644 : vector<28x2176xf32>
    %add3A_647 = arith.addf %mul3A_645, %mul3A_646 : vector<28x2176xf32>
    %mul3A_648 = arith.mulf %concatenate3A_636, %concatenate3A_616 : vector<28x2176xf32>
    %mul3A_649 = arith.mulf %concatenate3A_608, %concatenate3A_644 : vector<28x2176xf32>
    %sub3A_650 = arith.subf %mul3A_648, %mul3A_649 : vector<28x2176xf32>
    %mul3A_651 = arith.mulf %add3A_647, %add3A_647 : vector<28x2176xf32>
    %mul3A_652 = arith.mulf %sub3A_650, %sub3A_650 : vector<28x2176xf32>
    %add3A_653 = arith.addf %mul3A_651, %mul3A_652 : vector<28x2176xf32>
    %sqrt3A_654 = math.sqrt %add3A_653 : vector<28x2176xf32>
    %add3A_655 = arith.constant 9.99999996E-13 : f32
    %add3A_656 = vector.broadcast %add3A_655 : f32 to vector<28x2176xf32>
    %add3A_657 = arith.addf %sqrt3A_654, %add3A_656 : vector<28x2176xf32>
    %div3A_658 = arith.constant 1.000000e+00 : f32
    %div3A_659 = vector.broadcast %div3A_658 : f32 to vector<28x2176xf32>
    %div3A_660 = arith.divf %div3A_659, %add3A_657 : vector<28x2176xf32>
    %mul3A_661 = arith.mulf %add3A_647, %div3A_660 : vector<28x2176xf32>
    %mul3A_662 = arith.mulf %sub3A_650, %div3A_660 : vector<28x2176xf32>
    %concatenate3A_663 = tpu.concatenate %mul3A_73, %mul3A_157, %mul3A_241, %mul3A_325, %mul3A_409, %mul3A_493, %mul3A_577, %mul3A_661 in 0 : vector<28x2176xf32>, vector<28x2176xf32>, vector<28x2176xf32>, vector<28x2176xf32>, vector<28x2176xf32>, vector<28x2176xf32>, vector<28x2176xf32>, vector<28x2176xf32> -> vector<224x2176xf32>
    %concatenate3A_664 = tpu.concatenate %mul3A_74, %mul3A_158, %mul3A_242, %mul3A_326, %mul3A_410, %mul3A_494, %mul3A_578, %mul3A_662 in 0 : vector<28x2176xf32>, vector<28x2176xf32>, vector<28x2176xf32>, vector<28x2176xf32>, vector<28x2176xf32>, vector<28x2176xf32>, vector<28x2176xf32>, vector<28x2176xf32> -> vector<224x2176xf32>
    %get3A_665 = arith.constant 0 : index
    %get3A_666 = arith.constant 0 : index
    %get3A_667 = vector.load %arg3[%get3A_665, %get3A_666] : memref<2176x128xf32, #tpu.memory_space<vmem>>, vector<2176x128xf32>
    %dot_general3A = arith.constant dense<0.000000e+00> : vector<224x128xf32>
    %dot_general3A_668 = tpu.matmul %concatenate3A_663, %get3A_667, %dot_general3A {dimension_numbers = #tpu.dot_dimension_numbers<[1], [0], [0], [1], [0, 0, 1, 1], [], []>, precision = #tpu.contract_precision<fp32>, transpose_lhs_hint = false} : vector<224x2176xf32>, vector<2176x128xf32>, vector<224x128xf32> -> vector<224x128xf32>
    %get3A_669 = arith.constant 0 : index
    %get3A_670 = arith.constant 0 : index
    %get3A_671 = vector.load %arg4[%get3A_669, %get3A_670] : memref<2176x128xf32, #tpu.memory_space<vmem>>, vector<2176x128xf32>
    %dot_general3A_672 = arith.constant dense<0.000000e+00> : vector<224x128xf32>
    %dot_general3A_673 = tpu.matmul %concatenate3A_664, %get3A_671, %dot_general3A_672 {dimension_numbers = #tpu.dot_dimension_numbers<[1], [0], [0], [1], [0, 0, 1, 1], [], []>, precision = #tpu.contract_precision<fp32>, transpose_lhs_hint = false} : vector<224x2176xf32>, vector<2176x128xf32>, vector<224x128xf32> -> vector<224x128xf32>
    %add3A_674 = arith.addf %dot_general3A_668, %dot_general3A_673 : vector<224x128xf32>
    %swap3A = arith.constant 0 : index
    %swap3A_675 = arith.constant 0 : index
    %swap3A_676 = vector.load %arg5[%swap3A, %swap3A_675] : memref<224x128xf32, #tpu.memory_space<vmem>>, vector<224x128xf32>
    tpu.vector_store %arg5[%swap3A, %swap3A_675], %add3A_674 {strides = array<i32>} : memref<224x128xf32, #tpu.memory_space<vmem>>, vector<224x128xf32>,
    return
  }
  func.func @transform_0(%arg0: i32) -> (i32, i32, i32) {
    %c0_i32 = arith.constant 0 : i32
    %c0_i32_0 = arith.constant 0 : i32
    %c0_i32_1 = arith.constant 0 : i32
    return %arg0, %c0_i32, %c0_i32_0 : i32, i32, i32
  }
  func.func @transform_1(%arg0: i32) -> (i32, i32, i32) {
    %c0_i32 = arith.constant 0 : i32
    %c0_i32_0 = arith.constant 0 : i32
    %c0_i32_1 = arith.constant 0 : i32
    return %arg0, %c0_i32, %c0_i32_0 : i32, i32, i32
  }
  func.func @transform_2(%arg0: i32) -> (i32, i32) {
    %c0_i32 = arith.constant 0 : i32
    %c0_i32_0 = arith.constant 0 : i32
    %c0_i32_1 = arith.constant 0 : i32
    return %c0_i32, %c0_i32_0 : i32, i32
  }
  func.func @transform_3(%arg0: i32) -> (i32, i32) {
    %c0_i32 = arith.constant 0 : i32
    %c0_i32_0 = arith.constant 0 : i32
    %c0_i32_1 = arith.constant 0 : i32
    return %c0_i32, %c0_i32_0 : i32, i32
  }
  func.func @transform_4(%arg0: i32) -> (i32, i32) {
    %c0_i32 = arith.constant 0 : i32
    %c0_i32_0 = arith.constant 0 : i32
    return %arg0, %c0_i32 : i32, i32
  }
}

</mosaic_0001>

<sc_bundles>
// kernel: kernel.4.cloned.1.call-start
scs
__scs_entry_jumppad:
0x0: {  	(pc) =	sbr.rel $0x88, $3  }
0x1: {  	(tag) =	ssettag $0x0;
	lr =	simm.s32 $0x1  }
0x2: {  	[smem:$0x3F9D] =	sst lr;
	_ =	strace $0xD0000000  }
0x3: {  	_ = 	snop  }
0x4: {  	_ = 	snop  }
0x5: {  	_ = 	snop  }
0x6: {  	_ = 	snop  }
0x7: {  	_ = 	snop  }
__scs_overlays_trampoline_lowered:
0x8: {  	[smem:$0x3FAC] =	sst s0  }
0x9: {  	[smem:$0x3FAD] =	sst s1  }
0xa: {  	[smem:$0x3FAE] =	sst s2  }
0xb: {  	[smem:$0x3FAF] =	sst s3  }
0xc: {  	[smem:$0x3FB0] =	sst s4  }
0xd: {  	[smem:$0x3FB1] =	sst s5  }
0xe: {  	[smem:$0x3FB2] =	sst s6  }
0xf: {  	[smem:$0x3FB3] =	sst s7  }
0x10: {  	[smem:$0x3FB4] =	sst s8  }
0x11: {  	[smem:$0x3FB5] =	sst s9;
	s0 =	simm.s32 @!p0 $0x0  }
0x12: {  	s1 =	sld [smem:$0x3F9B];
	s0 =	simm.s32 @p0 $0x1  }
0x13: {  	[smem:$0x3FB6] =	sst s0;
	s0 =	simm.s32 @!p1 $0x0  }
0x14: {  	s2 =	sld [smem:$0x3F9A];
	s0 =	simm.s32 @p1 $0x1  }
0x15: {  	[smem:$0x3FB7] =	sst s0;
	s0 =	simm.s32 @!p2 $0x0  }
0x16: {  	s3 =	sld [smem:$0x3FDB];
	s0 =	simm.s32 @p2 $0x1  }
0x17: {  	s4 =	simm.s32 $0x1BF5;
	[smem:$0x3FB9] =	sst s0  }
0x18: {  	s0 =	sld [smem:$0x3F9C];
	_ =	swait.ge [sflag:s4], $0x0  }
0x19: {  	s7 =	sld [smem:$0x3F9D]  }
0x1a: {  	s8 =	sadd.s32 $0xFFFFE003, lr  }
0x1b: {  	s9 =	sadd.s32 $0xFFFFFEF7, lr;
	s5 =	simm.s32 $0xFFFFFFFF;
	p2 =	slt.u32 s8, $0xFFFFF086  }
0x1c: {  	p1 =	slt.u32 s9, $0xF7A;
	s5 =	simm.s32 @!p2 $0x0  }
0x1d: {  	s5 =	simm.s32 @p1 $0x1;
	p0 =	seq.s32 s7, s2  }
0x1e: {  	s7 =	smul.u32 @!p0 $0xF7A, s2;
	p2 =	seq.s32 @!p0 s5, $0x0  }
0x1f: {  	s9 =	smul.u32 $0xF7A, s1;
	s8 =	simm.s32 @!p0 $0x1BF5;
	p2 =	por !p2, p0  }
0x20: {  	[sflag:s8] =	ssyncset.s32 @!p0 $0xFFFFF086;
	s6 =	sadd.s32 @!p0 s3, s7;
	s7 =	simm.s32 @!p0 $0x108  }
0x21: {  	s3 =	sadd.s32 s3, s9;
	s6 =	sadd.s32 @!p0 $0x88, s6;
	s7 =	simm.s32 @p2 $0x1082  }
0x22: {  	[simem:s7], [sflag:s8] =	dma.local @!p0 [hbm:s6], $0xF7A  }
0x23: {  	s9 =	sor.u32 $0xD0000000, s2;
	s6 =	simm.s32 $0x108;
	_ =	swait.ge @!p0 [sflag:s8], $0x0  }
0x24: {  	s3 =	sadd.s32 $0x88, s3;
	s6 =	simm.s32 @!p1 $0x1082;
	[sflag:s4] =	ssyncset.s32 $0xFFFFF086  }
0x25: {  	[simem:s6], [sflag:s4] =	dma.local [hbm:s3], $0xF7A  }
0x26: {  	[smem:$0x3F9D] =	sst s1;
	(tag) =	ssettag s2;
	_ =	strace s9  }
0x27: {  	s1 =	sld [smem:$0x3FAD]  }
0x28: {  	s2 =	sld [smem:$0x3FAE]  }
0x29: {  	s4 =	sld [smem:$0x3FB0]  }
0x2a: {  	p0 =	seq.s32 s5, $0x0;
	s5 =	sld [smem:$0x3FB1]  }
0x2b: {  	s6 =	sld [smem:$0x3FB2]  }
0x2c: {  	s7 =	sld [smem:$0x3FB3]  }
0x2d: {  	s3 =	simm.s32 $0x108;
	s8 =	sld [smem:$0x3FB4]  }
0x2e: {  	s3 =	simm.s32 @!p0 $0x1082;
	s9 =	sld [smem:$0x3FB5]  }
0x2f: {  	lr =	sadd.s32 s0, s3;
	s0 =	sld [smem:$0x3FAC]  }
0x30: {  	s3 =	sld [smem:$0x3FAF]  }
0x31: {  	[smem:$0x3FB8] =	sst s10  }
0x32: {  	s10 =	sld [smem:$0x3FB6];
	_ =	sdelay $0x3  }
0x33: {  	p0 =	seq.s32 s10, $0x1;
	s10 =	sld [smem:$0x3FB8];
	_ =	sdelay $0x3  }
0x34: {  	[smem:$0x3FB8] =	sst s10  }
0x35: {  	s10 =	sld [smem:$0x3FB7];
	_ =	sdelay $0x3  }
0x36: {  	p1 =	seq.s32 s10, $0x1;
	s10 =	sld [smem:$0x3FB8];
	_ =	sdelay $0x3  }
0x37: {  	[smem:$0x3FB8] =	sst s10  }
0x38: {  	s10 =	sld [smem:$0x3FB9]  }
0x39: {  	_ = 	snop;
	(pc) =	sbr.ind lr, $3  }
0x3a: {  	_ = 	snop  }
0x3b: {  	_ = 	snop  }
0x3c: {  	p2 =	seq.s32 s10, $0x1;
	s10 =	sld [smem:$0x3FB8]  }
0x3d: {  	_ =	shalt  }
0x3e: {  	_ =	shalt  }
0x3f: {  	_ =	shalt  }
0x40: {  	_ =	shalt  }
0x41: {  	_ =	shalt  }
0x42: {  	_ =	shalt  }
0x43: {  	_ =	shalt  }
0x44: {  	_ =	shalt  }
0x45: {  	_ =	shalt  }
0x46: {  	_ =	shalt  }
0x47: {  	_ =	shalt  }
0x48: {  	_ =	shalt  }
0x49: {  	_ =	shalt  }
0x4a: {  	_ =	shalt  }
0x4b: {  	_ =	shalt  }
0x4c: {  	_ =	shalt  }
0x4d: {  	_ =	shalt  }
0x4e: {  	_ =	shalt  }
0x4f: {  	_ =	shalt  }
0x50: {  	_ =	shalt  }
0x51: {  	_ =	shalt  }
0x52: {  	_ =	shalt  }
0x53: {  	_ =	shalt  }
0x54: {  	_ =	shalt  }
0x55: {  	_ =	shalt  }
0x56: {  	_ =	shalt  }
0x57: {  	_ =	shalt  }
0x58: {  	_ =	shalt  }
0x59: {  	_ =	shalt  }
0x5a: {  	_ =	shalt  }
0x5b: {  	_ =	shalt  }
0x5c: {  	_ =	shalt  }
0x5d: {  	_ =	shalt  }
0x5e: {  	_ =	shalt  }
0x5f: {  	_ =	shalt  }
0x60: {  	_ =	shalt  }
0x61: {  	_ =	shalt  }
0x62: {  	_ =	shalt  }
0x63: {  	_ =	shalt  }
0x64: {  	_ =	shalt  }
0x65: {  	_ =	shalt  }
0x66: {  	_ =	shalt  }
0x67: {  	_ =	shalt  }
0x68: {  	_ =	shalt  }
0x69: {  	_ =	shalt  }
0x6a: {  	_ =	shalt  }
0x6b: {  	_ =	shalt  }
0x6c: {  	_ =	shalt  }
0x6d: {  	_ =	shalt  }
0x6e: {  	_ =	shalt  }
0x6f: {  	_ =	shalt  }
0x70: {  	_ =	shalt  }
0x71: {  	_ =	shalt  }
0x72: {  	_ =	shalt  }
0x73: {  	_ =	shalt  }
0x74: {  	_ =	shalt  }
0x75: {  	_ =	shalt  }
0x76: {  	_ =	shalt  }
0x77: {  	_ =	shalt  }
0x78: {  	_ =	shalt  }
0x79: {  	_ =	shalt  }
0x7a: {  	_ =	shalt  }
0x7b: {  	_ =	shalt  }
0x7c: {  	_ =	shalt  }
0x7d: {  	_ =	shalt  }
0x7e: {  	_ =	shalt  }
0x7f: {  	_ =	shalt  }
0x80: {  	_ =	shalt  }
0x81: {  	_ =	shalt  }
0x82: {  	_ =	shalt  }
0x83: {  	_ =	shalt  }
0x84: {  	_ =	shalt  }
0x85: {  	_ =	shalt  }
0x86: {  	_ =	shalt  }
0x87: {  	_ =	shalt  }
.Lfunc_end0:
.L_simem_size_0:
called_computation_lowered:
.L_overlay_start_0:
0x88: {  	s2 =	sld [smem:$0x3FD9]  }
0x89: {  	s3 =	sld [smem:$0x3FFE];
	_ =	sdelay $0x1  }
0x8a: {  	s1 =	srdreg.scid  }
0x8b: {  	s0 =	sand.u32 $0x1, s1  }
0x8c: {  	s16 =	sshll.u32 s0, $0xA;
	s2 =	sadd.s32 s3, s2  }
0x8d: {  	s2 =	sadd.s32 s2, s16  }
0x8e: {  	[smem:$0x3FC4] =	sst s2  }
0x8f: {  	_ = 	snop  }
0x90: {  	(tm) =	ssettm $0x1  }
0x91: {  	s17 =	sld [smem:$0x3FFB];
	_ =	sdelay $0x3  }
0x92: {  	_ =	strace s17  }
0x93: {  	s2 =	sld [smem:$0x3FFC];
	_ =	sdelay $0x3  }
0x94: {  	_ =	strace s2  }
0x95: {  	s2 =	sld [smem:$0x3FFD];
	_ =	sdelay $0x3  }
0x96: {  	_ =	strace s2  }
0x97: {  	_ =	strace $0x8FFFFFFF  }
0x98: {  	s18 =	sld [smem:$0x3FDB];
	_ =	sdelay $0x1  }
0x99: {  	s19 =	simm.s32 $_scs_section_size  }
0x9a: {  	s4 =	simm.s32 $_size__tile_overlayer_lowered;
	s5 =	simm.s32 $_tile_overlayer_lowered  }
0x9b: {  	s22 =	simm.s32 $0x1BFF;
	s21 =	sshll.u32 s5, $0x1;
	s2 =	sadd.s32 s19, s18  }
0x9c: {  	s6 =	simm.s32 $0x0;
	s20 =	sshll.u32 s4, $0x1;
	s4 =	sadd.s32 s21, s2  }
0x9d: {  	[timem:s6], [sflag:s22] =	dma.local [hbm:s4], s20  }
0x9e: {  	_ =	swait.ge [sflag:s22], s20  }
0x9f: {  	s3 =	ssub.s32 $0x0, s20;
	[sflag:s22] =	ssyncset.done $0x0  }
0xa0: {  	[sflag:s22] =	ssyncadd.s32 s3;
	_ =	sdelay $0x1  }
0xa1: {  	s23 =	simm.s32 $0x1B8B  }
0xa2: {  	_ =	swait.ge [sflag:s23], $0x1  }
0xa3: {  	[sflag:s23] =	ssyncset.done $0x0  }
0xa4: {  	s25 =	simm.s32 $0x1B8E;
	s24 =	sld [smem:$0x3FFE];
	[sflag:s23] =	ssyncadd.s32 $0xFFFFFFFF  }
0xa5: {  	s26 =	simm.s32 $execute0_lowered;
	[smem:$0x3FD2] =	sst s25  }
0xa6: {  	s4 =	sshll.u32 s26, $0x1;
	_ =	strace $0x80000046;
	[dreg:$0x1] =	wrdreg $0xFFFFFFFF  }
0xa7: {  	s28 =	simm.s32 $_size_execute0_lowered;
	s2 =	sadd.s32 s2, s4;
	[dreg:$0x0] =	wrdreg $0x0  }
0xa8: {  	s4 =	sshll.u32 s28, $0x1;
	[dreg:$0x2] =	wrdreg s2  }
0xa9: {  	[dreg:$0x3] =	wrdreg s4  }
0xaa: {  	[dreg:$0x4] =	wrdreg $0xC0  }
0xab: {  	_ =	task [dreg:s6], $0x5FFFF  }
0xac: {  	[dreg:$0x1] =	wrdreg $0xFFFFFFFF  }
0xad: {  	[dreg:$0x0] =	wrdreg $0x60  }
0xae: {  	[dreg:$0x2] =	wrdreg s24  }
0xaf: {  	[dreg:$0x3] =	wrdreg $0x9  }
0xb0: {  	_ =	task.clear_ibuf [dreg:s6], $0x4FFFF;
	_ =	strace $0x90000046  }
0xb1: {  	s29 =	simm.s32 $0x9;
	_ =	strace $0x80000048  }
0xb2: {  	_ =	swait.ge [sflag:s29], $0x1  }
0xb3: {  	[sflag:s29] =	ssyncadd.s32 $0xFFFFFFFF  }
0xb4: {  	_ =	strace $0x90000048  }
0xb5: {  	_ =	sfence  }
0xb6: {  	s30 =	sld [smem:$0x0];
	_ =	sdelay $0x2  }
0xb7: {  	s31 =	sshll.u32 s1, $0xD;
	s1 =	sshrl.u32 s1, $0x2  }
0xb8: {  	s3 =	sand.u32 $0x4000, s31;
	s1 =	sadd.s32 s1, s30  }
0xb9: {  	s0 =	sor.u32 s3, s0;
	s1 =	sshll.u32 s1, $0x11  }
0xba: {  	s0 =	sor.u32 s1, s0  }
0xbb: {  	s0 =	sadd.s32 $0x8F2B, s0  }
0xbc: {  	[sflag:s0] =	ssyncadd.remote.s32 $0x1  }
0xbd: {  	_ =	sfence.sel $0xFFFF  }
0xbe: {  	[dreg:$0x0] =	wrdreg $0xFFFFFFFF;
	(pc) =	sbr.abs _section_cstart, $3  }
0xbf: {  	[dreg:$0x1] =	wrdreg $0xFFFFFFFF  }
0xc0: {  	_ =	task.clear_ibuf [dreg:s6], $0x2FFFF;
	_ =	strace $0x9FFFFFFF  }
0xc1: {  	(tm) =	ssettm $0x7FFFFFFF  }
tec
execute0_lowered:
.L_overlay_start_1:
0x0: {  	(tag) =	ssettag $0x1  }
0x1: {  	s1 =	srdreg.scid;
	s0 =	stileid.u32  }
0x2: {  	s5 =	sand.u32 $0x1, s1;
	s31 =	sshll.u32 s0, $0x1  }
0x3: {  	s6 =	sor.u32 s5, s31  }
0x4: {  	s3 =	smul.u32 $0x3E0, s6  }
0x5: {  	s7 =	rddreg [dreg:$0x0];
	s2 =	simm.s32 $0x0;
	s10 =	simm.s32 $0x11B80  }
0x6: {  	s11 =	simm.s32 $0x18800;
	s12 =	simm.s32 $0x19800;
	s3 =	smin.u32 s3, $0x76D8  }
0x7: {  	s13 =	simm.s32 $0x0;
	[smem:$0x7FF] =	sst s2;
	s8 =	smul.u32 $0x1C, s3  }
0x8: {  	s1 =	rddreg [dreg:$0x1];
	s4 =	sadd.s32 $0xE00, s7;
	_ =	strace $0x80000047  }
0x9: {  	v0 =	vlaneseq.u32;
	s5 =	ssub.s32 $0x2, s5;
	s6 =	sshll.u32 s6, $0x9;
	s8 =	sshrl.u32 s8, $0x3  }
0xa: {  	v0 =	vmul.u32 $0x1C, v0;
	s9 =	sshrl.u32 s5, $0x1;
	s8 =	sadd.s32 s8, s7;
	s7 =	sadd.s32 s6, s7  }
0xb: {  	s9 =	ssub.s32 s5, s9;
	s5 =	sadd.s32 $0x3200, s8;
	s6 =	sadd.s32 $0x1E000, s7  }
0xc: {  	[tilespmem:$0x1FFF0] =	vst v0;
	s7 =	sadd.s32 $0x22000, s7;
	s8 =	smax.u32 s9, $0x1;
	s9 =	simm.s32 $0x1  }
.LBB2_1:
0xd: {  	[tilespmem:s2], [sflag:$0x1] =	stream.linear.gather [hbm4b:s4+s2], $0x11B80, $0x38;
	[tilespmem:$0x1A800] =	vst v63  }
0xe: {  	_ =	swait.ge [sflag:s9], $0x11B80  }
0xf: {  	[sflag:s9] =	ssyncset.done $0x0  }
0x10: {  	[sflag:s9] =	ssyncadd.s32 $0xFFFEE480  }
0x11: {  	[tilespmem:s10], [sflag:$0x1] =	stream.linear.gather [hbm4b:s5+s2], $0x6C80, $0x38;
	[tilespmem:$0x1A800] =	vst v63  }
0x12: {  	_ =	swait.ge [sflag:s9], $0x6C80  }
0x13: {  	[sflag:s9] =	ssyncset.done $0x0  }
0x14: {  	v0 =	vimm.f32 $-Inf;
	[sflag:s9] =	ssyncadd.s32 $0xFFFF9380  }
0x15: {  	v1 =	vimm.s32 $0x0;
	[tilespmem:$0x18800] =	vst v0  }
0x16: {  	[tilespmem:$0x19800] =	vst v1  }
0x17: {  	[tilespmem:$0x18880] =	vst v0  }
0x18: {  	[tilespmem:$0x19880] =	vst v1  }
0x19: {  	[tilespmem:$0x18900] =	vst v0  }
0x1a: {  	[tilespmem:$0x19900] =	vst v1  }
0x1b: {  	[tilespmem:$0x18980] =	vst v0  }
0x1c: {  	[tilespmem:$0x19980] =	vst v1  }
0x1d: {  	[tilespmem:$0x18A00] =	vst v0  }
0x1e: {  	[tilespmem:$0x19A00] =	vst v1  }
0x1f: {  	[tilespmem:$0x18A80] =	vst v0  }
0x20: {  	[tilespmem:$0x19A80] =	vst v1  }
0x21: {  	[tilespmem:$0x18B00] =	vst v0  }
0x22: {  	[tilespmem:$0x19B00] =	vst v1  }
0x23: {  	[tilespmem:$0x18B80] =	vst v0  }
0x24: {  	[tilespmem:$0x19B80] =	vst v1  }
0x25: {  	[tilespmem:$0x18C00] =	vst v0  }
0x26: {  	[tilespmem:$0x19C00] =	vst v1  }
0x27: {  	[tilespmem:$0x18C80] =	vst v0  }
0x28: {  	[tilespmem:$0x19C80] =	vst v1  }
0x29: {  	[tilespmem:$0x18D00] =	vst v0  }
0x2a: {  	[tilespmem:$0x19D00] =	vst v1  }
0x2b: {  	[tilespmem:$0x18D80] =	vst v0  }
0x2c: {  	[tilespmem:$0x19D80] =	vst v1  }
0x2d: {  	[tilespmem:$0x18E00] =	vst v0  }
0x2e: {  	[tilespmem:$0x19E00] =	vst v1  }
0x2f: {  	[tilespmem:$0x18E80] =	vst v0  }
0x30: {  	[tilespmem:$0x19E80] =	vst v1  }
0x31: {  	[tilespmem:$0x18F00] =	vst v0  }
0x32: {  	[tilespmem:$0x19F00] =	vst v1  }
0x33: {  	[tilespmem:$0x18F80] =	vst v0  }
0x34: {  	[tilespmem:$0x19F80] =	vst v1  }
0x35: {  	[tilespmem:$0x19000] =	vst v0  }
0x36: {  	[tilespmem:$0x1A000] =	vst v1  }
0x37: {  	[tilespmem:$0x19080] =	vst v0  }
0x38: {  	[tilespmem:$0x1A080] =	vst v1  }
0x39: {  	[tilespmem:$0x19100] =	vst v0  }
0x3a: {  	[tilespmem:$0x1A100] =	vst v1  }
0x3b: {  	[tilespmem:$0x19180] =	vst v0  }
0x3c: {  	[tilespmem:$0x1A180] =	vst v1  }
0x3d: {  	[tilespmem:$0x19200] =	vst v0  }
0x3e: {  	[tilespmem:$0x1A200] =	vst v1  }
0x3f: {  	[tilespmem:$0x19280] =	vst v0  }
0x40: {  	[tilespmem:$0x1A280] =	vst v1  }
0x41: {  	[tilespmem:$0x19300] =	vst v0  }
0x42: {  	[tilespmem:$0x1A300] =	vst v1  }
0x43: {  	[tilespmem:$0x19380] =	vst v0  }
0x44: {  	[tilespmem:$0x1A380] =	vst v1  }
0x45: {  	[tilespmem:$0x19400] =	vst v0  }
0x46: {  	[tilespmem:$0x1A400] =	vst v1  }
0x47: {  	[tilespmem:$0x19480] =	vst v0  }
0x48: {  	[tilespmem:$0x1A480] =	vst v1  }
0x49: {  	[tilespmem:$0x19500] =	vst v0  }
0x4a: {  	[tilespmem:$0x1A500] =	vst v1  }
0x4b: {  	[tilespmem:$0x19580] =	vst v0  }
0x4c: {  	[tilespmem:$0x1A580] =	vst v1  }
0x4d: {  	[tilespmem:$0x19600] =	vst v0  }
0x4e: {  	[tilespmem:$0x1A600] =	vst v1  }
0x4f: {  	[tilespmem:$0x19680] =	vst v0  }
0x50: {  	[tilespmem:$0x1A680] =	vst v1  }
0x51: {  	[tilespmem:$0x19700] =	vst v0  }
0x52: {  	[tilespmem:$0x1A700] =	vst v1  }
0x53: {  	[tilespmem:$0x19780] =	vst v0  }
0x54: {  	s14 =	simm.s32 $0x0;
	[tilespmem:$0x1A780] =	vst v1  }
.LBB2_2:
0x55: {  	v0 =	vld [tilespmem:$0x1FFF0];
	_ =	sdelay $0x2  }
0x56: {  	s15 =	smul.u32 $0x1C0, s14;
	_ =	sdelay $0x1  }
0x57: {  	s31 =	simm.s32 $0x1;
	v1 =	vadd.s32 s15, v0  }
0x58: {  	v0 =	vadd.s32 s31, v1;
	_ =	sdelay $0x4  }
0x59: {  	v0 =	vld.idx.msk [tilespmem:v0+s10+$0x0], $0xffff;
	_ =	sdelay $0x3  }
0x5a: {  	s15 =	simm.s32 $0x0  }
0x5b: {  	v44 =	vadd.s32 s15, v0  }
0x5c: {  	v0 =	vadd.s32 $0x51, v44;
	_ =	sdelay $0x4  }
0x5d: {  	v7 =	vld.idx.msk [tilespmem:v0+s2+$0x0], $0xffff;
	v0 =	vadd.s32 $0x2C9D, v44  }
0x5e: {  	v8 =	vadd.s32 $0x3E55, v44;
	_ =	sdelay $0x1  }
0x5f: {  	v5 =	vadd.s32 $0x23C1, v44  }
0x60: {  	v9 =	vadd.s32 $0x4731, v44  }
0x61: {  	v58 =	vld.idx.msk [tilespmem:v0+s2+$0x0], $0xffff;
	v0 =	vadd.s32 $0x58E9, v44  }
0x62: {  	v56 =	vld.idx.msk [tilespmem:v8+s2+$0x0], $0xffff;
	v8 =	vadd.s32 $0x6AA1, v44;
	_ =	sdelay $0x1  }
0x63: {  	v59 =	vld.idx.msk [tilespmem:v5+s2+$0x0], $0xffff;
	v5 =	vadd.s32 $0x500D, v44  }
0x64: {  	v55 =	vld.idx.msk [tilespmem:v9+s2+$0x0], $0xffff;
	v9 =	vadd.s32 $0x737D, v44  }
0x65: {  	v52 =	vld.idx.msk [tilespmem:v0+s2+$0x0], $0xffff;
	v0 =	vadd.s32 $0x8535, v44  }
0x66: {  	v47 =	vld.idx.msk [tilespmem:v8+s2+$0x0], $0xffff;
	v8 =	vadd.s32 $0x96ED, v44;
	_ =	sdelay $0x1  }
0x67: {  	s16 =	simm.s32 $0x0;
	v54 =	vld.idx.msk [tilespmem:v5+s2+$0x0], $0xffff  }
0x68: {  	[tilespmem:$0x1FF10] =	vst v1;
	v1 =	vadd.s32 s16, v1;
	v45 =	vld.idx.msk [tilespmem:v9+s2+$0x0], $0xffff  }
0x69: {  	v5 =	vadd.s32 $0x7C59, v44;
	v41 =	vld.idx.msk [tilespmem:v0+s2+$0x0], $0xffff  }
0x6a: {  	v9 =	vadd.s32 $0x9FC9, v44;
	v0 =	vld.idx.msk [tilespmem:v8+s2+$0x0], $0xffff;
	_ =	sdelay $0x2  }
0x6b: {  	v1 =	vld.idx.msk [tilespmem:v1+s10+$0x0], $0xffff  }
0x6c: {  	v42 =	vld.idx.msk [tilespmem:v5+s2+$0x0], $0xffff  }
0x6d: {  	v5 =	vadd.s32 $0xA8A5, v44;
	[tilespmem:$0x1FF20] =	vst v0;
	v0 =	vld.idx.msk [tilespmem:v9+s2+$0x0], $0xffff;
	_ =	sdelay $0x4  }
0x6e: {  	[tilespmem:$0x1FF30] =	vst v0;
	v0 =	vadd.s32 s15, v1;
	v1 =	vld.idx.msk [tilespmem:v5+s2+$0x0], $0xffff;
	_ =	sdelay $0x4  }
0x6f: {  	[tilespmem:$0x1FF40] =	vst v1;
	v1 =	vadd.s32 $0x8DC, v0;
	_ =	sdelay $0x1  }
0x70: {  	v2 =	vadd.s32 $0x92D, v44;
	_ =	sdelay $0x2  }
0x71: {  	v1 =	vld.idx.msk [tilespmem:v1+s2+$0x0], $0xffff  }
0x72: {  	v6 =	vadd.s32 $0x3579, v44  }
0x73: {  	v15 =	vadd.s32 $0xDDCD, v44;
	v21 =	vld.idx.msk [tilespmem:v2+s2+$0x0], $0xffff;
	_ =	sdelay $0x1  }
0x74: {  	v18 =	vimm.f32 $0.0e+00  }
0x75: {  	v1 =	vadd.f32 v1, v18  }
0x76: {  	v57 =	vld.idx.msk [tilespmem:v6+s2+$0x0], $0xffff;
	v6 =	vadd.s32 $0x61C5, v44  }
0x77: {  	v16 =	vadd.s32 $0xE6A9, v44;
	v50 =	vadd.f32 v21, v1;
	v1 =	vld.idx.msk [tilespmem:v15+s2+$0x0], $0xffff;
	_ =	sdelay $0x3  }
0x78: {  	v51 =	vld.idx.msk [tilespmem:v6+s2+$0x0], $0xffff;
	v6 =	vadd.s32 $0x8E11, v44  }
0x79: {  	v17 =	vadd.s32 $0xEF85, v44;
	[tilespmem:$0x1FF80] =	vst v1;
	v1 =	vld.idx.msk [tilespmem:v16+s2+$0x0], $0xffff;
	_ =	sdelay $0x1  }
0x7a: {  	v3 =	vadd.s32 $0x1209, v44  }
0x7b: {  	v10 =	vadd.s32 $0xB181, v44  }
0x7c: {  	v31 =	vld.idx.msk [tilespmem:v6+s2+$0x0], $0xffff;
	v6 =	vadd.s32 $0xBA5D, v44  }
0x7d: {  	v25 =	vadd.s32 $0xF861, v44;
	[tilespmem:$0x1FF90] =	vst v1;
	v1 =	vld.idx.msk [tilespmem:v17+s2+$0x0], $0xffff  }
0x7e: {  	v8 =	vadd.s32 $0xC339, v44  }
0x7f: {  	v20 =	vld.idx.msk [tilespmem:v3+s2+$0x0], $0xffff  }
0x80: {  	v33 =	vld.idx.msk [tilespmem:v10+s2+$0x0], $0xffff;
	v5 =	vadd.s32 $0x11B8, v0  }
0x81: {  	v29 =	vld.idx.msk [tilespmem:v6+s2+$0x0], $0xffff;
	v6 =	vadd.s32 $0x1A94, v0  }
0x82: {  	v27 =	vadd.s32 $0x1013D, v44;
	[tilespmem:$0x1FFA0] =	vst v1;
	v1 =	vld.idx.msk [tilespmem:v25+s2+$0x0], $0xffff  }
0x83: {  	v2 =	vld.idx.msk [tilespmem:v8+s2+$0x0], $0xffff;
	v8 =	vadd.s32 $0x2370, v0  }
0x84: {  	v10 =	vadd.s32 $0x2C4C, v0;
	v9 =	vld.idx.msk [tilespmem:v0+s2+$0x0], $0xffff  }
0x85: {  	v13 =	vadd.s32 $0xCC15, v44;
	v5 =	vld.idx.msk [tilespmem:v5+s2+$0x0], $0xffff  }
0x86: {  	v11 =	vadd.s32 $0x3528, v0;
	v6 =	vld.idx.msk [tilespmem:v6+s2+$0x0], $0xffff  }
0x87: {  	v12 =	vadd.s32 $0x3E04, v0;
	[tilespmem:$0x1FFB0] =	vst v1;
	v1 =	vld.idx.msk [tilespmem:v27+s2+$0x0], $0xffff  }
0x88: {  	v37 =	vimm.f32 $0.0e+00;
	[tilespmem:$0x1FF50] =	vst v2;
	v2 =	vadd.s32 $0x6174, v0;
	v19 =	vld.idx.msk [tilespmem:v8+s2+$0x0], $0xffff  }
0x89: {  	v46 =	vimm.f32 $0.0e+00;
	v43 =	vimm.f32 $0.0e+00;
	v10 =	vld.idx.msk [tilespmem:v10+s2+$0x0], $0xffff;
	v8 =	vadd.s32 $0x6A50, v0  }
0x8a: {  	v40 =	vimm.f32 $0.0e+00;
	v14 =	vadd.s32 $0xD4F1, v44;
	[tilespmem:$0x1FFE0] =	vst v8;
	v8 =	vadd.f32 v9, v18;
	v9 =	vld.idx.msk [tilespmem:v13+s2+$0x0], $0xffff  }
0x8b: {  	v39 =	vimm.f32 $0.0e+00;
	v36 =	vimm.f32 $0.0e+00;
	v4 =	vadd.s32 $0x1AE5, v44;
	v11 =	vld.idx.msk [tilespmem:v11+s2+$0x0], $0xffff  }
0x8c: {  	v35 =	vimm.f32 $0.0e+00;
	v34 =	vimm.f32 $0.0e+00;
	v12 =	vld.idx.msk [tilespmem:v12+s2+$0x0], $0xffff;
	[tilespmem:$0x1FFC0] =	vst v1;
	v1 =	vimm.f32 $0.0e+00  }
0x8d: {  	v32 =	vimm.f32 $0.0e+00;
	v30 =	vimm.f32 $0.0e+00;
	v26 =	vimm.f32 $0.0e+00;
	[tilespmem:$0x1FFD0] =	vst v1;
	v1 =	vld.idx.msk [tilespmem:v2+s2+$0x0], $0xffff  }
0x8e: {  	v24 =	vimm.f32 $0.0e+00;
	v23 =	vimm.f32 $0.0e+00;
	v38 =	vadd.s32 $0x4FBC, v0;
	v2 =	vld [tilespmem:$0x1FFE0]  }
0x8f: {  	v22 =	vimm.f32 $0.0e+00;
	v3 =	vadd.s32 $0x5898, v0;
	[tilespmem:$0x1FF60] =	vst v9;
	v9 =	vadd.f32 v6, v18;
	v6 =	vld.idx.msk [tilespmem:v14+s2+$0x0], $0xffff  }
0x90: {  	v4 =	vld.idx.msk [tilespmem:v4+s2+$0x0], $0xffff;
	v28 =	vadd.s32 $0x46E0, v0;
	v5 =	vadd.f32 v5, v18;
	v60 =	vadd.f32 v19, v18  }
0x91: {  	v13 =	vadd.s32 $0x732C, v0;
	v61 =	vadd.f32 v10, v18;
	v62 =	vadd.f32 v11, v18  }
0x92: {  	v63 =	vadd.f32 v12, v18;
	v10 =	vadd.s32 $0x9F78, v0;
	v19 =	vimm.f32 $0.0e+00  }
0x93: {  	v53 =	vadd.f32 v7, v8;
	v7 =	vadd.s32 $0x84E4, v0;
	v49 =	vadd.f32 v20, v5;
	v5 =	vld.idx.msk [tilespmem:v38+s2+$0x0], $0xffff  }
0x94: {  	v8 =	vadd.s32 $0x8DC0, v0;
	v38 =	vld.idx.msk [tilespmem:v3+s2+$0x0], $0xffff;
	v20 =	vimm.f32 $0.0e+00;
	[tilespmem:$0x1FF70] =	vst v6;
	v6 =	vadd.s32 $0x7C08, v0  }
0x95: {  	v18 =	vimm.f32 $0.0e+00;
	v48 =	vadd.f32 v4, v9;
	v9 =	vadd.s32 $0x969C, v0;
	v4 =	vld.idx.msk [tilespmem:v28+s2+$0x0], $0xffff  }
0x96: {  	v28 =	vimm.f32 $0.0e+00;
	v21 =	vimm.f32 $0.0e+00;
	v16 =	vimm.f32 $0.0e+00;
	v3 =	vld.idx.msk [tilespmem:v2+s2+$0x0], $0xffff  }
0x97: {  	s16 =	simm.s32 $0x3;
	v17 =	vimm.f32 $0.0e+00;
	v25 =	vimm.f32 $0.0e+00;
	v27 =	vimm.f32 $0.0e+00;
	v2 =	vld.idx.msk [tilespmem:v13+s2+$0x0], $0xffff  }
.LBB2_3:
0x98: {  	_ = 	snop  }
0x99: {  	v6 =	vld.idx.msk [tilespmem:v6+s2+$0x0], $0xffff;
	v1 =	vadd.f32 v1, v40  }
0x9a: {  	v7 =	vld.idx.msk [tilespmem:v7+s2+$0x0], $0xffff;
	v61 =	vadd.f32 v58, v61  }
0x9b: {  	v58 =	vadd.s32 $0xB130, v0;
	v40 =	vadd.f32 v51, v1;
	v1 =	vadd.f32 v3, v39;
	v3 =	vld [tilespmem:$0x1FFD0];
	_ =	sdelay $0x2  }
0x9c: {  	v12 =	vadd.f32 v59, v60  }
0x9d: {  	v11 =	vadd.s32 $0xA854, v0;
	v8 =	vld.idx.msk [tilespmem:v8+s2+$0x0], $0xffff;
	v60 =	vadd.f32 v57, v62;
	v6 =	vadd.f32 v6, v36  }
0x9e: {  	[tilespmem:$0x1FEE0] =	vst v12;
	v12 =	vadd.s32 $0xC2E8, v0;
	v7 =	vadd.f32 v7, v35;
	v2 =	vadd.f32 v2, v3;
	v3 =	vld.idx.msk [tilespmem:v58+s2+$0x0], $0xffff  }
0x9f: {  	v4 =	vadd.f32 v4, v37;
	v9 =	vld.idx.msk [tilespmem:v9+s2+$0x0], $0xffff  }
0xa0: {  	v10 =	vld.idx.msk [tilespmem:v10+s2+$0x0], $0xffff;
	[tilespmem:$0x1FEF0] =	vst v60;
	v60 =	vadd.f32 v42, v6;
	v6 =	vadd.f32 v41, v7  }
0xa1: {  	v37 =	vadd.f32 v55, v4;
	v38 =	vadd.f32 v38, v43  }
0xa2: {  	v5 =	vadd.f32 v5, v46;
	v4 =	vld.idx.msk [tilespmem:v11+s2+$0x0], $0xffff;
	v11 =	vadd.s32 $0xDD7C, v0;
	[tilespmem:$0x1FF00] =	vst v6;
	v6 =	vadd.f32 v8, v34  }
0xa3: {  	v13 =	vadd.s32 $0xCBC4, v0;
	v43 =	vadd.f32 v52, v38;
	v52 =	vld.idx.msk [tilespmem:v12+s2+$0x0], $0xffff;
	v3 =	vadd.f32 v3, v27  }
0xa4: {  	v7 =	vadd.f32 v9, v32;
	v36 =	vadd.f32 v31, v6;
	v6 =	vld [tilespmem:$0x1FF20]  }
0xa5: {  	v9 =	vadd.f32 v10, v30;
	v30 =	vadd.f32 v33, v3;
	v3 =	vld [tilespmem:$0x1FF50]  }
0xa6: {  	v39 =	vadd.f32 v47, v1;
	v1 =	vadd.f32 v45, v2  }
0xa7: {  	v62 =	vadd.s32 $0xBA0C, v0;
	v10 =	vld.idx.msk [tilespmem:v11+s2+$0x0], $0xffff  }
0xa8: {  	v46 =	vadd.f32 v54, v5;
	v5 =	vadd.s32 $0xD4A0, v0;
	[tilespmem:$0x1FFD0] =	vst v1;
	v1 =	vld.idx.msk [tilespmem:v13+s2+$0x0], $0xffff;
	v13 =	vadd.f32 v52, v25  }
0xa9: {  	v34 =	vadd.f32 v6, v7;
	v7 =	vld [tilespmem:$0x1FF30]  }
0xaa: {  	v4 =	vadd.f32 v4, v28;
	v28 =	vadd.f32 v3, v13;
	v3 =	vld [tilespmem:$0x1FF60];
	_ =	sdelay $0x1  }
0xab: {  	v14 =	vld.idx.msk [tilespmem:v62+s2+$0x0], $0xffff  }
0xac: {  	v5 =	vld.idx.msk [tilespmem:v5+s2+$0x0], $0xffff;
	v1 =	vadd.f32 v1, v24  }
0xad: {  	v62 =	vadd.f32 v7, v9;
	v7 =	vld [tilespmem:$0x1FF40]  }
0xae: {  	v27 =	vadd.f32 v3, v1;
	v3 =	vadd.f32 v10, v22;
	v10 =	vld [tilespmem:$0x1FF70];
	_ =	sdelay $0x1  }
0xaf: {  	v35 =	vadd.s32 $0xE658, v0  }
0xb0: {  	v59 =	vld [tilespmem:$0x1FF10];
	v11 =	vadd.s32 $0x109C8, v0;
	v1 =	vadd.f32 v5, v23  }
0xb1: {  	v57 =	vadd.s32 $0xEF34, v0;
	v32 =	vadd.f32 v7, v4  }
0xb2: {  	v7 =	vadd.f32 v14, v26;
	v26 =	vadd.f32 v10, v1;
	v1 =	vld [tilespmem:$0x1FF80]  }
0xb3: {  	v2 =	vadd.s32 $0xF810, v0  }
0xb4: {  	v58 =	vld.idx.msk [tilespmem:v35+s2+$0x0], $0xffff;
	v9 =	vadd.s32 $0x112F5, v44  }
0xb5: {  	v31 =	vadd.s32 s16, v59;
	v11 =	vld.idx.msk [tilespmem:v11+s2+$0x0], $0xffff  }
0xb6: {  	v6 =	vld.idx.msk [tilespmem:v57+s2+$0x0], $0xffff;
	v4 =	vadd.s32 $0x10A19, v44  }
0xb7: {  	v25 =	vadd.f32 v1, v3;
	v1 =	vld [tilespmem:$0x1FF90]  }
0xb8: {  	v2 =	vld.idx.msk [tilespmem:v2+s2+$0x0], $0xffff  }
0xb9: {  	v35 =	vadd.f32 v29, v7;
	v7 =	vld.idx.msk [tilespmem:v9+s2+$0x0], $0xffff  }
0xba: {  	v5 =	vadd.f32 v58, v21;
	v9 =	vld.idx.msk [tilespmem:v31+s10+$0x0], $0xffff  }
0xbb: {  	v4 =	vld.idx.msk [tilespmem:v4+s2+$0x0], $0xffff  }
0xbc: {  	v8 =	vadd.s32 $0x100EC, v0;
	v0 =	vadd.s32 $0x112A4, v0;
	v24 =	vadd.f32 v1, v5;
	v1 =	vld [tilespmem:$0x1FFA0];
	_ =	sdelay $0x1  }
0xbd: {  	s15 =	sadd.s32 $0xA2, s15;
	v3 =	vadd.f32 v11, v17;
	v5 =	vld [tilespmem:$0x1FFB0]  }
0xbe: {  	v6 =	vadd.f32 v6, v20;
	v44 =	vadd.s32 s15, v9  }
0xbf: {  	v20 =	vadd.f32 v4, v3;
	v4 =	vadd.s32 $0x1AE5, v44  }
0xc0: {  	v0 =	vld.idx.msk [tilespmem:v0+s2+$0x0], $0xffff;
	v23 =	vadd.f32 v1, v6;
	v1 =	vadd.f32 v2, v19  }
0xc1: {  	v8 =	vld.idx.msk [tilespmem:v8+s2+$0x0], $0xffff  }
0xc2: {  	v22 =	vadd.f32 v5, v1;
	v5 =	vadd.s32 $0x23C1, v44;
	_ =	sdelay $0x1  }
0xc3: {  	v9 =	vld.idx.msk [tilespmem:v4+s2+$0x0], $0xffff;
	v4 =	vadd.s32 $0x4731, v44  }
0xc4: {  	v0 =	vadd.f32 v0, v16  }
0xc5: {  	s17 =	sadd.s32 $0xFFFFFFFF, s16;
	v2 =	vadd.f32 v8, v18;
	v8 =	vadd.s32 $0x3E55, v44  }
0xc6: {  	v19 =	vadd.f32 v7, v0;
	v0 =	vadd.s32 s17, v59;
	v59 =	vld.idx.msk [tilespmem:v5+s2+$0x0], $0xffff;
	v5 =	vadd.s32 $0x500D, v44  }
0xc7: {  	v6 =	vadd.s32 $0x2C9D, v44  }
0xc8: {  	v55 =	vld.idx.msk [tilespmem:v4+s2+$0x0], $0xffff;
	v4 =	vadd.s32 $0x737D, v44;
	_ =	sdelay $0x1  }
0xc9: {  	v63 =	vadd.f32 v56, v63;
	v56 =	vld.idx.msk [tilespmem:v8+s2+$0x0], $0xffff;
	v8 =	vadd.s32 $0x6AA1, v44  }
0xca: {  	v54 =	vld.idx.msk [tilespmem:v5+s2+$0x0], $0xffff;
	v5 =	vadd.s32 $0x7C59, v44  }
0xcb: {  	v58 =	vld.idx.msk [tilespmem:v6+s2+$0x0], $0xffff;
	v6 =	vadd.s32 $0x58E9, v44  }
0xcc: {  	v45 =	vld.idx.msk [tilespmem:v4+s2+$0x0], $0xffff;
	v4 =	vadd.s32 $0x9FC9, v44  }
0xcd: {  	v7 =	vadd.s32 $0x3579, v44  }
0xce: {  	v47 =	vld.idx.msk [tilespmem:v8+s2+$0x0], $0xffff;
	v8 =	vadd.s32 $0x96ED, v44  }
0xcf: {  	v42 =	vld.idx.msk [tilespmem:v5+s2+$0x0], $0xffff;
	v5 =	vadd.s32 $0xA8A5, v44  }
0xd0: {  	v52 =	vld.idx.msk [tilespmem:v6+s2+$0x0], $0xffff;
	v6 =	vadd.s32 $0x8535, v44  }
0xd1: {  	v4 =	vld.idx.msk [tilespmem:v4+s2+$0x0], $0xffff  }
0xd2: {  	v57 =	vld.idx.msk [tilespmem:v7+s2+$0x0], $0xffff;
	v7 =	vadd.s32 $0x61C5, v44  }
0xd3: {  	v8 =	vld.idx.msk [tilespmem:v8+s2+$0x0], $0xffff  }
0xd4: {  	v5 =	vld.idx.msk [tilespmem:v5+s2+$0x0], $0xffff  }
0xd5: {  	v41 =	vld.idx.msk [tilespmem:v6+s2+$0x0], $0xffff;
	v6 =	vadd.s32 $0xB181, v44  }
0xd6: {  	[tilespmem:$0x1FF30] =	vst v4;
	v4 =	vadd.s32 $0xCC15, v44  }
0xd7: {  	v51 =	vld.idx.msk [tilespmem:v7+s2+$0x0], $0xffff;
	v7 =	vadd.s32 $0x8E11, v44  }
0xd8: {  	v1 =	vld [tilespmem:$0x1FFC0];
	[tilespmem:$0x1FF20] =	vst v8;
	v8 =	vadd.s32 $0xC339, v44  }
0xd9: {  	v0 =	vld.idx.msk [tilespmem:v0+s10+$0x0], $0xffff;
	[tilespmem:$0x1FF40] =	vst v5;
	v5 =	vadd.s32 $0xD4F1, v44  }
0xda: {  	v33 =	vld.idx.msk [tilespmem:v6+s2+$0x0], $0xffff;
	v6 =	vadd.s32 $0xDDCD, v44  }
0xdb: {  	v4 =	vld.idx.msk [tilespmem:v4+s2+$0x0], $0xffff  }
0xdc: {  	v31 =	vld.idx.msk [tilespmem:v7+s2+$0x0], $0xffff;
	v7 =	vadd.s32 $0xBA5D, v44  }
0xdd: {  	v8 =	vld.idx.msk [tilespmem:v8+s2+$0x0], $0xffff  }
0xde: {  	v3 =	vadd.s32 $0x1209, v44;
	v5 =	vld.idx.msk [tilespmem:v5+s2+$0x0], $0xffff  }
0xdf: {  	v21 =	vadd.f32 v1, v2;
	v1 =	vadd.s32 $0x51, v44;
	v6 =	vld.idx.msk [tilespmem:v6+s2+$0x0], $0xffff  }
0xe0: {  	[tilespmem:$0x1FF60] =	vst v4;
	v4 =	vadd.s32 $0xF861, v44  }
0xe1: {  	v29 =	vld.idx.msk [tilespmem:v7+s2+$0x0], $0xffff;
	v7 =	vadd.s32 $0xE6A9, v44  }
0xe2: {  	[tilespmem:$0x1FF50] =	vst v8;
	v8 =	vadd.s32 $0xEF85, v44  }
0xe3: {  	v3 =	vld.idx.msk [tilespmem:v3+s2+$0x0], $0xffff;
	v0 =	vadd.s32 s15, v0;
	[tilespmem:$0x1FF70] =	vst v5;
	v5 =	vadd.s32 $0x1013D, v44  }
0xe4: {  	v1 =	vld.idx.msk [tilespmem:v1+s2+$0x0], $0xffff;
	[tilespmem:$0x1FF80] =	vst v6;
	v6 =	vadd.s32 $0x8DC, v0  }
0xe5: {  	v2 =	vadd.s32 $0x92D, v44;
	v4 =	vld.idx.msk [tilespmem:v4+s2+$0x0], $0xffff  }
0xe6: {  	v10 =	vadd.s32 $0x2C4C, v0;
	v7 =	vld.idx.msk [tilespmem:v7+s2+$0x0], $0xffff  }
0xe7: {  	v11 =	vadd.s32 $0x3528, v0;
	v8 =	vld.idx.msk [tilespmem:v8+s2+$0x0], $0xffff  }
0xe8: {  	v5 =	vld.idx.msk [tilespmem:v5+s2+$0x0], $0xffff  }
0xe9: {  	v38 =	vadd.s32 $0x3E04, v0;
	v6 =	vld.idx.msk [tilespmem:v6+s2+$0x0], $0xffff  }
0xea: {  	v2 =	vld.idx.msk [tilespmem:v2+s2+$0x0], $0xffff;
	[tilespmem:$0x1FFB0] =	vst v4;
	v4 =	vadd.s32 $0x2370, v0  }
0xeb: {  	v10 =	vld.idx.msk [tilespmem:v10+s2+$0x0], $0xffff  }
0xec: {  	v11 =	vld.idx.msk [tilespmem:v11+s2+$0x0], $0xffff;
	[tilespmem:$0x1FF90] =	vst v7;
	v7 =	vadd.s32 $0x11B8, v0  }
0xed: {  	v12 =	vadd.s32 $0x46E0, v0;
	[tilespmem:$0x1FFC0] =	vst v5;
	v5 =	vld.idx.msk [tilespmem:v0+s2+$0x0], $0xffff  }
0xee: {  	v17 =	vld.idx.msk [tilespmem:v38+s2+$0x0], $0xffff;
	[tilespmem:$0x1FFA0] =	vst v8;
	v8 =	vadd.s32 $0x1A94, v0;
	v50 =	vadd.f32 v6, v50  }
0xef: {  	v16 =	vadd.s32 $0x6174, v0;
	v13 =	vld.idx.msk [tilespmem:v4+s2+$0x0], $0xffff  }
0xf0: {  	v50 =	vadd.f32 v2, v50;
	v2 =	vld [tilespmem:$0x1FEE0]  }
0xf1: {  	v15 =	vadd.s32 $0x5898, v0;
	v7 =	vld.idx.msk [tilespmem:v7+s2+$0x0], $0xffff  }
0xf2: {  	v14 =	vadd.s32 $0x4FBC, v0;
	v4 =	vld.idx.msk [tilespmem:v12+s2+$0x0], $0xffff;
	v53 =	vadd.f32 v5, v53  }
0xf3: {  	v18 =	vadd.s32 $0x6A50, v0;
	v61 =	vadd.f32 v10, v61;
	v12 =	vadd.s32 $0x732C, v0;
	v8 =	vld.idx.msk [tilespmem:v8+s2+$0x0], $0xffff  }
0xf4: {  	v53 =	vadd.f32 v1, v53;
	v1 =	vld.idx.msk [tilespmem:v16+s2+$0x0], $0xffff;
	v16 =	vmovc v19;
	v19 =	vmovc v22;
	v22 =	vmov v25;
	v25 =	vmov v28  }
0xf5: {  	p0 =	sne.s32 s16, $0x1B;
	v28 =	vmovc v32;
	v32 =	vmovc v34;
	v34 =	vmov v36;
	v36 =	vmov v60;
	v60 =	vadd.f32 v13, v2;
	v2 =	vld [tilespmem:$0x1FEF0]  }
.Ltmp0:
0xf6: {  	v38 =	vld.idx.msk [tilespmem:v15+s2+$0x0], $0xffff;
	v63 =	vadd.f32 v17, v63;
	v17 =	vmov v20;
	v49 =	vadd.f32 v7, v49;
	(pc) =	sbr.rel @p0 .LBB2_3-.Ltmp0, $4  }
0xf7: {  	v20 =	vmovc v23;
	v23 =	vmovc v26;
	v26 =	vmov v35;
	v35 =	vld [tilespmem:$0x1FF00];
	v10 =	vadd.s32 $0x9F78, v0;
	v6 =	vadd.s32 $0x7C08, v0  }
0xf8: {  	v7 =	vadd.s32 $0x84E4, v0;
	v49 =	vadd.f32 v3, v49;
	v3 =	vld.idx.msk [tilespmem:v18+s2+$0x0], $0xffff;
	v48 =	vadd.f32 v8, v48  }
0xf9: {  	v18 =	vmovc v21;
	v21 =	vmovc v24;
	v24 =	vmov v27;
	v27 =	vmov v30;
	v8 =	vadd.s32 $0x8DC0, v0;
	v5 =	vld.idx.msk [tilespmem:v14+s2+$0x0], $0xffff  }
0xfa: {  	s16 =	sadd.s32 $0x2, s16;
	v30 =	vmovc v62;
	v48 =	vadd.f32 v9, v48;
	v9 =	vadd.s32 $0x969C, v0;
	v62 =	vadd.f32 v11, v2;
	v2 =	vld.idx.msk [tilespmem:v12+s2+$0x0], $0xffff  }
0xfb: {  	_ =	sdelay $0x3  }
0xfc: {  	v6 =	vld.idx.msk [tilespmem:v6+s2+$0x0], $0xffff;
	_ =	sdelay $0x4  }
0xfd: {  	[tilespmem:$0x1FDC0] =	vst v6;
	v6 =	vadd.s32 $0xA854, v0  }
0xfe: {  	v7 =	vld.idx.msk [tilespmem:v7+s2+$0x0], $0xffff  }
0xff: {  	v8 =	vld.idx.msk [tilespmem:v8+s2+$0x0], $0xffff  }
0x100: {  	v14 =	vadd.s32 $0xB130, v0;
	v9 =	vld.idx.msk [tilespmem:v9+s2+$0x0], $0xffff  }
0x101: {  	v15 =	vadd.s32 $0xBA0C, v0;
	v10 =	vld.idx.msk [tilespmem:v10+s2+$0x0], $0xffff  }
0x102: {  	v4 =	vadd.f32 v4, v37;
	v6 =	vld.idx.msk [tilespmem:v6+s2+$0x0], $0xffff  }
0x103: {  	v13 =	vadd.s32 $0xCBC4, v0;
	v1 =	vadd.f32 v1, v40;
	v40 =	vld [tilespmem:$0x19F80]  }
0x104: {  	v12 =	vadd.s32 $0xC2E8, v0;
	v4 =	vadd.f32 v55, v4;
	v55 =	vld [tilespmem:$0x18E00]  }
0x105: {  	[tilespmem:$0x1FDD0] =	vst v7;
	v7 =	vld.idx.msk [tilespmem:v14+s2+$0x0], $0xffff;
	v14 =	vadd.s32 $0xDD7C, v0  }
0x106: {  	[tilespmem:$0x1FDE0] =	vst v8;
	v8 =	vld.idx.msk [tilespmem:v15+s2+$0x0], $0xffff;
	v15 =	vadd.s32 $0xE658, v0  }
0x107: {  	v1 =	vadd.f32 v51, v1;
	v51 =	vld [tilespmem:$0x19080];
	[tilespmem:$0x1FE10] =	vst v6;
	v6 =	vadd.s32 $0xD4A0, v0  }
0x108: {  	[tilespmem:$0x1FE00] =	vst v10;
	v10 =	vld.idx.msk [tilespmem:v13+s2+$0x0], $0xffff;
	v13 =	vadd.s32 $0xF810, v0  }
0x109: {  	[tilespmem:$0x1FDF0] =	vst v9;
	v9 =	vld.idx.msk [tilespmem:v12+s2+$0x0], $0xffff  }
0x10a: {  	[tilespmem:$0x1FE20] =	vst v7;
	v7 =	vld.idx.msk [tilespmem:v14+s2+$0x0], $0xffff;
	v14 =	vadd.s32 $0x109C8, v0  }
0x10b: {  	[tilespmem:$0x1FE30] =	vst v8;
	v8 =	vld.idx.msk [tilespmem:v15+s2+$0x0], $0xffff;
	v15 =	vadd.s32 $0x112A4, v0  }
0x10c: {  	v12 =	vadd.s32 $0xEF34, v0;
	v6 =	vld.idx.msk [tilespmem:v6+s2+$0x0], $0xffff  }
0x10d: {  	[tilespmem:$0x1FE50] =	vst v10;
	v10 =	vld.idx.msk [tilespmem:v13+s2+$0x0], $0xffff;
	v13 =	vadd.s32 $0x112F5, v44  }
0x10e: {  	v5 =	vadd.f32 v5, v46;
	v46 =	vld [tilespmem:$0x19D00]  }
0x10f: {  	v14 =	vld.idx.msk [tilespmem:v14+s2+$0x0], $0xffff  }
0x110: {  	v15 =	vld.idx.msk [tilespmem:v15+s2+$0x0], $0xffff  }
0x111: {  	[tilespmem:$0x1FE60] =	vst v6;
	v6 =	vadd.s32 $0x100EC, v0;
	v0 =	vld.idx.msk [tilespmem:v12+s2+$0x0], $0xffff;
	v12 =	vadd.s32 $0x10A19, v44  }
0x112: {  	v11 =	vld.idx.msk [tilespmem:v13+s2+$0x0], $0xffff  }
0x113: {  	[tilespmem:$0x1FE80] =	vst v8;
	v8 =	vld [tilespmem:$0x18880]  }
0x114: {  	[tilespmem:$0x1FE90] =	vst v10;
	v10 =	vld [tilespmem:$0x18900]  }
0x115: {  	[tilespmem:$0x1FE70] =	vst v7;
	v7 =	vld [tilespmem:$0x19800]  }
0x116: {  	[tilespmem:$0x1FE40] =	vst v9;
	v9 =	vld.idx.msk [tilespmem:v12+s2+$0x0], $0xffff  }
0x117: {  	v12 =	vld [tilespmem:$0x18800]  }
0x118: {  	[tilespmem:$0x1FED0] =	vst v11;
	v11 =	vld [tilespmem:$0x19900];
	vm9 =	vgt.f32 v50, v8  }
0x119: {  	[tilespmem:$0x1FEA0] =	vst v14;
	vm10 =	vgt.f32 v49, v10;
	v14 =	vsel vm9, v50, v8;
	v8 =	vld [tilespmem:$0x18A00]  }
0x11a: {  	v50 =	vsel vm10, v49, v10;
	v10 =	vld [tilespmem:$0x18A80]  }
0x11b: {  	v44 =	vld.idx.msk [tilespmem:v6+s2+$0x0], $0xffff  }
0x11c: {  	s15 =	sshll.u32 s14, $0x4;
	[tilespmem:$0x18880] =	vst v14;
	v14 =	vadd.f32 v58, v61;
	v58 =	vld [tilespmem:$0x19C00];
	vm0 =	vgt.f32 v53, v12  }
0x11d: {  	s15 =	sadd.s32 s3, s15;
	[tilespmem:$0x1FEC0] =	vst v9;
	v9 =	vld [tilespmem:$0x19880];
	v6 =	vsel vm0, v53, v12;
	v12 =	vlaneseq.u32  }
0x11e: {  	v53 =	vadd.s32 s15, v12;
	v12 =	vld [tilespmem:$0x18980]  }
0x11f: {  	v13 =	vsel vm0, v53, v7;
	v7 =	vld [tilespmem:$0x19980]  }
0x120: {  	v49 =	vsel vm10, v53, v11;
	v11 =	vld [tilespmem:$0x19A80]  }
0x121: {  	[tilespmem:$0x19800] =	vst v13;
	v13 =	vadd.f32 v59, v60;
	v59 =	vld [tilespmem:$0x18B00]  }
0x122: {  	[tilespmem:$0x19900] =	vst v49;
	v49 =	vld [tilespmem:$0x19B80]  }
0x123: {  	[tilespmem:$0x1FEB0] =	vst v15;
	v15 =	vsel vm9, v53, v9;
	v9 =	vld [tilespmem:$0x19A00]  }
0x124: {  	[tilespmem:$0x19880] =	vst v15;
	v15 =	vadd.f32 v56, v63;
	v56 =	vld [tilespmem:$0x18C00]  }
0x125: {  	vm12 =	vgt.f32 v13, v8;
	v63 =	vadd.f32 v38, v43;
	v38 =	vld [tilespmem:$0x18D00]  }
0x126: {  	vm11 =	vgt.f32 v48, v12;
	v61 =	vsel vm12, v13, v8;
	v8 =	vld [tilespmem:$0x18B80]  }
0x127: {  	v60 =	vsel vm11, v53, v7;
	v7 =	vld [tilespmem:$0x19B00]  }
0x128: {  	[tilespmem:$0x18900] =	vst v50;
	vm13 =	vgt.f32 v14, v10;
	v50 =	vsel vm11, v48, v12;
	v12 =	vld [tilespmem:$0x18F00]  }
0x129: {  	v62 =	vadd.f32 v57, v62;
	v57 =	vsel vm13, v53, v11;
	[tilespmem:$0x19980] =	vst v60;
	v60 =	vld [tilespmem:$0x18C80]  }
0x12a: {  	[tilespmem:$0x19A80] =	vst v57;
	v57 =	vld [tilespmem:$0x19E00]  }
0x12b: {  	[tilespmem:$0x18980] =	vst v50;
	v50 =	vsel vm13, v14, v10;
	vm14 =	vgt.f32 v62, v59;
	v14 =	vld [tilespmem:$0x19F00]  }
0x12c: {  	v48 =	vsel vm12, v53, v9;
	v59 =	vsel vm14, v62, v59;
	v62 =	vld [tilespmem:$0x19C80]  }
0x12d: {  	[tilespmem:$0x19A00] =	vst v48;
	vm4 =	vgt.f32 v4, v56;
	v48 =	vld [tilespmem:$0x18D80]  }
0x12e: {  	[tilespmem:$0x18A80] =	vst v50;
	vm15 =	vgt.f32 v15, v8;
	v50 =	vsel vm4, v53, v58;
	v58 =	vld [tilespmem:$0x1FFD0]  }
0x12f: {  	v43 =	vsel vm15, v53, v49;
	v49 =	vadd.f32 v52, v63;
	v52 =	vld [tilespmem:$0x19D80]  }
0x130: {  	v5 =	vadd.f32 v54, v5;
	v63 =	vld [tilespmem:$0x1FDC0]  }
0x131: {  	v37 =	vsel vm15, v15, v8;
	v15 =	vld [tilespmem:$0x1FDD0]  }
0x132: {  	[tilespmem:$0x18B80] =	vst v37;
	vm5 =	vgt.f32 v5, v60;
	v37 =	vld [tilespmem:$0x18F80]  }
0x133: {  	v4 =	vsel vm4, v4, v56;
	v54 =	vsel vm5, v5, v60;
	v60 =	vld [tilespmem:$0x18E80]  }
0x134: {  	[tilespmem:$0x18A00] =	vst v61;
	v61 =	vsel vm14, v53, v7;
	v56 =	vsel vm5, v53, v62;
	vm6 =	vgt.f32 v49, v38;
	v62 =	vld [tilespmem:$0x19E80]  }
0x135: {  	[tilespmem:$0x19B00] =	vst v61;
	v61 =	vsel vm6, v53, v46;
	v46 =	vld [tilespmem:$0x1FDE0]  }
0x136: {  	[tilespmem:$0x18B00] =	vst v59;
	v59 =	vsel vm6, v49, v38;
	v49 =	vld [tilespmem:$0x1FDF0]  }
0x137: {  	v3 =	vadd.f32 v3, v39;
	[tilespmem:$0x19C80] =	vst v56;
	vm7 =	vgt.f32 v1, v48;
	v56 =	vld [tilespmem:$0x1FE00]  }
0x138: {  	v1 =	vsel vm7, v1, v48;
	v48 =	vld [tilespmem:$0x1A000]  }
0x139: {  	v3 =	vadd.f32 v47, v3;
	v2 =	vadd.f32 v2, v58;
	v58 =	vld [tilespmem:$0x19100]  }
0x13a: {  	[tilespmem:$0x18D00] =	vst v59;
	v59 =	vld [tilespmem:$0x1FF20]  }
0x13b: {  	vm8 =	vgt.f32 v3, v55;
	[tilespmem:$0x19D00] =	vst v61;
	v61 =	vld [tilespmem:$0x1A100]  }
0x13c: {  	v10 =	vadd.f32 v63, v36;
	v36 =	vsel vm8, v3, v55;
	v55 =	vld [tilespmem:$0x1A080]  }
0x13d: {  	v11 =	vadd.f32 v15, v35;
	v15 =	vld [tilespmem:$0x1A180]  }
0x13e: {  	v35 =	vld [tilespmem:$0x1A200]  }
0x13f: {  	v13 =	vsel vm7, v53, v52;
	v2 =	vadd.f32 v45, v2;
	v45 =	vld [tilespmem:$0x19000]  }
0x140: {  	[tilespmem:$0x19D80] =	vst v13;
	v13 =	vld [tilespmem:$0x1FF30]  }
0x141: {  	[tilespmem:$0x18E00] =	vst v36;
	v36 =	vld [tilespmem:$0x1FE30]  }
0x142: {  	v38 =	vadd.f32 v42, v10;
	v42 =	vadd.f32 v41, v11;
	v41 =	vld [tilespmem:$0x1A280]  }
0x143: {  	v11 =	vadd.f32 v49, v32;
	v32 =	vld [tilespmem:$0x1FE20]  }
0x144: {  	vm9 =	vgt.f32 v2, v60;
	v49 =	vld [tilespmem:$0x1FE50]  }
0x145: {  	v8 =	vadd.f32 v46, v34;
	v47 =	vsel vm9, v53, v62;
	vm10 =	vgt.f32 v38, v12;
	v62 =	vld [tilespmem:$0x1FE10]  }
0x146: {  	[tilespmem:$0x19C00] =	vst v50;
	v50 =	vsel vm10, v38, v12;
	v12 =	vld [tilespmem:$0x19180]  }
0x147: {  	v52 =	vadd.f32 v31, v8;
	v31 =	vld [tilespmem:$0x19200]  }
0x148: {  	vm11 =	vgt.f32 v42, v37;
	v38 =	vld [tilespmem:$0x19280]  }
0x149: {  	v39 =	vsel vm8, v53, v57;
	v57 =	vsel vm11, v42, v37;
	v42 =	vld [tilespmem:$0x1FE40]  }
0x14a: {  	[tilespmem:$0x18800] =	vst v6;
	v8 =	vadd.f32 v56, v30;
	v56 =	vld [tilespmem:$0x1FF60]  }
0x14b: {  	[tilespmem:$0x18C00] =	vst v4;
	v10 =	vadd.f32 v59, v11;
	v59 =	vld [tilespmem:$0x1FE60]  }
0x14c: {  	[tilespmem:$0x19B80] =	vst v43;
	vm12 =	vgt.f32 v52, v45;
	v5 =	vadd.f32 v13, v8;
	v13 =	vld [tilespmem:$0x1FF70]  }
0x14d: {  	[tilespmem:$0x19E00] =	vst v39;
	v63 =	vsel vm12, v52, v45;
	v45 =	vld [tilespmem:$0x19300]  }
0x14e: {  	[tilespmem:$0x18C80] =	vst v54;
	v54 =	vsel vm10, v53, v14;
	vm13 =	vgt.f32 v10, v51;
	v14 =	vsel vm12, v53, v48;
	v48 =	vld [tilespmem:$0x1A300]  }
0x14f: {  	[tilespmem:$0x18D80] =	vst v1;
	v43 =	vsel vm9, v2, v60;
	v30 =	vsel vm13, v10, v51;
	v51 =	vld [tilespmem:$0x19380]  }
0x150: {  	[tilespmem:$0x18E80] =	vst v43;
	v52 =	vld [tilespmem:$0x1FF50]  }
0x151: {  	[tilespmem:$0x19E80] =	vst v47;
	v34 =	vsel vm13, v53, v55;
	v55 =	vld [tilespmem:$0x1A380]  }
0x152: {  	[tilespmem:$0x18F00] =	vst v50;
	v10 =	vadd.f32 v32, v27;
	v27 =	vld [tilespmem:$0x1A500]  }
0x153: {  	[tilespmem:$0x19F00] =	vst v54;
	v32 =	vld [tilespmem:$0x1A580]  }
0x154: {  	v60 =	vsel vm11, v53, v40;
	[tilespmem:$0x18F80] =	vst v57;
	v11 =	vadd.f32 v62, v28;
	v28 =	vld [tilespmem:$0x1FF40]  }
0x155: {  	[tilespmem:$0x19F80] =	vst v60;
	v62 =	vld [tilespmem:$0x1FE70]  }
0x156: {  	[tilespmem:$0x19080] =	vst v30;
	vm14 =	vgt.f32 v5, v58;
	v30 =	vld [tilespmem:$0x1FF90]  }
0x157: {  	[tilespmem:$0x19000] =	vst v63;
	v37 =	vsel vm14, v5, v58;
	v58 =	vld [tilespmem:$0x19400]  }
0x158: {  	[tilespmem:$0x1A000] =	vst v14;
	v39 =	vadd.f32 v33, v10;
	v40 =	vsel vm14, v53, v61;
	v10 =	vadd.f32 v42, v25;
	v61 =	vld [tilespmem:$0x1A400]  }
0x159: {  	[tilespmem:$0x1A080] =	vst v34;
	v25 =	vld [tilespmem:$0x1FF80]  }
0x15a: {  	v33 =	vld [tilespmem:$0x1FFA0];
	[tilespmem:$0x19100] =	vst v37;
	vm4 =	vgt.f32 v39, v31;
	v5 =	vadd.f32 v52, v10  }
0x15b: {  	v42 =	vld [tilespmem:$0x1FFB0];
	[tilespmem:$0x1A100] =	vst v40;
	v50 =	vsel vm4, v39, v31;
	v9 =	vadd.f32 v28, v11  }
0x15c: {  	v54 =	vsel vm4, v53, v35;
	v35 =	vld [tilespmem:$0x19600];
	v11 =	vadd.f32 v36, v26;
	[tilespmem:$0x19200] =	vst v50;
	vm6 =	vgt.f32 v5, v45  }
0x15d: {  	v39 =	vadd.f32 v44, v18;
	v44 =	vld [tilespmem:$0x1A680];
	[tilespmem:$0x1A200] =	vst v54;
	vm15 =	vgt.f32 v9, v12;
	v63 =	vsel vm6, v5, v45  }
0x15e: {  	v36 =	vld [tilespmem:$0x1FE90];
	v46 =	vadd.f32 v29, v11;
	v11 =	vadd.f32 v49, v24;
	v14 =	vsel vm6, v53, v48;
	[tilespmem:$0x19300] =	vst v63  }
0x15f: {  	v50 =	vld [tilespmem:$0x1FEB0];
	v43 =	vsel vm15, v9, v12;
	v47 =	vsel vm15, v53, v15;
	[tilespmem:$0x1A300] =	vst v14  }
0x160: {  	v29 =	vld [tilespmem:$0x19580];
	v9 =	vadd.f32 v59, v23;
	[tilespmem:$0x19180] =	vst v43;
	vm5 =	vgt.f32 v46, v38;
	v10 =	vadd.f32 v56, v11  }
0x161: {  	v0 =	vadd.f32 v0, v20;
	v12 =	vld [tilespmem:$0x19480];
	[tilespmem:$0x1A180] =	vst v47;
	v11 =	vadd.f32 v62, v22;
	v57 =	vsel vm5, v46, v38  }
0x162: {  	v22 =	vld [tilespmem:$0x1FE80];
	v60 =	vsel vm5, v53, v41;
	v5 =	vadd.f32 v13, v9;
	[tilespmem:$0x19280] =	vst v57;
	vm7 =	vgt.f32 v10, v51  }
0x163: {  	v47 =	vld [tilespmem:$0x1FFC0];
	[tilespmem:$0x1A280] =	vst v60;
	v23 =	vsel vm7, v10, v51  }
0x164: {  	v0 =	vadd.f32 v33, v0;
	v15 =	vld [tilespmem:$0x1A480];
	v26 =	vsel vm7, v53, v55;
	vm8 =	vgt.f32 v5, v58;
	[tilespmem:$0x19380] =	vst v23  }
0x165: {  	v41 =	vld [tilespmem:$0x19680];
	[tilespmem:$0x1A380] =	vst v26;
	v28 =	vsel vm8, v5, v58  }
0x166: {  	v24 =	vld [tilespmem:$0x19500];
	v10 =	vadd.f32 v25, v11;
	vm11 =	vgt.f32 v0, v29;
	v31 =	vsel vm8, v53, v61;
	[tilespmem:$0x19400] =	vst v28  }
0x167: {  	v0 =	vsel vm11, v0, v29;
	v48 =	vsel vm11, v53, v32;
	v58 =	vld [tilespmem:$0x1FED0];
	[tilespmem:$0x1A400] =	vst v31  }
0x168: {  	v52 =	vld [tilespmem:$0x19780];
	v9 =	vadd.f32 v22, v21;
	vm9 =	vgt.f32 v10, v12;
	v3 =	vadd.f32 v47, v39;
	[tilespmem:$0x19580] =	vst v0  }
0x169: {  	v45 =	vld [tilespmem:$0x1FEA0];
	[tilespmem:$0x1A580] =	vst v48;
	v34 =	vsel vm9, v10, v12;
	v37 =	vsel vm9, v53, v15  }
0x16a: {  	v54 =	vld [tilespmem:$0x1FEC0];
	v10 =	vadd.f32 v50, v16;
	v5 =	vadd.f32 v30, v9;
	[tilespmem:$0x19480] =	vst v34;
	vm13 =	vgt.f32 v3, v41  }
0x16b: {  	v57 =	vld [tilespmem:$0x1A780];
	v9 =	vadd.f32 v36, v19;
	[tilespmem:$0x1A480] =	vst v37;
	v56 =	vsel vm13, v3, v41  }
0x16c: {  	v38 =	vld [tilespmem:$0x1A600];
	v59 =	vsel vm13, v53, v44;
	vm10 =	vgt.f32 v5, v24;
	v4 =	vadd.f32 v58, v10;
	[tilespmem:$0x19680] =	vst v56  }
0x16d: {  	v46 =	vld [tilespmem:$0x19700];
	[tilespmem:$0x1A680] =	vst v59;
	v40 =	vsel vm10, v5, v24;
	v5 =	vadd.f32 v42, v9  }
0x16e: {  	v43 =	vsel vm10, v53, v27;
	v9 =	vadd.f32 v45, v17;
	[tilespmem:$0x19500] =	vst v40;
	vm15 =	vgt.f32 v4, v52  }
0x16f: {  	s14 =	sadd.s32 $0x1, s14;
	v49 =	vld [tilespmem:$0x1A700];
	[tilespmem:$0x1A500] =	vst v43;
	vm12 =	vgt.f32 v5, v35;
	v62 =	vsel vm15, v4, v52  }
0x170: {  	p0 =	sne.s32 s14, $0x3E;
	v63 =	vsel vm15, v53, v57;
	v51 =	vsel vm12, v5, v35;
	v5 =	vadd.f32 v54, v9;
	[tilespmem:$0x19780] =	vst v62  }
.Ltmp1:
0x171: {  	[tilespmem:$0x1A780] =	vst v63;
	(pc) =	sbr.rel @p0 .LBB2_2-.Ltmp1, $4  }
0x172: {  	v55 =	vsel vm12, v53, v38;
	[tilespmem:$0x19600] =	vst v51;
	vm14 =	vgt.f32 v5, v46  }
0x173: {  	[tilespmem:$0x1A600] =	vst v55;
	v60 =	vsel vm14, v5, v46  }
0x174: {  	v61 =	vsel vm14, v53, v49;
	[tilespmem:$0x19700] =	vst v60  }
0x175: {  	[tilespmem:$0x1A700] =	vst v61  }
0x176: {  	[hbm4b:s6+s2] =	stream.linear.scatter [tilespmem:s11], [sflag:$0x1], $0x1000, $0x38;
	[tilespmem:$0x1A800] =	vst v63  }
0x177: {  	s13 =	sadd.s32 $0x1, s13;
	_ =	swait.ge [sflag:s9], $0x1000  }
0x178: {  	p0 =	sne.s32 s13, s8;
	[sflag:s9] =	ssyncset.done $0x0  }
.Ltmp2:
0x179: {  	[sflag:s9] =	ssyncadd.s32 $0xFFFFF000;
	(pc) =	sbr.rel @p0 .LBB2_1-.Ltmp2, $4  }
0x17a: {  	[hbm4b:s7+s2] =	stream.linear.scatter [tilespmem:s12], [sflag:$0x1], $0x1000, $0x38;
	[tilespmem:$0x1A800] =	vst v63  }
0x17b: {  	_ =	swait.ge [sflag:s9], $0x1000  }
0x17c: {  	[sflag:s9] =	ssyncset.done $0x0  }
0x17d: {  	[sflag:s9] =	ssyncadd.s32 $0xFFFFF000  }
0x17e: {  	_ =	sfence.sel $0x180000  }
0x17f: {  	[bflag:$0x0] =	sbarrier.arrive $0xFFFF  }
0x180: {  	p0 =	sne.s32 s0, $0x0;
	_ =	strace $0x90000047  }
0x181: {  	s0 =	sadd.s32 @!p0 $0x100000, s1;
	[bflag:$0x2] =	sbarrier.arrive $0xFFFF  }
0x182: {  	[sflag:s0] =	ssyncadd.tile.s32 @!p0 $0x1;
	_ =	shalt  }
.Lfunc_end2:
_tile_overlayer_lowered:
.L_overlay_start_2:
0x183: {  	(tag) =	ssettag $0x2  }
0x184: {  	s0 =	rddreg [dreg:$0x0];
	s2 =	stileid.u32  }
0x185: {  	s1 =	rddreg [dreg:$0x1];
	p0 =	sne.s32 s2, $0x0  }
0x186: {  	s3 =	rddreg [dreg:$0x2];
	[bflag:$0x3] =	sbarrier.arrive $0xFFFF;
	s2 =	simm.s32 @!p0 $0x1C01  }
0x187: {  	[timem:s3], [sflag:s2] =	dma.local @!p0 [hbm:s0], s1  }
0x188: {  	s0 =	simm.s32 @!p0 $0x1  }
0x189: {  	_ =	swait.ge @!p0 [sflag:s0], s1  }
0x18a: {  	s1 =	ssub.s32 @!p0 $0x0, s1;
	[sflag:s0] =	ssyncset.done @!p0 $0x0  }
0x18b: {  	[sflag:s0] =	ssyncadd.s32 @!p0 s1  }
0x18c: {  	[bflag:$0x3] =	sbarrier.arrive $0xFFFF  }
0x18d: {  	_ =	shalt  }

</sc_bundles>
